<compile_context>
chip_gen: v7x
topology: tpu7x:2x2x1
jax: 0.10.2.dev20260603
libtpu: 0.0.44.dev20260713+nightly
codegen_flags: <defaults>
</compile_context>

<pallas_src>
import functools

import jax
import jax.numpy as jnp
from jax import lax
from jax.experimental import pallas as pl
from jax.experimental.pallas import tpu as pltpu
from jax.experimental.pallas import tpu_sc as plsc

_NC = 2
_NS = 16
_NW = _NC * _NS
_SUB = 128
_G = 4


def _pick_g(per_w):
    for g in (4, 2):
        if per_w % g == 0 and (per_w // g) % 2 == 0:
            return g, True
    for g in (8, 5, 4, 2, 1):
        if per_w % g == 0:
            return g, False
    raise ValueError(per_w)


def _sc_gather3(idx0, idx1, idx2, tab0, tab1, tab2):
    n_sub = idx0.shape[0]
    d0, d1, d2 = tab0.shape[1], tab1.shape[1], tab2.shape[1]
    per_w = n_sub // _NW
    _G, pipelined = _pick_g(per_w)
    n_grp = per_w // _G
    n_pair = n_grp // 2
    n_sets = 2 if pipelined else 1
    mesh = plsc.VectorSubcoreMesh(core_axis_name="c", subcore_axis_name="s")

    buf_set = [
        pltpu.VMEM((_G, _SUB), jnp.int32),
        pltpu.VMEM((_G, _SUB), jnp.int32),
        pltpu.VMEM((_G, _SUB), jnp.int32),
        pltpu.VMEM((_G * _SUB, d0), tab0.dtype),
        pltpu.VMEM((_G * _SUB, d1), tab1.dtype),
        pltpu.VMEM((_G * _SUB, d2), tab2.dtype),
        pltpu.SemaphoreType.DMA,
        pltpu.SemaphoreType.DMA,
        pltpu.SemaphoreType.DMA,
    ]

    @functools.partial(
        pl.kernel,
        out_type=jax.ShapeDtypeStruct((n_sub * _SUB, 128), tab0.dtype),
        mesh=mesh,
        scratch_types=buf_set * n_sets,
        compiler_params=pltpu.CompilerParams(use_tc_tiling_on_sc=False),
    )
    def k(i0_hbm, i1_hbm, i2_hbm, t0_hbm, t1_hbm, t2_hbm, o_hbm, *scratch):
        set_a, set_b = scratch[:9], scratch[9:] if pipelined else scratch[:9]
        wid = lax.axis_index("s") * _NC + lax.axis_index("c")
        tabs = (t0_hbm, t1_hbm, t2_hbm)
        idx_hbms = (i0_hbm, i1_hbm, i2_hbm)
        lane_off = (0, d0, d0 + d1)

        def s1(g, S):
            ivs, rvs, isem, gsem = S[0:3], S[3:6], S[6], S[7]
            base_sub = wid * per_w + g * _G
            for c in [pltpu.async_copy(ih.at[pl.ds(base_sub, _G)], iv, isem)
                      for ih, iv in zip(idx_hbms, ivs)]:
                c.wait()
            for j in range(_G):
                sl = pl.ds(j * _SUB, _SUB)
                for t, iv, rv in zip(tabs, ivs, rvs):
                    pltpu.async_copy(t.at[iv.at[j]], rv.at[sl], gsem)

        def s2(g, S):
            ivs, rvs, gsem, wsem = S[0:3], S[3:6], S[7], S[8]
            for j in range(_G):
                sl = pl.ds(j * _SUB, _SUB)
                for t, iv, rv in zip(tabs, ivs, rvs):
                    pltpu.make_async_copy(t.at[iv.at[j]], rv.at[sl], gsem).wait()
            rows = pl.ds((wid * per_w + g * _G) * _SUB, _G * _SUB)
            for rv, off, d in zip(rvs, lane_off, (d0, d1, d2)):
                pltpu.async_copy(rv, o_hbm.at[rows, pl.ds(off, d)], wsem)

        def s3(S):
            rvs, wsem = S[3:6], S[8]
            rows = pl.ds(0, _G * _SUB)
            for rv, off, d in zip(rvs, lane_off, (d0, d1, d2)):
                pltpu.make_async_copy(rv, o_hbm.at[rows, pl.ds(off, d)], wsem).wait()

        if pipelined:
            s1(0, set_a)
            s1(1, set_b)

            def body(p, carry):
                g = 2 * p
                s2(g, set_a)
                s2(g + 1, set_b)
                s3(set_a)
                s1(g + 2, set_a)
                s3(set_b)
                s1(g + 3, set_b)
                return carry

            lax.fori_loop(0, n_pair - 1, body, 0)
            s2(n_grp - 2, set_a)
            s2(n_grp - 1, set_b)
            s3(set_a)
            s3(set_b)
        else:
            def body(g, carry):
                s1(g, set_a)
                s2(g, set_a)
                s3(set_a)
                return carry

            lax.fori_loop(0, n_grp, body, 0)

    return k(idx0, idx1, idx2, tab0, tab1, tab2)


def _tc_body(comb_ref, w_ref, b_ref, o_ref, *, d_valid):
    x = comb_ref[...]
    lanes = lax.broadcasted_iota(jnp.int32, x.shape, 1)
    x = jnp.where(lanes < d_valid, x, 0.0)
    o_ref[...] = jnp.dot(x, w_ref[...],
                         preferred_element_type=jnp.float32) + b_ref[...]


def _tc_chunk_body(comb_ref, w_ref, b_ref, o_ref, *, d_valid):
    _tc_body(comb_ref, w_ref, b_ref, o_ref, d_valid=d_valid)


def _tc_chunk_body_alias(prev_ref, comb_ref, w_ref, b_ref, o_ref, *, d_valid):
    del prev_ref
    _tc_body(comb_ref, w_ref, b_ref, o_ref, d_valid=d_valid)


def _tc_combine_chunk(comb, w_pad, b, d_valid, n, chunk, prev_out):
    n_c = comb.shape[0]
    bs = 16384
    while n_c % bs:
        bs //= 2
    spc = n_c // bs
    blk = lambda i: (i, 0)
    out_blk = lambda i: (i + chunk * spc, 0)
    full = lambda i: (0, 0)
    d_out = w_pad.shape[1]
    out_shape = jax.ShapeDtypeStruct((n, d_out), jnp.float32)
    specs = [
        pl.BlockSpec((bs, comb.shape[1]), blk),
        pl.BlockSpec(w_pad.shape, full),
        pl.BlockSpec((1, d_out), full),
    ]
    body = functools.partial(_tc_body, d_valid=d_valid)
    if prev_out is None:
        return pl.pallas_call(
            body,
            grid=(spc,),
            in_specs=specs,
            out_specs=pl.BlockSpec((bs, d_out), out_blk),
            out_shape=out_shape,
        )(comb, w_pad, b)
    return pl.pallas_call(
        functools.partial(_tc_chunk_body_alias, d_valid=d_valid),
        grid=(spc,),
        in_specs=[pl.BlockSpec((8, d_out), full)] + specs,
        out_specs=pl.BlockSpec((bs, d_out), out_blk),
        out_shape=out_shape,
        input_output_aliases={0: 0},
    )(prev_out, comb, w_pad, b)


def kernel(card_ids, mana_costs, card_types, powers, toughnesses,
           card_table, mana_table, type_table, power_table, tough_table, W, b):
    bsz, seq = card_ids.shape
    n = bsz * seq
    n_mana = mana_table.shape[0]
    n_type = type_table.shape[0]
    n_pow = power_table.shape[0]
    n_tgh = tough_table.shape[0]

    mt_tab = jnp.concatenate(
        [jnp.repeat(mana_table, n_type, axis=0), jnp.tile(type_table, (n_mana, 1))],
        axis=1)
    pt_tab = jnp.concatenate(
        [jnp.repeat(power_table, n_tgh, axis=0), jnp.tile(tough_table, (n_pow, 1))],
        axis=1)

    to2d = lambda a: a.reshape(n // _SUB, _SUB).astype(jnp.int32)
    card_idx = to2d(card_ids)
    mt_idx = to2d(mana_costs * n_type + card_types)
    pt_idx = to2d(powers * n_tgh + toughnesses)

    w_pad = jnp.concatenate(
        [W, jnp.zeros((128 - W.shape[0], W.shape[1]), W.dtype)], axis=0)
    b2 = b.reshape(1, -1)

    n_chunks = 1
    n_sub_c = (n // _SUB) // n_chunks
    out = None
    for c in range(n_chunks):
        sl = slice(c * n_sub_c, (c + 1) * n_sub_c)
        comb_c = _sc_gather3(card_idx[sl], mt_idx[sl], pt_idx[sl],
                             card_table, mt_tab, pt_tab)
        out = _tc_combine_chunk(comb_c, w_pad, b2, W.shape[0], n, c, out)
    return out.reshape(bsz, seq, W.shape[1])

# --- scband reference (transcript-rebuilt; emitter-appended) ---
"""Pipeline reference for scband-card-embedding-53309134078153 (READ-ONLY COPY).

The authoritative reference and input builder live on the scoring server;
editing this copy changes nothing except your own understanding.
"""

import jax, jax.numpy as jnp
import numpy as np

B, L = 4096, 200
VOCAB = 100000
EMBED_DIM = 128
MAX_MANA = 20
NUM_TYPES = 100
MAX_PT = 20
D_CARD = EMBED_DIM // 2      # 64
D_MANA = EMBED_DIM // 8      # 16
D_TYPE = EMBED_DIM // 8      # 16
D_PT = EMBED_DIM // 16       # 8
D_CAT = D_CARD + D_MANA + D_TYPE + 2 * D_PT  # 112


def setup_inputs(seed: int = 0) -> dict:
    key = jax.random.key(seed)
    ks = jax.random.split(key, 12)
    card_ids = jax.random.randint(ks[0], (B, L), 0, VOCAB)
    mana_costs = jax.random.randint(ks[1], (B, L), 0, MAX_MANA + 1)
    card_types = jax.random.randint(ks[2], (B, L), 0, NUM_TYPES)
    powers = jax.random.randint(ks[3], (B, L), 0, MAX_PT + 1)
    toughnesses = jax.random.randint(ks[4], (B, L), 0, MAX_PT + 1)
    card_table = jax.random.normal(ks[5], (VOCAB, D_CARD), dtype=jnp.float32)
    mana_table = jax.random.normal(ks[6], (MAX_MANA + 1, D_MANA), dtype=jnp.float32)
    type_table = jax.random.normal(ks[7], (NUM_TYPES, D_TYPE), dtype=jnp.float32)
    power_table = jax.random.normal(ks[8], (MAX_PT + 1, D_PT), dtype=jnp.float32)
    tough_table = jax.random.normal(ks[9], (MAX_PT + 1, D_PT), dtype=jnp.float32)
    W = jax.random.normal(ks[10], (D_CAT, EMBED_DIM), dtype=jnp.float32) * (1.0 / np.sqrt(D_CAT))
    b = jnp.zeros((EMBED_DIM,), dtype=jnp.float32)
    return {
        'card_ids': card_ids, 'mana_costs': mana_costs, 'card_types': card_types,
        'powers': powers, 'toughnesses': toughnesses,
        'card_table': card_table, 'mana_table': mana_table, 'type_table': type_table,
        'power_table': power_table, 'tough_table': tough_table, 'W': W, 'b': b,
    }


def reference(card_ids, mana_costs, card_types, powers, toughnesses,
              card_table, mana_table, type_table, power_table, tough_table, W, b):
    card_emb = jnp.take(card_table, card_ids, axis=0)
    mana_emb = jnp.take(mana_table, mana_costs, axis=0)
    type_emb = jnp.take(type_table, card_types, axis=0)
    power_emb = jnp.take(power_table, powers, axis=0)
    tough_emb = jnp.take(tough_table, toughnesses, axis=0)
    combined = jnp.concatenate([card_emb, mana_emb, type_emb, power_emb, tough_emb], axis=-1)
    return jnp.dot(combined, W) + b

if __name__ == "__main__":
    import jax
    _d = setup_inputs()
    print(jax.jit(kernel)(*tuple(_d.values())))

</pallas_src>

<mosaic_0001>
#map = affine_map<(d0, d1) -> (0, 0)>
module attributes {stable_mosaic.version = 14 : i64} {
  func.func @k(%arg0: i32, %arg1: i32, %arg2: memref<6400x128xi32, #tpu.memory_space<hbm>>, %arg3: memref<6400x128xi32, #tpu.memory_space<hbm>>, %arg4: memref<6400x128xi32, #tpu.memory_space<hbm>>, %arg5: memref<100000x64xf32, #tpu.memory_space<hbm>>, %arg6: memref<2100x32xf32, #tpu.memory_space<hbm>>, %arg7: memref<441x16xf32, #tpu.memory_space<hbm>>, %arg8: memref<819200x128xf32, #tpu.memory_space<hbm>>, %arg9: memref<4x128xi32, #tpu.memory_space<vmem>>, %arg10: memref<4x128xi32, #tpu.memory_space<vmem>>, %arg11: memref<4x128xi32, #tpu.memory_space<vmem>>, %arg12: memref<512x64xf32, #tpu.memory_space<vmem>>, %arg13: memref<512x32xf32, #tpu.memory_space<vmem>>, %arg14: memref<512x16xf32, #tpu.memory_space<vmem>>, %arg15: memref<!tpu.dma_semaphore, #tpu.memory_space<semaphore_mem>>, %arg16: memref<!tpu.dma_semaphore, #tpu.memory_space<semaphore_mem>>, %arg17: memref<!tpu.dma_semaphore, #tpu.memory_space<semaphore_mem>>, %arg18: memref<4x128xi32, #tpu.memory_space<vmem>>, %arg19: memref<4x128xi32, #tpu.memory_space<vmem>>, %arg20: memref<4x128xi32, #tpu.memory_space<vmem>>, %arg21: memref<512x64xf32, #tpu.memory_space<vmem>>, %arg22: memref<512x32xf32, #tpu.memory_space<vmem>>, %arg23: memref<512x16xf32, #tpu.memory_space<vmem>>, %arg24: memref<!tpu.dma_semaphore, #tpu.memory_space<semaphore_mem>>, %arg25: memref<!tpu.dma_semaphore, #tpu.memory_space<semaphore_mem>>, %arg26: memref<!tpu.dma_semaphore, #tpu.memory_space<semaphore_mem>>) attributes {dimension_semantics = [#tpu.dimension_semantics<core_parallel>, #tpu.dimension_semantics<subcore_parallel>], iteration_bounds = array<i64: 2, 16>, scalar_prefetch = 0 : i64, scratch_operands = 18 : i64, tpu.core_type = #tpu.core_type<sc_vector_subcore>, window_params = [{transform_indices = #map}, {transform_indices = #map}, {transform_indices = #map}, {transform_indices = #map}, {transform_indices = #map}, {transform_indices = #map}, {transform_indices = #map}]} {
    %mul3A = arith.constant 2 : i32
    %mul3A_0 = arith.muli %arg1, %mul3A : i32
    %add3A = arith.addi %mul3A_0, %arg0 : i32
    %mul3A_1 = arith.constant 200 : i32
    %mul3A_2 = arith.muli %add3A, %mul3A_1 : i32
    %add3A_3 = arith.constant 0 : i32
    %add3A_4 = arith.addi %mul3A_2, %add3A_3 : i32
    %dma_start3A = arith.constant 0 : i32
    %dma_start3A_5 = tpu.memref_slice %arg2[%add3A_4, %dma_start3A] : memref<6400x128xi32, #tpu.memory_space<hbm>> -> memref<4x128xi32, #tpu.memory_space<hbm>>
    %dma_start3A_6 = arith.constant 0 : i32
    %dma_start3A_7 = tpu.memref_slice %arg2[%add3A_4, %dma_start3A_6] : memref<6400x128xi32, #tpu.memory_space<hbm>> -> memref<4x128xi32, #tpu.memory_space<hbm>>
    tpu.enqueue_dma source(%dma_start3A_7 : memref<4x128xi32, #tpu.memory_space<hbm>>) target(%arg9 : memref<4x128xi32, #tpu.memory_space<vmem>>) target_semaphore(%arg15 : memref<!tpu.dma_semaphore, #tpu.memory_space<semaphore_mem>>)
    %dma_start3A_8 = arith.constant 0 : i32
    %dma_start3A_9 = tpu.memref_slice %arg3[%add3A_4, %dma_start3A_8] : memref<6400x128xi32, #tpu.memory_space<hbm>> -> memref<4x128xi32, #tpu.memory_space<hbm>>
    %dma_start3A_10 = arith.constant 0 : i32
    %dma_start3A_11 = tpu.memref_slice %arg3[%add3A_4, %dma_start3A_10] : memref<6400x128xi32, #tpu.memory_space<hbm>> -> memref<4x128xi32, #tpu.memory_space<hbm>>
    tpu.enqueue_dma source(%dma_start3A_11 : memref<4x128xi32, #tpu.memory_space<hbm>>) target(%arg10 : memref<4x128xi32, #tpu.memory_space<vmem>>) target_semaphore(%arg15 : memref<!tpu.dma_semaphore, #tpu.memory_space<semaphore_mem>>)
    %dma_start3A_12 = arith.constant 0 : i32
    %dma_start3A_13 = tpu.memref_slice %arg4[%add3A_4, %dma_start3A_12] : memref<6400x128xi32, #tpu.memory_space<hbm>> -> memref<4x128xi32, #tpu.memory_space<hbm>>
    %dma_start3A_14 = arith.constant 0 : i32
    %dma_start3A_15 = tpu.memref_slice %arg4[%add3A_4, %dma_start3A_14] : memref<6400x128xi32, #tpu.memory_space<hbm>> -> memref<4x128xi32, #tpu.memory_space<hbm>>
    tpu.enqueue_dma source(%dma_start3A_15 : memref<4x128xi32, #tpu.memory_space<hbm>>) target(%arg11 : memref<4x128xi32, #tpu.memory_space<vmem>>) target_semaphore(%arg15 : memref<!tpu.dma_semaphore, #tpu.memory_space<semaphore_mem>>)
    %dma_wait3A = arith.constant 0 : i32
    %dma_wait3A_16 = tpu.memref_slice %arg2[%add3A_4, %dma_wait3A] : memref<6400x128xi32, #tpu.memory_space<hbm>> -> memref<4x128xi32, #tpu.memory_space<hbm>>
    %dma_wait3A_17 = arith.constant 0 : i32
    %dma_wait3A_18 = tpu.memref_slice %arg2[%add3A_4, %dma_wait3A_17] : memref<6400x128xi32, #tpu.memory_space<hbm>> -> memref<4x128xi32, #tpu.memory_space<hbm>>
    tpu.wait_dma2 semaphore(%arg15 : memref<!tpu.dma_semaphore, #tpu.memory_space<semaphore_mem>>) src(%dma_wait3A_18 : memref<4x128xi32, #tpu.memory_space<hbm>>) dst(%arg9 : memref<4x128xi32, #tpu.memory_space<vmem>>)
    %dma_wait3A_19 = arith.constant 0 : i32
    %dma_wait3A_20 = tpu.memref_slice %arg3[%add3A_4, %dma_wait3A_19] : memref<6400x128xi32, #tpu.memory_space<hbm>> -> memref<4x128xi32, #tpu.memory_space<hbm>>
    %dma_wait3A_21 = arith.constant 0 : i32
    %dma_wait3A_22 = tpu.memref_slice %arg3[%add3A_4, %dma_wait3A_21] : memref<6400x128xi32, #tpu.memory_space<hbm>> -> memref<4x128xi32, #tpu.memory_space<hbm>>
    tpu.wait_dma2 semaphore(%arg15 : memref<!tpu.dma_semaphore, #tpu.memory_space<semaphore_mem>>) src(%dma_wait3A_22 : memref<4x128xi32, #tpu.memory_space<hbm>>) dst(%arg10 : memref<4x128xi32, #tpu.memory_space<vmem>>)
    %dma_wait3A_23 = arith.constant 0 : i32
    %dma_wait3A_24 = tpu.memref_slice %arg4[%add3A_4, %dma_wait3A_23] : memref<6400x128xi32, #tpu.memory_space<hbm>> -> memref<4x128xi32, #tpu.memory_space<hbm>>
    %dma_wait3A_25 = arith.constant 0 : i32
    %dma_wait3A_26 = tpu.memref_slice %arg4[%add3A_4, %dma_wait3A_25] : memref<6400x128xi32, #tpu.memory_space<hbm>> -> memref<4x128xi32, #tpu.memory_space<hbm>>
    tpu.wait_dma2 semaphore(%arg15 : memref<!tpu.dma_semaphore, #tpu.memory_space<semaphore_mem>>) src(%dma_wait3A_26 : memref<4x128xi32, #tpu.memory_space<hbm>>) dst(%arg11 : memref<4x128xi32, #tpu.memory_space<vmem>>)
    %dma_start3A_27 = arith.constant 0 : i32
    %dma_start3A_28 = arith.constant 0 : i32
    %dma_start3A_29 = arith.constant 0 : i32
    %dma_start3A_30 = tpu.memref_slice %arg12[%dma_start3A_28, %dma_start3A_29] : memref<512x64xf32, #tpu.memory_space<vmem>> -> memref<128x64xf32, #tpu.memory_space<vmem>>
    %dma_start3A_31 = arith.constant 0 : i32
    %dma_start3A_32 = tpu.memref_slice %arg9[%dma_start3A_27, %dma_start3A_31] : memref<4x128xi32, #tpu.memory_space<vmem>> -> memref<1x128xi32, #tpu.memory_space<vmem>>
    %dma_start3A_33 = tpu.memref_squeeze %dma_start3A_32 : memref<1x128xi32, #tpu.memory_space<vmem>> -> memref<128xi32, #tpu.memory_space<vmem>>
    %dma_start3A_34 = arith.constant 0 : i32
    %dma_start3A_35 = arith.constant 0 : i32
    %dma_start3A_36 = tpu.memref_slice %arg5[%dma_start3A_34, %dma_start3A_35] : memref<100000x64xf32, #tpu.memory_space<hbm>> -> memref<100000x64xf32, #tpu.memory_space<hbm>>
    tpu.enqueue_indirect_dma source(%dma_start3A_36 : memref<100000x64xf32, #tpu.memory_space<hbm>>) target(%dma_start3A_30 : memref<128x64xf32, #tpu.memory_space<vmem>>) offsets(%dma_start3A_33 : memref<128xi32, #tpu.memory_space<vmem>>) semaphore(%arg16 : memref<!tpu.dma_semaphore, #tpu.memory_space<semaphore_mem>>)
    %dma_start3A_37 = arith.constant 0 : i32
    %dma_start3A_38 = arith.constant 0 : i32
    %dma_start3A_39 = arith.constant 0 : i32
    %dma_start3A_40 = tpu.memref_slice %arg13[%dma_start3A_38, %dma_start3A_39] : memref<512x32xf32, #tpu.memory_space<vmem>> -> memref<128x32xf32, #tpu.memory_space<vmem>>
    %dma_start3A_41 = arith.constant 0 : i32
    %dma_start3A_42 = tpu.memref_slice %arg10[%dma_start3A_37, %dma_start3A_41] : memref<4x128xi32, #tpu.memory_space<vmem>> -> memref<1x128xi32, #tpu.memory_space<vmem>>
    %dma_start3A_43 = tpu.memref_squeeze %dma_start3A_42 : memref<1x128xi32, #tpu.memory_space<vmem>> -> memref<128xi32, #tpu.memory_space<vmem>>
    %dma_start3A_44 = arith.constant 0 : i32
    %dma_start3A_45 = arith.constant 0 : i32
    %dma_start3A_46 = tpu.memref_slice %arg6[%dma_start3A_44, %dma_start3A_45] : memref<2100x32xf32, #tpu.memory_space<hbm>> -> memref<2100x32xf32, #tpu.memory_space<hbm>>
    tpu.enqueue_indirect_dma source(%dma_start3A_46 : memref<2100x32xf32, #tpu.memory_space<hbm>>) target(%dma_start3A_40 : memref<128x32xf32, #tpu.memory_space<vmem>>) offsets(%dma_start3A_43 : memref<128xi32, #tpu.memory_space<vmem>>) semaphore(%arg16 : memref<!tpu.dma_semaphore, #tpu.memory_space<semaphore_mem>>)
    %dma_start3A_47 = arith.constant 0 : i32
    %dma_start3A_48 = arith.constant 0 : i32
    %dma_start3A_49 = arith.constant 0 : i32
    %dma_start3A_50 = tpu.memref_slice %arg14[%dma_start3A_48, %dma_start3A_49] : memref<512x16xf32, #tpu.memory_space<vmem>> -> memref<128x16xf32, #tpu.memory_space<vmem>>
    %dma_start3A_51 = arith.constant 0 : i32
    %dma_start3A_52 = tpu.memref_slice %arg11[%dma_start3A_47, %dma_start3A_51] : memref<4x128xi32, #tpu.memory_space<vmem>> -> memref<1x128xi32, #tpu.memory_space<vmem>>
    %dma_start3A_53 = tpu.memref_squeeze %dma_start3A_52 : memref<1x128xi32, #tpu.memory_space<vmem>> -> memref<128xi32, #tpu.memory_space<vmem>>
    %dma_start3A_54 = arith.constant 0 : i32
    %dma_start3A_55 = arith.constant 0 : i32
    %dma_start3A_56 = tpu.memref_slice %arg7[%dma_start3A_54, %dma_start3A_55] : memref<441x16xf32, #tpu.memory_space<hbm>> -> memref<441x16xf32, #tpu.memory_space<hbm>>
    tpu.enqueue_indirect_dma source(%dma_start3A_56 : memref<441x16xf32, #tpu.memory_space<hbm>>) target(%dma_start3A_50 : memref<128x16xf32, #tpu.memory_space<vmem>>) offsets(%dma_start3A_53 : memref<128xi32, #tpu.memory_space<vmem>>) semaphore(%arg16 : memref<!tpu.dma_semaphore, #tpu.memory_space<semaphore_mem>>)
    %dma_start3A_57 = arith.constant 1 : i32
    %dma_start3A_58 = arith.constant 128 : i32
    %dma_start3A_59 = arith.constant 0 : i32
    %dma_start3A_60 = tpu.memref_slice %arg12[%dma_start3A_58, %dma_start3A_59] : memref<512x64xf32, #tpu.memory_space<vmem>> -> memref<128x64xf32, #tpu.memory_space<vmem>>
    %dma_start3A_61 = arith.constant 0 : i32
    %dma_start3A_62 = tpu.memref_slice %arg9[%dma_start3A_57, %dma_start3A_61] : memref<4x128xi32, #tpu.memory_space<vmem>> -> memref<1x128xi32, #tpu.memory_space<vmem>>
    %dma_start3A_63 = tpu.memref_squeeze %dma_start3A_62 : memref<1x128xi32, #tpu.memory_space<vmem>> -> memref<128xi32, #tpu.memory_space<vmem>>
    %dma_start3A_64 = arith.constant 0 : i32
    %dma_start3A_65 = arith.constant 0 : i32
    %dma_start3A_66 = tpu.memref_slice %arg5[%dma_start3A_64, %dma_start3A_65] : memref<100000x64xf32, #tpu.memory_space<hbm>> -> memref<100000x64xf32, #tpu.memory_space<hbm>>
    tpu.enqueue_indirect_dma source(%dma_start3A_66 : memref<100000x64xf32, #tpu.memory_space<hbm>>) target(%dma_start3A_60 : memref<128x64xf32, #tpu.memory_space<vmem>>) offsets(%dma_start3A_63 : memref<128xi32, #tpu.memory_space<vmem>>) semaphore(%arg16 : memref<!tpu.dma_semaphore, #tpu.memory_space<semaphore_mem>>)
    %dma_start3A_67 = arith.constant 1 : i32
    %dma_start3A_68 = arith.constant 128 : i32
    %dma_start3A_69 = arith.constant 0 : i32
    %dma_start3A_70 = tpu.memref_slice %arg13[%dma_start3A_68, %dma_start3A_69] : memref<512x32xf32, #tpu.memory_space<vmem>> -> memref<128x32xf32, #tpu.memory_space<vmem>>
    %dma_start3A_71 = arith.constant 0 : i32
    %dma_start3A_72 = tpu.memref_slice %arg10[%dma_start3A_67, %dma_start3A_71] : memref<4x128xi32, #tpu.memory_space<vmem>> -> memref<1x128xi32, #tpu.memory_space<vmem>>
    %dma_start3A_73 = tpu.memref_squeeze %dma_start3A_72 : memref<1x128xi32, #tpu.memory_space<vmem>> -> memref<128xi32, #tpu.memory_space<vmem>>
    %dma_start3A_74 = arith.constant 0 : i32
    %dma_start3A_75 = arith.constant 0 : i32
    %dma_start3A_76 = tpu.memref_slice %arg6[%dma_start3A_74, %dma_start3A_75] : memref<2100x32xf32, #tpu.memory_space<hbm>> -> memref<2100x32xf32, #tpu.memory_space<hbm>>
    tpu.enqueue_indirect_dma source(%dma_start3A_76 : memref<2100x32xf32, #tpu.memory_space<hbm>>) target(%dma_start3A_70 : memref<128x32xf32, #tpu.memory_space<vmem>>) offsets(%dma_start3A_73 : memref<128xi32, #tpu.memory_space<vmem>>) semaphore(%arg16 : memref<!tpu.dma_semaphore, #tpu.memory_space<semaphore_mem>>)
    %dma_start3A_77 = arith.constant 1 : i32
    %dma_start3A_78 = arith.constant 128 : i32
    %dma_start3A_79 = arith.constant 0 : i32
    %dma_start3A_80 = tpu.memref_slice %arg14[%dma_start3A_78, %dma_start3A_79] : memref<512x16xf32, #tpu.memory_space<vmem>> -> memref<128x16xf32, #tpu.memory_space<vmem>>
    %dma_start3A_81 = arith.constant 0 : i32
    %dma_start3A_82 = tpu.memref_slice %arg11[%dma_start3A_77, %dma_start3A_81] : memref<4x128xi32, #tpu.memory_space<vmem>> -> memref<1x128xi32, #tpu.memory_space<vmem>>
    %dma_start3A_83 = tpu.memref_squeeze %dma_start3A_82 : memref<1x128xi32, #tpu.memory_space<vmem>> -> memref<128xi32, #tpu.memory_space<vmem>>
    %dma_start3A_84 = arith.constant 0 : i32
    %dma_start3A_85 = arith.constant 0 : i32
    %dma_start3A_86 = tpu.memref_slice %arg7[%dma_start3A_84, %dma_start3A_85] : memref<441x16xf32, #tpu.memory_space<hbm>> -> memref<441x16xf32, #tpu.memory_space<hbm>>
    tpu.enqueue_indirect_dma source(%dma_start3A_86 : memref<441x16xf32, #tpu.memory_space<hbm>>) target(%dma_start3A_80 : memref<128x16xf32, #tpu.memory_space<vmem>>) offsets(%dma_start3A_83 : memref<128xi32, #tpu.memory_space<vmem>>) semaphore(%arg16 : memref<!tpu.dma_semaphore, #tpu.memory_space<semaphore_mem>>)
    %dma_start3A_87 = arith.constant 2 : i32
    %dma_start3A_88 = arith.constant 256 : i32
    %dma_start3A_89 = arith.constant 0 : i32
    %dma_start3A_90 = tpu.memref_slice %arg12[%dma_start3A_88, %dma_start3A_89] : memref<512x64xf32, #tpu.memory_space<vmem>> -> memref<128x64xf32, #tpu.memory_space<vmem>>
    %dma_start3A_91 = arith.constant 0 : i32
    %dma_start3A_92 = tpu.memref_slice %arg9[%dma_start3A_87, %dma_start3A_91] : memref<4x128xi32, #tpu.memory_space<vmem>> -> memref<1x128xi32, #tpu.memory_space<vmem>>
    %dma_start3A_93 = tpu.memref_squeeze %dma_start3A_92 : memref<1x128xi32, #tpu.memory_space<vmem>> -> memref<128xi32, #tpu.memory_space<vmem>>
    %dma_start3A_94 = arith.constant 0 : i32
    %dma_start3A_95 = arith.constant 0 : i32
    %dma_start3A_96 = tpu.memref_slice %arg5[%dma_start3A_94, %dma_start3A_95] : memref<100000x64xf32, #tpu.memory_space<hbm>> -> memref<100000x64xf32, #tpu.memory_space<hbm>>
    tpu.enqueue_indirect_dma source(%dma_start3A_96 : memref<100000x64xf32, #tpu.memory_space<hbm>>) target(%dma_start3A_90 : memref<128x64xf32, #tpu.memory_space<vmem>>) offsets(%dma_start3A_93 : memref<128xi32, #tpu.memory_space<vmem>>) semaphore(%arg16 : memref<!tpu.dma_semaphore, #tpu.memory_space<semaphore_mem>>)
    %dma_start3A_97 = arith.constant 2 : i32
    %dma_start3A_98 = arith.constant 256 : i32
    %dma_start3A_99 = arith.constant 0 : i32
    %dma_start3A_100 = tpu.memref_slice %arg13[%dma_start3A_98, %dma_start3A_99] : memref<512x32xf32, #tpu.memory_space<vmem>> -> memref<128x32xf32, #tpu.memory_space<vmem>>
    %dma_start3A_101 = arith.constant 0 : i32
    %dma_start3A_102 = tpu.memref_slice %arg10[%dma_start3A_97, %dma_start3A_101] : memref<4x128xi32, #tpu.memory_space<vmem>> -> memref<1x128xi32, #tpu.memory_space<vmem>>
    %dma_start3A_103 = tpu.memref_squeeze %dma_start3A_102 : memref<1x128xi32, #tpu.memory_space<vmem>> -> memref<128xi32, #tpu.memory_space<vmem>>
    %dma_start3A_104 = arith.constant 0 : i32
    %dma_start3A_105 = arith.constant 0 : i32
    %dma_start3A_106 = tpu.memref_slice %arg6[%dma_start3A_104, %dma_start3A_105] : memref<2100x32xf32, #tpu.memory_space<hbm>> -> memref<2100x32xf32, #tpu.memory_space<hbm>>
    tpu.enqueue_indirect_dma source(%dma_start3A_106 : memref<2100x32xf32, #tpu.memory_space<hbm>>) target(%dma_start3A_100 : memref<128x32xf32, #tpu.memory_space<vmem>>) offsets(%dma_start3A_103 : memref<128xi32, #tpu.memory_space<vmem>>) semaphore(%arg16 : memref<!tpu.dma_semaphore, #tpu.memory_space<semaphore_mem>>)
    %dma_start3A_107 = arith.constant 2 : i32
    %dma_start3A_108 = arith.constant 256 : i32
    %dma_start3A_109 = arith.constant 0 : i32
    %dma_start3A_110 = tpu.memref_slice %arg14[%dma_start3A_108, %dma_start3A_109] : memref<512x16xf32, #tpu.memory_space<vmem>> -> memref<128x16xf32, #tpu.memory_space<vmem>>
    %dma_start3A_111 = arith.constant 0 : i32
    %dma_start3A_112 = tpu.memref_slice %arg11[%dma_start3A_107, %dma_start3A_111] : memref<4x128xi32, #tpu.memory_space<vmem>> -> memref<1x128xi32, #tpu.memory_space<vmem>>
    %dma_start3A_113 = tpu.memref_squeeze %dma_start3A_112 : memref<1x128xi32, #tpu.memory_space<vmem>> -> memref<128xi32, #tpu.memory_space<vmem>>
    %dma_start3A_114 = arith.constant 0 : i32
    %dma_start3A_115 = arith.constant 0 : i32
    %dma_start3A_116 = tpu.memref_slice %arg7[%dma_start3A_114, %dma_start3A_115] : memref<441x16xf32, #tpu.memory_space<hbm>> -> memref<441x16xf32, #tpu.memory_space<hbm>>
    tpu.enqueue_indirect_dma source(%dma_start3A_116 : memref<441x16xf32, #tpu.memory_space<hbm>>) target(%dma_start3A_110 : memref<128x16xf32, #tpu.memory_space<vmem>>) offsets(%dma_start3A_113 : memref<128xi32, #tpu.memory_space<vmem>>) semaphore(%arg16 : memref<!tpu.dma_semaphore, #tpu.memory_space<semaphore_mem>>)
    %dma_start3A_117 = arith.constant 3 : i32
    %dma_start3A_118 = arith.constant 384 : i32
    %dma_start3A_119 = arith.constant 0 : i32
    %dma_start3A_120 = tpu.memref_slice %arg12[%dma_start3A_118, %dma_start3A_119] : memref<512x64xf32, #tpu.memory_space<vmem>> -> memref<128x64xf32, #tpu.memory_space<vmem>>
    %dma_start3A_121 = arith.constant 0 : i32
    %dma_start3A_122 = tpu.memref_slice %arg9[%dma_start3A_117, %dma_start3A_121] : memref<4x128xi32, #tpu.memory_space<vmem>> -> memref<1x128xi32, #tpu.memory_space<vmem>>
    %dma_start3A_123 = tpu.memref_squeeze %dma_start3A_122 : memref<1x128xi32, #tpu.memory_space<vmem>> -> memref<128xi32, #tpu.memory_space<vmem>>
    %dma_start3A_124 = arith.constant 0 : i32
    %dma_start3A_125 = arith.constant 0 : i32
    %dma_start3A_126 = tpu.memref_slice %arg5[%dma_start3A_124, %dma_start3A_125] : memref<100000x64xf32, #tpu.memory_space<hbm>> -> memref<100000x64xf32, #tpu.memory_space<hbm>>
    tpu.enqueue_indirect_dma source(%dma_start3A_126 : memref<100000x64xf32, #tpu.memory_space<hbm>>) target(%dma_start3A_120 : memref<128x64xf32, #tpu.memory_space<vmem>>) offsets(%dma_start3A_123 : memref<128xi32, #tpu.memory_space<vmem>>) semaphore(%arg16 : memref<!tpu.dma_semaphore, #tpu.memory_space<semaphore_mem>>)
    %dma_start3A_127 = arith.constant 3 : i32
    %dma_start3A_128 = arith.constant 384 : i32
    %dma_start3A_129 = arith.constant 0 : i32
    %dma_start3A_130 = tpu.memref_slice %arg13[%dma_start3A_128, %dma_start3A_129] : memref<512x32xf32, #tpu.memory_space<vmem>> -> memref<128x32xf32, #tpu.memory_space<vmem>>
    %dma_start3A_131 = arith.constant 0 : i32
    %dma_start3A_132 = tpu.memref_slice %arg10[%dma_start3A_127, %dma_start3A_131] : memref<4x128xi32, #tpu.memory_space<vmem>> -> memref<1x128xi32, #tpu.memory_space<vmem>>
    %dma_start3A_133 = tpu.memref_squeeze %dma_start3A_132 : memref<1x128xi32, #tpu.memory_space<vmem>> -> memref<128xi32, #tpu.memory_space<vmem>>
    %dma_start3A_134 = arith.constant 0 : i32
    %dma_start3A_135 = arith.constant 0 : i32
    %dma_start3A_136 = tpu.memref_slice %arg6[%dma_start3A_134, %dma_start3A_135] : memref<2100x32xf32, #tpu.memory_space<hbm>> -> memref<2100x32xf32, #tpu.memory_space<hbm>>
    tpu.enqueue_indirect_dma source(%dma_start3A_136 : memref<2100x32xf32, #tpu.memory_space<hbm>>) target(%dma_start3A_130 : memref<128x32xf32, #tpu.memory_space<vmem>>) offsets(%dma_start3A_133 : memref<128xi32, #tpu.memory_space<vmem>>) semaphore(%arg16 : memref<!tpu.dma_semaphore, #tpu.memory_space<semaphore_mem>>)
    %dma_start3A_137 = arith.constant 3 : i32
    %dma_start3A_138 = arith.constant 384 : i32
    %dma_start3A_139 = arith.constant 0 : i32
    %dma_start3A_140 = tpu.memref_slice %arg14[%dma_start3A_138, %dma_start3A_139] : memref<512x16xf32, #tpu.memory_space<vmem>> -> memref<128x16xf32, #tpu.memory_space<vmem>>
    %dma_start3A_141 = arith.constant 0 : i32
    %dma_start3A_142 = tpu.memref_slice %arg11[%dma_start3A_137, %dma_start3A_141] : memref<4x128xi32, #tpu.memory_space<vmem>> -> memref<1x128xi32, #tpu.memory_space<vmem>>
    %dma_start3A_143 = tpu.memref_squeeze %dma_start3A_142 : memref<1x128xi32, #tpu.memory_space<vmem>> -> memref<128xi32, #tpu.memory_space<vmem>>
    %dma_start3A_144 = arith.constant 0 : i32
    %dma_start3A_145 = arith.constant 0 : i32
    %dma_start3A_146 = tpu.memref_slice %arg7[%dma_start3A_144, %dma_start3A_145] : memref<441x16xf32, #tpu.memory_space<hbm>> -> memref<441x16xf32, #tpu.memory_space<hbm>>
    tpu.enqueue_indirect_dma source(%dma_start3A_146 : memref<441x16xf32, #tpu.memory_space<hbm>>) target(%dma_start3A_140 : memref<128x16xf32, #tpu.memory_space<vmem>>) offsets(%dma_start3A_143 : memref<128xi32, #tpu.memory_space<vmem>>) semaphore(%arg16 : memref<!tpu.dma_semaphore, #tpu.memory_space<semaphore_mem>>)
    %mul3A_147 = arith.constant 200 : i32
    %mul3A_148 = arith.muli %add3A, %mul3A_147 : i32
    %add3A_149 = arith.constant 4 : i32
    %add3A_150 = arith.addi %mul3A_148, %add3A_149 : i32
    %dma_start3A_151 = arith.constant 0 : i32
    %dma_start3A_152 = tpu.memref_slice %arg2[%add3A_150, %dma_start3A_151] : memref<6400x128xi32, #tpu.memory_space<hbm>> -> memref<4x128xi32, #tpu.memory_space<hbm>>
    %dma_start3A_153 = arith.constant 0 : i32
    %dma_start3A_154 = tpu.memref_slice %arg2[%add3A_150, %dma_start3A_153] : memref<6400x128xi32, #tpu.memory_space<hbm>> -> memref<4x128xi32, #tpu.memory_space<hbm>>
    tpu.enqueue_dma source(%dma_start3A_154 : memref<4x128xi32, #tpu.memory_space<hbm>>) target(%arg18 : memref<4x128xi32, #tpu.memory_space<vmem>>) target_semaphore(%arg24 : memref<!tpu.dma_semaphore, #tpu.memory_space<semaphore_mem>>)
    %dma_start3A_155 = arith.constant 0 : i32
    %dma_start3A_156 = tpu.memref_slice %arg3[%add3A_150, %dma_start3A_155] : memref<6400x128xi32, #tpu.memory_space<hbm>> -> memref<4x128xi32, #tpu.memory_space<hbm>>
    %dma_start3A_157 = arith.constant 0 : i32
    %dma_start3A_158 = tpu.memref_slice %arg3[%add3A_150, %dma_start3A_157] : memref<6400x128xi32, #tpu.memory_space<hbm>> -> memref<4x128xi32, #tpu.memory_space<hbm>>
    tpu.enqueue_dma source(%dma_start3A_158 : memref<4x128xi32, #tpu.memory_space<hbm>>) target(%arg19 : memref<4x128xi32, #tpu.memory_space<vmem>>) target_semaphore(%arg24 : memref<!tpu.dma_semaphore, #tpu.memory_space<semaphore_mem>>)
    %dma_start3A_159 = arith.constant 0 : i32
    %dma_start3A_160 = tpu.memref_slice %arg4[%add3A_150, %dma_start3A_159] : memref<6400x128xi32, #tpu.memory_space<hbm>> -> memref<4x128xi32, #tpu.memory_space<hbm>>
    %dma_start3A_161 = arith.constant 0 : i32
    %dma_start3A_162 = tpu.memref_slice %arg4[%add3A_150, %dma_start3A_161] : memref<6400x128xi32, #tpu.memory_space<hbm>> -> memref<4x128xi32, #tpu.memory_space<hbm>>
    tpu.enqueue_dma source(%dma_start3A_162 : memref<4x128xi32, #tpu.memory_space<hbm>>) target(%arg20 : memref<4x128xi32, #tpu.memory_space<vmem>>) target_semaphore(%arg24 : memref<!tpu.dma_semaphore, #tpu.memory_space<semaphore_mem>>)
    %dma_wait3A_163 = arith.constant 0 : i32
    %dma_wait3A_164 = tpu.memref_slice %arg2[%add3A_150, %dma_wait3A_163] : memref<6400x128xi32, #tpu.memory_space<hbm>> -> memref<4x128xi32, #tpu.memory_space<hbm>>
    %dma_wait3A_165 = arith.constant 0 : i32
    %dma_wait3A_166 = tpu.memref_slice %arg2[%add3A_150, %dma_wait3A_165] : memref<6400x128xi32, #tpu.memory_space<hbm>> -> memref<4x128xi32, #tpu.memory_space<hbm>>
    tpu.wait_dma2 semaphore(%arg24 : memref<!tpu.dma_semaphore, #tpu.memory_space<semaphore_mem>>) src(%dma_wait3A_166 : memref<4x128xi32, #tpu.memory_space<hbm>>) dst(%arg18 : memref<4x128xi32, #tpu.memory_space<vmem>>)
    %dma_wait3A_167 = arith.constant 0 : i32
    %dma_wait3A_168 = tpu.memref_slice %arg3[%add3A_150, %dma_wait3A_167] : memref<6400x128xi32, #tpu.memory_space<hbm>> -> memref<4x128xi32, #tpu.memory_space<hbm>>
    %dma_wait3A_169 = arith.constant 0 : i32
    %dma_wait3A_170 = tpu.memref_slice %arg3[%add3A_150, %dma_wait3A_169] : memref<6400x128xi32, #tpu.memory_space<hbm>> -> memref<4x128xi32, #tpu.memory_space<hbm>>
    tpu.wait_dma2 semaphore(%arg24 : memref<!tpu.dma_semaphore, #tpu.memory_space<semaphore_mem>>) src(%dma_wait3A_170 : memref<4x128xi32, #tpu.memory_space<hbm>>) dst(%arg19 : memref<4x128xi32, #tpu.memory_space<vmem>>)
    %dma_wait3A_171 = arith.constant 0 : i32
    %dma_wait3A_172 = tpu.memref_slice %arg4[%add3A_150, %dma_wait3A_171] : memref<6400x128xi32, #tpu.memory_space<hbm>> -> memref<4x128xi32, #tpu.memory_space<hbm>>
    %dma_wait3A_173 = arith.constant 0 : i32
    %dma_wait3A_174 = tpu.memref_slice %arg4[%add3A_150, %dma_wait3A_173] : memref<6400x128xi32, #tpu.memory_space<hbm>> -> memref<4x128xi32, #tpu.memory_space<hbm>>
    tpu.wait_dma2 semaphore(%arg24 : memref<!tpu.dma_semaphore, #tpu.memory_space<semaphore_mem>>) src(%dma_wait3A_174 : memref<4x128xi32, #tpu.memory_space<hbm>>) dst(%arg20 : memref<4x128xi32, #tpu.memory_space<vmem>>)
    %dma_start3A_175 = arith.constant 0 : i32
    %dma_start3A_176 = arith.constant 0 : i32
    %dma_start3A_177 = arith.constant 0 : i32
    %dma_start3A_178 = tpu.memref_slice %arg21[%dma_start3A_176, %dma_start3A_177] : memref<512x64xf32, #tpu.memory_space<vmem>> -> memref<128x64xf32, #tpu.memory_space<vmem>>
    %dma_start3A_179 = arith.constant 0 : i32
    %dma_start3A_180 = tpu.memref_slice %arg18[%dma_start3A_175, %dma_start3A_179] : memref<4x128xi32, #tpu.memory_space<vmem>> -> memref<1x128xi32, #tpu.memory_space<vmem>>
    %dma_start3A_181 = tpu.memref_squeeze %dma_start3A_180 : memref<1x128xi32, #tpu.memory_space<vmem>> -> memref<128xi32, #tpu.memory_space<vmem>>
    %dma_start3A_182 = arith.constant 0 : i32
    %dma_start3A_183 = arith.constant 0 : i32
    %dma_start3A_184 = tpu.memref_slice %arg5[%dma_start3A_182, %dma_start3A_183] : memref<100000x64xf32, #tpu.memory_space<hbm>> -> memref<100000x64xf32, #tpu.memory_space<hbm>>
    tpu.enqueue_indirect_dma source(%dma_start3A_184 : memref<100000x64xf32, #tpu.memory_space<hbm>>) target(%dma_start3A_178 : memref<128x64xf32, #tpu.memory_space<vmem>>) offsets(%dma_start3A_181 : memref<128xi32, #tpu.memory_space<vmem>>) semaphore(%arg25 : memref<!tpu.dma_semaphore, #tpu.memory_space<semaphore_mem>>)
    %dma_start3A_185 = arith.constant 0 : i32
    %dma_start3A_186 = arith.constant 0 : i32
    %dma_start3A_187 = arith.constant 0 : i32
    %dma_start3A_188 = tpu.memref_slice %arg22[%dma_start3A_186, %dma_start3A_187] : memref<512x32xf32, #tpu.memory_space<vmem>> -> memref<128x32xf32, #tpu.memory_space<vmem>>
    %dma_start3A_189 = arith.constant 0 : i32
    %dma_start3A_190 = tpu.memref_slice %arg19[%dma_start3A_185, %dma_start3A_189] : memref<4x128xi32, #tpu.memory_space<vmem>> -> memref<1x128xi32, #tpu.memory_space<vmem>>
    %dma_start3A_191 = tpu.memref_squeeze %dma_start3A_190 : memref<1x128xi32, #tpu.memory_space<vmem>> -> memref<128xi32, #tpu.memory_space<vmem>>
    %dma_start3A_192 = arith.constant 0 : i32
    %dma_start3A_193 = arith.constant 0 : i32
    %dma_start3A_194 = tpu.memref_slice %arg6[%dma_start3A_192, %dma_start3A_193] : memref<2100x32xf32, #tpu.memory_space<hbm>> -> memref<2100x32xf32, #tpu.memory_space<hbm>>
    tpu.enqueue_indirect_dma source(%dma_start3A_194 : memref<2100x32xf32, #tpu.memory_space<hbm>>) target(%dma_start3A_188 : memref<128x32xf32, #tpu.memory_space<vmem>>) offsets(%dma_start3A_191 : memref<128xi32, #tpu.memory_space<vmem>>) semaphore(%arg25 : memref<!tpu.dma_semaphore, #tpu.memory_space<semaphore_mem>>)
    %dma_start3A_195 = arith.constant 0 : i32
    %dma_start3A_196 = arith.constant 0 : i32
    %dma_start3A_197 = arith.constant 0 : i32
    %dma_start3A_198 = tpu.memref_slice %arg23[%dma_start3A_196, %dma_start3A_197] : memref<512x16xf32, #tpu.memory_space<vmem>> -> memref<128x16xf32, #tpu.memory_space<vmem>>
    %dma_start3A_199 = arith.constant 0 : i32
    %dma_start3A_200 = tpu.memref_slice %arg20[%dma_start3A_195, %dma_start3A_199] : memref<4x128xi32, #tpu.memory_space<vmem>> -> memref<1x128xi32, #tpu.memory_space<vmem>>
    %dma_start3A_201 = tpu.memref_squeeze %dma_start3A_200 : memref<1x128xi32, #tpu.memory_space<vmem>> -> memref<128xi32, #tpu.memory_space<vmem>>
    %dma_start3A_202 = arith.constant 0 : i32
    %dma_start3A_203 = arith.constant 0 : i32
    %dma_start3A_204 = tpu.memref_slice %arg7[%dma_start3A_202, %dma_start3A_203] : memref<441x16xf32, #tpu.memory_space<hbm>> -> memref<441x16xf32, #tpu.memory_space<hbm>>
    tpu.enqueue_indirect_dma source(%dma_start3A_204 : memref<441x16xf32, #tpu.memory_space<hbm>>) target(%dma_start3A_198 : memref<128x16xf32, #tpu.memory_space<vmem>>) offsets(%dma_start3A_201 : memref<128xi32, #tpu.memory_space<vmem>>) semaphore(%arg25 : memref<!tpu.dma_semaphore, #tpu.memory_space<semaphore_mem>>)
    %dma_start3A_205 = arith.constant 1 : i32
    %dma_start3A_206 = arith.constant 128 : i32
    %dma_start3A_207 = arith.constant 0 : i32
    %dma_start3A_208 = tpu.memref_slice %arg21[%dma_start3A_206, %dma_start3A_207] : memref<512x64xf32, #tpu.memory_space<vmem>> -> memref<128x64xf32, #tpu.memory_space<vmem>>
    %dma_start3A_209 = arith.constant 0 : i32
    %dma_start3A_210 = tpu.memref_slice %arg18[%dma_start3A_205, %dma_start3A_209] : memref<4x128xi32, #tpu.memory_space<vmem>> -> memref<1x128xi32, #tpu.memory_space<vmem>>
    %dma_start3A_211 = tpu.memref_squeeze %dma_start3A_210 : memref<1x128xi32, #tpu.memory_space<vmem>> -> memref<128xi32, #tpu.memory_space<vmem>>
    %dma_start3A_212 = arith.constant 0 : i32
    %dma_start3A_213 = arith.constant 0 : i32
    %dma_start3A_214 = tpu.memref_slice %arg5[%dma_start3A_212, %dma_start3A_213] : memref<100000x64xf32, #tpu.memory_space<hbm>> -> memref<100000x64xf32, #tpu.memory_space<hbm>>
    tpu.enqueue_indirect_dma source(%dma_start3A_214 : memref<100000x64xf32, #tpu.memory_space<hbm>>) target(%dma_start3A_208 : memref<128x64xf32, #tpu.memory_space<vmem>>) offsets(%dma_start3A_211 : memref<128xi32, #tpu.memory_space<vmem>>) semaphore(%arg25 : memref<!tpu.dma_semaphore, #tpu.memory_space<semaphore_mem>>)
    %dma_start3A_215 = arith.constant 1 : i32
    %dma_start3A_216 = arith.constant 128 : i32
    %dma_start3A_217 = arith.constant 0 : i32
    %dma_start3A_218 = tpu.memref_slice %arg22[%dma_start3A_216, %dma_start3A_217] : memref<512x32xf32, #tpu.memory_space<vmem>> -> memref<128x32xf32, #tpu.memory_space<vmem>>
    %dma_start3A_219 = arith.constant 0 : i32
    %dma_start3A_220 = tpu.memref_slice %arg19[%dma_start3A_215, %dma_start3A_219] : memref<4x128xi32, #tpu.memory_space<vmem>> -> memref<1x128xi32, #tpu.memory_space<vmem>>
    %dma_start3A_221 = tpu.memref_squeeze %dma_start3A_220 : memref<1x128xi32, #tpu.memory_space<vmem>> -> memref<128xi32, #tpu.memory_space<vmem>>
    %dma_start3A_222 = arith.constant 0 : i32
    %dma_start3A_223 = arith.constant 0 : i32
    %dma_start3A_224 = tpu.memref_slice %arg6[%dma_start3A_222, %dma_start3A_223] : memref<2100x32xf32, #tpu.memory_space<hbm>> -> memref<2100x32xf32, #tpu.memory_space<hbm>>
    tpu.enqueue_indirect_dma source(%dma_start3A_224 : memref<2100x32xf32, #tpu.memory_space<hbm>>) target(%dma_start3A_218 : memref<128x32xf32, #tpu.memory_space<vmem>>) offsets(%dma_start3A_221 : memref<128xi32, #tpu.memory_space<vmem>>) semaphore(%arg25 : memref<!tpu.dma_semaphore, #tpu.memory_space<semaphore_mem>>)
    %dma_start3A_225 = arith.constant 1 : i32
    %dma_start3A_226 = arith.constant 128 : i32
    %dma_start3A_227 = arith.constant 0 : i32
    %dma_start3A_228 = tpu.memref_slice %arg23[%dma_start3A_226, %dma_start3A_227] : memref<512x16xf32, #tpu.memory_space<vmem>> -> memref<128x16xf32, #tpu.memory_space<vmem>>
    %dma_start3A_229 = arith.constant 0 : i32
    %dma_start3A_230 = tpu.memref_slice %arg20[%dma_start3A_225, %dma_start3A_229] : memref<4x128xi32, #tpu.memory_space<vmem>> -> memref<1x128xi32, #tpu.memory_space<vmem>>
    %dma_start3A_231 = tpu.memref_squeeze %dma_start3A_230 : memref<1x128xi32, #tpu.memory_space<vmem>> -> memref<128xi32, #tpu.memory_space<vmem>>
    %dma_start3A_232 = arith.constant 0 : i32
    %dma_start3A_233 = arith.constant 0 : i32
    %dma_start3A_234 = tpu.memref_slice %arg7[%dma_start3A_232, %dma_start3A_233] : memref<441x16xf32, #tpu.memory_space<hbm>> -> memref<441x16xf32, #tpu.memory_space<hbm>>
    tpu.enqueue_indirect_dma source(%dma_start3A_234 : memref<441x16xf32, #tpu.memory_space<hbm>>) target(%dma_start3A_228 : memref<128x16xf32, #tpu.memory_space<vmem>>) offsets(%dma_start3A_231 : memref<128xi32, #tpu.memory_space<vmem>>) semaphore(%arg25 : memref<!tpu.dma_semaphore, #tpu.memory_space<semaphore_mem>>)
    %dma_start3A_235 = arith.constant 2 : i32
    %dma_start3A_236 = arith.constant 256 : i32
    %dma_start3A_237 = arith.constant 0 : i32
    %dma_start3A_238 = tpu.memref_slice %arg21[%dma_start3A_236, %dma_start3A_237] : memref<512x64xf32, #tpu.memory_space<vmem>> -> memref<128x64xf32, #tpu.memory_space<vmem>>
    %dma_start3A_239 = arith.constant 0 : i32
    %dma_start3A_240 = tpu.memref_slice %arg18[%dma_start3A_235, %dma_start3A_239] : memref<4x128xi32, #tpu.memory_space<vmem>> -> memref<1x128xi32, #tpu.memory_space<vmem>>
    %dma_start3A_241 = tpu.memref_squeeze %dma_start3A_240 : memref<1x128xi32, #tpu.memory_space<vmem>> -> memref<128xi32, #tpu.memory_space<vmem>>
    %dma_start3A_242 = arith.constant 0 : i32
    %dma_start3A_243 = arith.constant 0 : i32
    %dma_start3A_244 = tpu.memref_slice %arg5[%dma_start3A_242, %dma_start3A_243] : memref<100000x64xf32, #tpu.memory_space<hbm>> -> memref<100000x64xf32, #tpu.memory_space<hbm>>
    tpu.enqueue_indirect_dma source(%dma_start3A_244 : memref<100000x64xf32, #tpu.memory_space<hbm>>) target(%dma_start3A_238 : memref<128x64xf32, #tpu.memory_space<vmem>>) offsets(%dma_start3A_241 : memref<128xi32, #tpu.memory_space<vmem>>) semaphore(%arg25 : memref<!tpu.dma_semaphore, #tpu.memory_space<semaphore_mem>>)
    %dma_start3A_245 = arith.constant 2 : i32
    %dma_start3A_246 = arith.constant 256 : i32
    %dma_start3A_247 = arith.constant 0 : i32
    %dma_start3A_248 = tpu.memref_slice %arg22[%dma_start3A_246, %dma_start3A_247] : memref<512x32xf32, #tpu.memory_space<vmem>> -> memref<128x32xf32, #tpu.memory_space<vmem>>
    %dma_start3A_249 = arith.constant 0 : i32
    %dma_start3A_250 = tpu.memref_slice %arg19[%dma_start3A_245, %dma_start3A_249] : memref<4x128xi32, #tpu.memory_space<vmem>> -> memref<1x128xi32, #tpu.memory_space<vmem>>
    %dma_start3A_251 = tpu.memref_squeeze %dma_start3A_250 : memref<1x128xi32, #tpu.memory_space<vmem>> -> memref<128xi32, #tpu.memory_space<vmem>>
    %dma_start3A_252 = arith.constant 0 : i32
    %dma_start3A_253 = arith.constant 0 : i32
    %dma_start3A_254 = tpu.memref_slice %arg6[%dma_start3A_252, %dma_start3A_253] : memref<2100x32xf32, #tpu.memory_space<hbm>> -> memref<2100x32xf32, #tpu.memory_space<hbm>>
    tpu.enqueue_indirect_dma source(%dma_start3A_254 : memref<2100x32xf32, #tpu.memory_space<hbm>>) target(%dma_start3A_248 : memref<128x32xf32, #tpu.memory_space<vmem>>) offsets(%dma_start3A_251 : memref<128xi32, #tpu.memory_space<vmem>>) semaphore(%arg25 : memref<!tpu.dma_semaphore, #tpu.memory_space<semaphore_mem>>)
    %dma_start3A_255 = arith.constant 2 : i32
    %dma_start3A_256 = arith.constant 256 : i32
    %dma_start3A_257 = arith.constant 0 : i32
    %dma_start3A_258 = tpu.memref_slice %arg23[%dma_start3A_256, %dma_start3A_257] : memref<512x16xf32, #tpu.memory_space<vmem>> -> memref<128x16xf32, #tpu.memory_space<vmem>>
    %dma_start3A_259 = arith.constant 0 : i32
    %dma_start3A_260 = tpu.memref_slice %arg20[%dma_start3A_255, %dma_start3A_259] : memref<4x128xi32, #tpu.memory_space<vmem>> -> memref<1x128xi32, #tpu.memory_space<vmem>>
    %dma_start3A_261 = tpu.memref_squeeze %dma_start3A_260 : memref<1x128xi32, #tpu.memory_space<vmem>> -> memref<128xi32, #tpu.memory_space<vmem>>
    %dma_start3A_262 = arith.constant 0 : i32
    %dma_start3A_263 = arith.constant 0 : i32
    %dma_start3A_264 = tpu.memref_slice %arg7[%dma_start3A_262, %dma_start3A_263] : memref<441x16xf32, #tpu.memory_space<hbm>> -> memref<441x16xf32, #tpu.memory_space<hbm>>
    tpu.enqueue_indirect_dma source(%dma_start3A_264 : memref<441x16xf32, #tpu.memory_space<hbm>>) target(%dma_start3A_258 : memref<128x16xf32, #tpu.memory_space<vmem>>) offsets(%dma_start3A_261 : memref<128xi32, #tpu.memory_space<vmem>>) semaphore(%arg25 : memref<!tpu.dma_semaphore, #tpu.memory_space<semaphore_mem>>)
    %dma_start3A_265 = arith.constant 3 : i32
    %dma_start3A_266 = arith.constant 384 : i32
    %dma_start3A_267 = arith.constant 0 : i32
    %dma_start3A_268 = tpu.memref_slice %arg21[%dma_start3A_266, %dma_start3A_267] : memref<512x64xf32, #tpu.memory_space<vmem>> -> memref<128x64xf32, #tpu.memory_space<vmem>>
    %dma_start3A_269 = arith.constant 0 : i32
    %dma_start3A_270 = tpu.memref_slice %arg18[%dma_start3A_265, %dma_start3A_269] : memref<4x128xi32, #tpu.memory_space<vmem>> -> memref<1x128xi32, #tpu.memory_space<vmem>>
    %dma_start3A_271 = tpu.memref_squeeze %dma_start3A_270 : memref<1x128xi32, #tpu.memory_space<vmem>> -> memref<128xi32, #tpu.memory_space<vmem>>
    %dma_start3A_272 = arith.constant 0 : i32
    %dma_start3A_273 = arith.constant 0 : i32
    %dma_start3A_274 = tpu.memref_slice %arg5[%dma_start3A_272, %dma_start3A_273] : memref<100000x64xf32, #tpu.memory_space<hbm>> -> memref<100000x64xf32, #tpu.memory_space<hbm>>
    tpu.enqueue_indirect_dma source(%dma_start3A_274 : memref<100000x64xf32, #tpu.memory_space<hbm>>) target(%dma_start3A_268 : memref<128x64xf32, #tpu.memory_space<vmem>>) offsets(%dma_start3A_271 : memref<128xi32, #tpu.memory_space<vmem>>) semaphore(%arg25 : memref<!tpu.dma_semaphore, #tpu.memory_space<semaphore_mem>>)
    %dma_start3A_275 = arith.constant 3 : i32
    %dma_start3A_276 = arith.constant 384 : i32
    %dma_start3A_277 = arith.constant 0 : i32
    %dma_start3A_278 = tpu.memref_slice %arg22[%dma_start3A_276, %dma_start3A_277] : memref<512x32xf32, #tpu.memory_space<vmem>> -> memref<128x32xf32, #tpu.memory_space<vmem>>
    %dma_start3A_279 = arith.constant 0 : i32
    %dma_start3A_280 = tpu.memref_slice %arg19[%dma_start3A_275, %dma_start3A_279] : memref<4x128xi32, #tpu.memory_space<vmem>> -> memref<1x128xi32, #tpu.memory_space<vmem>>
    %dma_start3A_281 = tpu.memref_squeeze %dma_start3A_280 : memref<1x128xi32, #tpu.memory_space<vmem>> -> memref<128xi32, #tpu.memory_space<vmem>>
    %dma_start3A_282 = arith.constant 0 : i32
    %dma_start3A_283 = arith.constant 0 : i32
    %dma_start3A_284 = tpu.memref_slice %arg6[%dma_start3A_282, %dma_start3A_283] : memref<2100x32xf32, #tpu.memory_space<hbm>> -> memref<2100x32xf32, #tpu.memory_space<hbm>>
    tpu.enqueue_indirect_dma source(%dma_start3A_284 : memref<2100x32xf32, #tpu.memory_space<hbm>>) target(%dma_start3A_278 : memref<128x32xf32, #tpu.memory_space<vmem>>) offsets(%dma_start3A_281 : memref<128xi32, #tpu.memory_space<vmem>>) semaphore(%arg25 : memref<!tpu.dma_semaphore, #tpu.memory_space<semaphore_mem>>)
    %dma_start3A_285 = arith.constant 3 : i32
    %dma_start3A_286 = arith.constant 384 : i32
    %dma_start3A_287 = arith.constant 0 : i32
    %dma_start3A_288 = tpu.memref_slice %arg23[%dma_start3A_286, %dma_start3A_287] : memref<512x16xf32, #tpu.memory_space<vmem>> -> memref<128x16xf32, #tpu.memory_space<vmem>>
    %dma_start3A_289 = arith.constant 0 : i32
    %dma_start3A_290 = tpu.memref_slice %arg20[%dma_start3A_285, %dma_start3A_289] : memref<4x128xi32, #tpu.memory_space<vmem>> -> memref<1x128xi32, #tpu.memory_space<vmem>>
    %dma_start3A_291 = tpu.memref_squeeze %dma_start3A_290 : memref<1x128xi32, #tpu.memory_space<vmem>> -> memref<128xi32, #tpu.memory_space<vmem>>
    %dma_start3A_292 = arith.constant 0 : i32
    %dma_start3A_293 = arith.constant 0 : i32
    %dma_start3A_294 = tpu.memref_slice %arg7[%dma_start3A_292, %dma_start3A_293] : memref<441x16xf32, #tpu.memory_space<hbm>> -> memref<441x16xf32, #tpu.memory_space<hbm>>
    tpu.enqueue_indirect_dma source(%dma_start3A_294 : memref<441x16xf32, #tpu.memory_space<hbm>>) target(%dma_start3A_288 : memref<128x16xf32, #tpu.memory_space<vmem>>) offsets(%dma_start3A_291 : memref<128xi32, #tpu.memory_space<vmem>>) semaphore(%arg25 : memref<!tpu.dma_semaphore, #tpu.memory_space<semaphore_mem>>)
    %scan3A = arith.constant 0 : i32
    %scan3A_295 = arith.constant 0 : i32
    %scan3A_296 = arith.constant 24 : i32
    %scan3A_297 = arith.addi %scan3A_295, %scan3A_296 : i32
    %scan3A_298 = arith.constant 1 : i32
    scf.for %scan3A_612 = %scan3A_295 to %scan3A_297 step %scan3A_298  : i32 {
      %mul3A_613 = arith.constant 2 : i32
      %mul3A_614 = arith.muli %mul3A_613, %scan3A_612 : i32
      %dma_wait3A_615 = arith.constant 0 : i32
      %dma_wait3A_616 = arith.constant 0 : i32
      %dma_wait3A_617 = arith.constant 0 : i32
      %dma_wait3A_618 = tpu.memref_slice %arg12[%dma_wait3A_616, %dma_wait3A_617] : memref<512x64xf32, #tpu.memory_space<vmem>> -> memref<128x64xf32, #tpu.memory_space<vmem>>
      %dma_wait3A_619 = arith.constant 0 : i32
      %dma_wait3A_620 = tpu.memref_slice %arg9[%dma_wait3A_615, %dma_wait3A_619] : memref<4x128xi32, #tpu.memory_space<vmem>> -> memref<1x128xi32, #tpu.memory_space<vmem>>
      %dma_wait3A_621 = tpu.memref_squeeze %dma_wait3A_620 : memref<1x128xi32, #tpu.memory_space<vmem>> -> memref<128xi32, #tpu.memory_space<vmem>>
      %dma_wait3A_622 = arith.constant 0 : i32
      %dma_wait3A_623 = arith.constant 0 : i32
      %dma_wait3A_624 = tpu.memref_slice %arg5[%dma_wait3A_622, %dma_wait3A_623] : memref<100000x64xf32, #tpu.memory_space<hbm>> -> memref<100000x64xf32, #tpu.memory_space<hbm>>
      tpu.wait_indirect_dma semaphore(%arg16 : memref<!tpu.dma_semaphore, #tpu.memory_space<semaphore_mem>>) src(%dma_wait3A_624 : memref<100000x64xf32, #tpu.memory_space<hbm>>) dst(%dma_wait3A_618 : memref<128x64xf32, #tpu.memory_space<vmem>>)
      %dma_wait3A_625 = arith.constant 0 : i32
      %dma_wait3A_626 = arith.constant 0 : i32
      %dma_wait3A_627 = arith.constant 0 : i32
      %dma_wait3A_628 = tpu.memref_slice %arg13[%dma_wait3A_626, %dma_wait3A_627] : memref<512x32xf32, #tpu.memory_space<vmem>> -> memref<128x32xf32, #tpu.memory_space<vmem>>
      %dma_wait3A_629 = arith.constant 0 : i32
      %dma_wait3A_630 = tpu.memref_slice %arg10[%dma_wait3A_625, %dma_wait3A_629] : memref<4x128xi32, #tpu.memory_space<vmem>> -> memref<1x128xi32, #tpu.memory_space<vmem>>
      %dma_wait3A_631 = tpu.memref_squeeze %dma_wait3A_630 : memref<1x128xi32, #tpu.memory_space<vmem>> -> memref<128xi32, #tpu.memory_space<vmem>>
      %dma_wait3A_632 = arith.constant 0 : i32
      %dma_wait3A_633 = arith.constant 0 : i32
      %dma_wait3A_634 = tpu.memref_slice %arg6[%dma_wait3A_632, %dma_wait3A_633] : memref<2100x32xf32, #tpu.memory_space<hbm>> -> memref<2100x32xf32, #tpu.memory_space<hbm>>
      tpu.wait_indirect_dma semaphore(%arg16 : memref<!tpu.dma_semaphore, #tpu.memory_space<semaphore_mem>>) src(%dma_wait3A_634 : memref<2100x32xf32, #tpu.memory_space<hbm>>) dst(%dma_wait3A_628 : memref<128x32xf32, #tpu.memory_space<vmem>>)
      %dma_wait3A_635 = arith.constant 0 : i32
      %dma_wait3A_636 = arith.constant 0 : i32
      %dma_wait3A_637 = arith.constant 0 : i32
      %dma_wait3A_638 = tpu.memref_slice %arg14[%dma_wait3A_636, %dma_wait3A_637] : memref<512x16xf32, #tpu.memory_space<vmem>> -> memref<128x16xf32, #tpu.memory_space<vmem>>
      %dma_wait3A_639 = arith.constant 0 : i32
      %dma_wait3A_640 = tpu.memref_slice %arg11[%dma_wait3A_635, %dma_wait3A_639] : memref<4x128xi32, #tpu.memory_space<vmem>> -> memref<1x128xi32, #tpu.memory_space<vmem>>
      %dma_wait3A_641 = tpu.memref_squeeze %dma_wait3A_640 : memref<1x128xi32, #tpu.memory_space<vmem>> -> memref<128xi32, #tpu.memory_space<vmem>>
      %dma_wait3A_642 = arith.constant 0 : i32
      %dma_wait3A_643 = arith.constant 0 : i32
      %dma_wait3A_644 = tpu.memref_slice %arg7[%dma_wait3A_642, %dma_wait3A_643] : memref<441x16xf32, #tpu.memory_space<hbm>> -> memref<441x16xf32, #tpu.memory_space<hbm>>
      tpu.wait_indirect_dma semaphore(%arg16 : memref<!tpu.dma_semaphore, #tpu.memory_space<semaphore_mem>>) src(%dma_wait3A_644 : memref<441x16xf32, #tpu.memory_space<hbm>>) dst(%dma_wait3A_638 : memref<128x16xf32, #tpu.memory_space<vmem>>)
      %dma_wait3A_645 = arith.constant 1 : i32
      %dma_wait3A_646 = arith.constant 128 : i32
      %dma_wait3A_647 = arith.constant 0 : i32
      %dma_wait3A_648 = tpu.memref_slice %arg12[%dma_wait3A_646, %dma_wait3A_647] : memref<512x64xf32, #tpu.memory_space<vmem>> -> memref<128x64xf32, #tpu.memory_space<vmem>>
      %dma_wait3A_649 = arith.constant 0 : i32
      %dma_wait3A_650 = tpu.memref_slice %arg9[%dma_wait3A_645, %dma_wait3A_649] : memref<4x128xi32, #tpu.memory_space<vmem>> -> memref<1x128xi32, #tpu.memory_space<vmem>>
      %dma_wait3A_651 = tpu.memref_squeeze %dma_wait3A_650 : memref<1x128xi32, #tpu.memory_space<vmem>> -> memref<128xi32, #tpu.memory_space<vmem>>
      %dma_wait3A_652 = arith.constant 0 : i32
      %dma_wait3A_653 = arith.constant 0 : i32
      %dma_wait3A_654 = tpu.memref_slice %arg5[%dma_wait3A_652, %dma_wait3A_653] : memref<100000x64xf32, #tpu.memory_space<hbm>> -> memref<100000x64xf32, #tpu.memory_space<hbm>>
      tpu.wait_indirect_dma semaphore(%arg16 : memref<!tpu.dma_semaphore, #tpu.memory_space<semaphore_mem>>) src(%dma_wait3A_654 : memref<100000x64xf32, #tpu.memory_space<hbm>>) dst(%dma_wait3A_648 : memref<128x64xf32, #tpu.memory_space<vmem>>)
      %dma_wait3A_655 = arith.constant 1 : i32
      %dma_wait3A_656 = arith.constant 128 : i32
      %dma_wait3A_657 = arith.constant 0 : i32
      %dma_wait3A_658 = tpu.memref_slice %arg13[%dma_wait3A_656, %dma_wait3A_657] : memref<512x32xf32, #tpu.memory_space<vmem>> -> memref<128x32xf32, #tpu.memory_space<vmem>>
      %dma_wait3A_659 = arith.constant 0 : i32
      %dma_wait3A_660 = tpu.memref_slice %arg10[%dma_wait3A_655, %dma_wait3A_659] : memref<4x128xi32, #tpu.memory_space<vmem>> -> memref<1x128xi32, #tpu.memory_space<vmem>>
      %dma_wait3A_661 = tpu.memref_squeeze %dma_wait3A_660 : memref<1x128xi32, #tpu.memory_space<vmem>> -> memref<128xi32, #tpu.memory_space<vmem>>
      %dma_wait3A_662 = arith.constant 0 : i32
      %dma_wait3A_663 = arith.constant 0 : i32
      %dma_wait3A_664 = tpu.memref_slice %arg6[%dma_wait3A_662, %dma_wait3A_663] : memref<2100x32xf32, #tpu.memory_space<hbm>> -> memref<2100x32xf32, #tpu.memory_space<hbm>>
      tpu.wait_indirect_dma semaphore(%arg16 : memref<!tpu.dma_semaphore, #tpu.memory_space<semaphore_mem>>) src(%dma_wait3A_664 : memref<2100x32xf32, #tpu.memory_space<hbm>>) dst(%dma_wait3A_658 : memref<128x32xf32, #tpu.memory_space<vmem>>)
      %dma_wait3A_665 = arith.constant 1 : i32
      %dma_wait3A_666 = arith.constant 128 : i32
      %dma_wait3A_667 = arith.constant 0 : i32
      %dma_wait3A_668 = tpu.memref_slice %arg14[%dma_wait3A_666, %dma_wait3A_667] : memref<512x16xf32, #tpu.memory_space<vmem>> -> memref<128x16xf32, #tpu.memory_space<vmem>>
      %dma_wait3A_669 = arith.constant 0 : i32
      %dma_wait3A_670 = tpu.memref_slice %arg11[%dma_wait3A_665, %dma_wait3A_669] : memref<4x128xi32, #tpu.memory_space<vmem>> -> memref<1x128xi32, #tpu.memory_space<vmem>>
      %dma_wait3A_671 = tpu.memref_squeeze %dma_wait3A_670 : memref<1x128xi32, #tpu.memory_space<vmem>> -> memref<128xi32, #tpu.memory_space<vmem>>
      %dma_wait3A_672 = arith.constant 0 : i32
      %dma_wait3A_673 = arith.constant 0 : i32
      %dma_wait3A_674 = tpu.memref_slice %arg7[%dma_wait3A_672, %dma_wait3A_673] : memref<441x16xf32, #tpu.memory_space<hbm>> -> memref<441x16xf32, #tpu.memory_space<hbm>>
      tpu.wait_indirect_dma semaphore(%arg16 : memref<!tpu.dma_semaphore, #tpu.memory_space<semaphore_mem>>) src(%dma_wait3A_674 : memref<441x16xf32, #tpu.memory_space<hbm>>) dst(%dma_wait3A_668 : memref<128x16xf32, #tpu.memory_space<vmem>>)
      %dma_wait3A_675 = arith.constant 2 : i32
      %dma_wait3A_676 = arith.constant 256 : i32
      %dma_wait3A_677 = arith.constant 0 : i32
      %dma_wait3A_678 = tpu.memref_slice %arg12[%dma_wait3A_676, %dma_wait3A_677] : memref<512x64xf32, #tpu.memory_space<vmem>> -> memref<128x64xf32, #tpu.memory_space<vmem>>
      %dma_wait3A_679 = arith.constant 0 : i32
      %dma_wait3A_680 = tpu.memref_slice %arg9[%dma_wait3A_675, %dma_wait3A_679] : memref<4x128xi32, #tpu.memory_space<vmem>> -> memref<1x128xi32, #tpu.memory_space<vmem>>
      %dma_wait3A_681 = tpu.memref_squeeze %dma_wait3A_680 : memref<1x128xi32, #tpu.memory_space<vmem>> -> memref<128xi32, #tpu.memory_space<vmem>>
      %dma_wait3A_682 = arith.constant 0 : i32
      %dma_wait3A_683 = arith.constant 0 : i32
      %dma_wait3A_684 = tpu.memref_slice %arg5[%dma_wait3A_682, %dma_wait3A_683] : memref<100000x64xf32, #tpu.memory_space<hbm>> -> memref<100000x64xf32, #tpu.memory_space<hbm>>
      tpu.wait_indirect_dma semaphore(%arg16 : memref<!tpu.dma_semaphore, #tpu.memory_space<semaphore_mem>>) src(%dma_wait3A_684 : memref<100000x64xf32, #tpu.memory_space<hbm>>) dst(%dma_wait3A_678 : memref<128x64xf32, #tpu.memory_space<vmem>>)
      %dma_wait3A_685 = arith.constant 2 : i32
      %dma_wait3A_686 = arith.constant 256 : i32
      %dma_wait3A_687 = arith.constant 0 : i32
      %dma_wait3A_688 = tpu.memref_slice %arg13[%dma_wait3A_686, %dma_wait3A_687] : memref<512x32xf32, #tpu.memory_space<vmem>> -> memref<128x32xf32, #tpu.memory_space<vmem>>
      %dma_wait3A_689 = arith.constant 0 : i32
      %dma_wait3A_690 = tpu.memref_slice %arg10[%dma_wait3A_685, %dma_wait3A_689] : memref<4x128xi32, #tpu.memory_space<vmem>> -> memref<1x128xi32, #tpu.memory_space<vmem>>
      %dma_wait3A_691 = tpu.memref_squeeze %dma_wait3A_690 : memref<1x128xi32, #tpu.memory_space<vmem>> -> memref<128xi32, #tpu.memory_space<vmem>>
      %dma_wait3A_692 = arith.constant 0 : i32
      %dma_wait3A_693 = arith.constant 0 : i32
      %dma_wait3A_694 = tpu.memref_slice %arg6[%dma_wait3A_692, %dma_wait3A_693] : memref<2100x32xf32, #tpu.memory_space<hbm>> -> memref<2100x32xf32, #tpu.memory_space<hbm>>
      tpu.wait_indirect_dma semaphore(%arg16 : memref<!tpu.dma_semaphore, #tpu.memory_space<semaphore_mem>>) src(%dma_wait3A_694 : memref<2100x32xf32, #tpu.memory_space<hbm>>) dst(%dma_wait3A_688 : memref<128x32xf32, #tpu.memory_space<vmem>>)
      %dma_wait3A_695 = arith.constant 2 : i32
      %dma_wait3A_696 = arith.constant 256 : i32
      %dma_wait3A_697 = arith.constant 0 : i32
      %dma_wait3A_698 = tpu.memref_slice %arg14[%dma_wait3A_696, %dma_wait3A_697] : memref<512x16xf32, #tpu.memory_space<vmem>> -> memref<128x16xf32, #tpu.memory_space<vmem>>
      %dma_wait3A_699 = arith.constant 0 : i32
      %dma_wait3A_700 = tpu.memref_slice %arg11[%dma_wait3A_695, %dma_wait3A_699] : memref<4x128xi32, #tpu.memory_space<vmem>> -> memref<1x128xi32, #tpu.memory_space<vmem>>
      %dma_wait3A_701 = tpu.memref_squeeze %dma_wait3A_700 : memref<1x128xi32, #tpu.memory_space<vmem>> -> memref<128xi32, #tpu.memory_space<vmem>>
      %dma_wait3A_702 = arith.constant 0 : i32
      %dma_wait3A_703 = arith.constant 0 : i32
      %dma_wait3A_704 = tpu.memref_slice %arg7[%dma_wait3A_702, %dma_wait3A_703] : memref<441x16xf32, #tpu.memory_space<hbm>> -> memref<441x16xf32, #tpu.memory_space<hbm>>
      tpu.wait_indirect_dma semaphore(%arg16 : memref<!tpu.dma_semaphore, #tpu.memory_space<semaphore_mem>>) src(%dma_wait3A_704 : memref<441x16xf32, #tpu.memory_space<hbm>>) dst(%dma_wait3A_698 : memref<128x16xf32, #tpu.memory_space<vmem>>)
      %dma_wait3A_705 = arith.constant 3 : i32
      %dma_wait3A_706 = arith.constant 384 : i32
      %dma_wait3A_707 = arith.constant 0 : i32
      %dma_wait3A_708 = tpu.memref_slice %arg12[%dma_wait3A_706, %dma_wait3A_707] : memref<512x64xf32, #tpu.memory_space<vmem>> -> memref<128x64xf32, #tpu.memory_space<vmem>>
      %dma_wait3A_709 = arith.constant 0 : i32
      %dma_wait3A_710 = tpu.memref_slice %arg9[%dma_wait3A_705, %dma_wait3A_709] : memref<4x128xi32, #tpu.memory_space<vmem>> -> memref<1x128xi32, #tpu.memory_space<vmem>>
      %dma_wait3A_711 = tpu.memref_squeeze %dma_wait3A_710 : memref<1x128xi32, #tpu.memory_space<vmem>> -> memref<128xi32, #tpu.memory_space<vmem>>
      %dma_wait3A_712 = arith.constant 0 : i32
      %dma_wait3A_713 = arith.constant 0 : i32
      %dma_wait3A_714 = tpu.memref_slice %arg5[%dma_wait3A_712, %dma_wait3A_713] : memref<100000x64xf32, #tpu.memory_space<hbm>> -> memref<100000x64xf32, #tpu.memory_space<hbm>>
      tpu.wait_indirect_dma semaphore(%arg16 : memref<!tpu.dma_semaphore, #tpu.memory_space<semaphore_mem>>) src(%dma_wait3A_714 : memref<100000x64xf32, #tpu.memory_space<hbm>>) dst(%dma_wait3A_708 : memref<128x64xf32, #tpu.memory_space<vmem>>)
      %dma_wait3A_715 = arith.constant 3 : i32
      %dma_wait3A_716 = arith.constant 384 : i32
      %dma_wait3A_717 = arith.constant 0 : i32
      %dma_wait3A_718 = tpu.memref_slice %arg13[%dma_wait3A_716, %dma_wait3A_717] : memref<512x32xf32, #tpu.memory_space<vmem>> -> memref<128x32xf32, #tpu.memory_space<vmem>>
      %dma_wait3A_719 = arith.constant 0 : i32
      %dma_wait3A_720 = tpu.memref_slice %arg10[%dma_wait3A_715, %dma_wait3A_719] : memref<4x128xi32, #tpu.memory_space<vmem>> -> memref<1x128xi32, #tpu.memory_space<vmem>>
      %dma_wait3A_721 = tpu.memref_squeeze %dma_wait3A_720 : memref<1x128xi32, #tpu.memory_space<vmem>> -> memref<128xi32, #tpu.memory_space<vmem>>
      %dma_wait3A_722 = arith.constant 0 : i32
      %dma_wait3A_723 = arith.constant 0 : i32
      %dma_wait3A_724 = tpu.memref_slice %arg6[%dma_wait3A_722, %dma_wait3A_723] : memref<2100x32xf32, #tpu.memory_space<hbm>> -> memref<2100x32xf32, #tpu.memory_space<hbm>>
      tpu.wait_indirect_dma semaphore(%arg16 : memref<!tpu.dma_semaphore, #tpu.memory_space<semaphore_mem>>) src(%dma_wait3A_724 : memref<2100x32xf32, #tpu.memory_space<hbm>>) dst(%dma_wait3A_718 : memref<128x32xf32, #tpu.memory_space<vmem>>)
      %dma_wait3A_725 = arith.constant 3 : i32
      %dma_wait3A_726 = arith.constant 384 : i32
      %dma_wait3A_727 = arith.constant 0 : i32
      %dma_wait3A_728 = tpu.memref_slice %arg14[%dma_wait3A_726, %dma_wait3A_727] : memref<512x16xf32, #tpu.memory_space<vmem>> -> memref<128x16xf32, #tpu.memory_space<vmem>>
      %dma_wait3A_729 = arith.constant 0 : i32
      %dma_wait3A_730 = tpu.memref_slice %arg11[%dma_wait3A_725, %dma_wait3A_729] : memref<4x128xi32, #tpu.memory_space<vmem>> -> memref<1x128xi32, #tpu.memory_space<vmem>>
      %dma_wait3A_731 = tpu.memref_squeeze %dma_wait3A_730 : memref<1x128xi32, #tpu.memory_space<vmem>> -> memref<128xi32, #tpu.memory_space<vmem>>
      %dma_wait3A_732 = arith.constant 0 : i32
      %dma_wait3A_733 = arith.constant 0 : i32
      %dma_wait3A_734 = tpu.memref_slice %arg7[%dma_wait3A_732, %dma_wait3A_733] : memref<441x16xf32, #tpu.memory_space<hbm>> -> memref<441x16xf32, #tpu.memory_space<hbm>>
      tpu.wait_indirect_dma semaphore(%arg16 : memref<!tpu.dma_semaphore, #tpu.memory_space<semaphore_mem>>) src(%dma_wait3A_734 : memref<441x16xf32, #tpu.memory_space<hbm>>) dst(%dma_wait3A_728 : memref<128x16xf32, #tpu.memory_space<vmem>>)
      %mul3A_735 = arith.constant 200 : i32
      %mul3A_736 = arith.muli %add3A, %mul3A_735 : i32
      %mul3A_737 = arith.constant 4 : i32
      %mul3A_738 = arith.muli %mul3A_614, %mul3A_737 : i32
      %add3A_739 = arith.addi %mul3A_736, %mul3A_738 : i32
      %mul3A_740 = arith.constant 128 : i32
      %mul3A_741 = arith.muli %add3A_739, %mul3A_740 : i32
      %dma_start3A_742 = arith.constant 0 : i32
      %dma_start3A_743 = tpu.memref_slice %arg8[%mul3A_741, %dma_start3A_742] : memref<819200x128xf32, #tpu.memory_space<hbm>> -> memref<512x64xf32, #tpu.memory_space<hbm>>
      %dma_start3A_744 = arith.constant 0 : i32
      %dma_start3A_745 = tpu.memref_slice %arg8[%mul3A_741, %dma_start3A_744] : memref<819200x128xf32, #tpu.memory_space<hbm>> -> memref<512x64xf32, #tpu.memory_space<hbm>>
      tpu.enqueue_dma source(%arg12 : memref<512x64xf32, #tpu.memory_space<vmem>>) target(%dma_start3A_745 : memref<512x64xf32, #tpu.memory_space<hbm>>) target_semaphore(%arg17 : memref<!tpu.dma_semaphore, #tpu.memory_space<semaphore_mem>>)
      %dma_start3A_746 = arith.constant 64 : i32
      %dma_start3A_747 = tpu.memref_slice %arg8[%mul3A_741, %dma_start3A_746] : memref<819200x128xf32, #tpu.memory_space<hbm>> -> memref<512x32xf32, #tpu.memory_space<hbm>>
      %dma_start3A_748 = arith.constant 64 : i32
      %dma_start3A_749 = tpu.memref_slice %arg8[%mul3A_741, %dma_start3A_748] : memref<819200x128xf32, #tpu.memory_space<hbm>> -> memref<512x32xf32, #tpu.memory_space<hbm>>
      tpu.enqueue_dma source(%arg13 : memref<512x32xf32, #tpu.memory_space<vmem>>) target(%dma_start3A_749 : memref<512x32xf32, #tpu.memory_space<hbm>>) target_semaphore(%arg17 : memref<!tpu.dma_semaphore, #tpu.memory_space<semaphore_mem>>)
      %dma_start3A_750 = arith.constant 96 : i32
      %dma_start3A_751 = tpu.memref_slice %arg8[%mul3A_741, %dma_start3A_750] : memref<819200x128xf32, #tpu.memory_space<hbm>> -> memref<512x16xf32, #tpu.memory_space<hbm>>
      %dma_start3A_752 = arith.constant 96 : i32
      %dma_start3A_753 = tpu.memref_slice %arg8[%mul3A_741, %dma_start3A_752] : memref<819200x128xf32, #tpu.memory_space<hbm>> -> memref<512x16xf32, #tpu.memory_space<hbm>>
      tpu.enqueue_dma source(%arg14 : memref<512x16xf32, #tpu.memory_space<vmem>>) target(%dma_start3A_753 : memref<512x16xf32, #tpu.memory_space<hbm>>) target_semaphore(%arg17 : memref<!tpu.dma_semaphore, #tpu.memory_space<semaphore_mem>>)
      %add3A_754 = arith.constant 1 : i32
      %add3A_755 = arith.addi %mul3A_614, %add3A_754 : i32
      %dma_wait3A_756 = arith.constant 0 : i32
      %dma_wait3A_757 = arith.constant 0 : i32
      %dma_wait3A_758 = arith.constant 0 : i32
      %dma_wait3A_759 = tpu.memref_slice %arg21[%dma_wait3A_757, %dma_wait3A_758] : memref<512x64xf32, #tpu.memory_space<vmem>> -> memref<128x64xf32, #tpu.memory_space<vmem>>
      %dma_wait3A_760 = arith.constant 0 : i32
      %dma_wait3A_761 = tpu.memref_slice %arg18[%dma_wait3A_756, %dma_wait3A_760] : memref<4x128xi32, #tpu.memory_space<vmem>> -> memref<1x128xi32, #tpu.memory_space<vmem>>
      %dma_wait3A_762 = tpu.memref_squeeze %dma_wait3A_761 : memref<1x128xi32, #tpu.memory_space<vmem>> -> memref<128xi32, #tpu.memory_space<vmem>>
      %dma_wait3A_763 = arith.constant 0 : i32
      %dma_wait3A_764 = arith.constant 0 : i32
      %dma_wait3A_765 = tpu.memref_slice %arg5[%dma_wait3A_763, %dma_wait3A_764] : memref<100000x64xf32, #tpu.memory_space<hbm>> -> memref<100000x64xf32, #tpu.memory_space<hbm>>
      tpu.wait_indirect_dma semaphore(%arg25 : memref<!tpu.dma_semaphore, #tpu.memory_space<semaphore_mem>>) src(%dma_wait3A_765 : memref<100000x64xf32, #tpu.memory_space<hbm>>) dst(%dma_wait3A_759 : memref<128x64xf32, #tpu.memory_space<vmem>>)
      %dma_wait3A_766 = arith.constant 0 : i32
      %dma_wait3A_767 = arith.constant 0 : i32
      %dma_wait3A_768 = arith.constant 0 : i32
      %dma_wait3A_769 = tpu.memref_slice %arg22[%dma_wait3A_767, %dma_wait3A_768] : memref<512x32xf32, #tpu.memory_space<vmem>> -> memref<128x32xf32, #tpu.memory_space<vmem>>
      %dma_wait3A_770 = arith.constant 0 : i32
      %dma_wait3A_771 = tpu.memref_slice %arg19[%dma_wait3A_766, %dma_wait3A_770] : memref<4x128xi32, #tpu.memory_space<vmem>> -> memref<1x128xi32, #tpu.memory_space<vmem>>
      %dma_wait3A_772 = tpu.memref_squeeze %dma_wait3A_771 : memref<1x128xi32, #tpu.memory_space<vmem>> -> memref<128xi32, #tpu.memory_space<vmem>>
      %dma_wait3A_773 = arith.constant 0 : i32
      %dma_wait3A_774 = arith.constant 0 : i32
      %dma_wait3A_775 = tpu.memref_slice %arg6[%dma_wait3A_773, %dma_wait3A_774] : memref<2100x32xf32, #tpu.memory_space<hbm>> -> memref<2100x32xf32, #tpu.memory_space<hbm>>
      tpu.wait_indirect_dma semaphore(%arg25 : memref<!tpu.dma_semaphore, #tpu.memory_space<semaphore_mem>>) src(%dma_wait3A_775 : memref<2100x32xf32, #tpu.memory_space<hbm>>) dst(%dma_wait3A_769 : memref<128x32xf32, #tpu.memory_space<vmem>>)
      %dma_wait3A_776 = arith.constant 0 : i32
      %dma_wait3A_777 = arith.constant 0 : i32
      %dma_wait3A_778 = arith.constant 0 : i32
      %dma_wait3A_779 = tpu.memref_slice %arg23[%dma_wait3A_777, %dma_wait3A_778] : memref<512x16xf32, #tpu.memory_space<vmem>> -> memref<128x16xf32, #tpu.memory_space<vmem>>
      %dma_wait3A_780 = arith.constant 0 : i32
      %dma_wait3A_781 = tpu.memref_slice %arg20[%dma_wait3A_776, %dma_wait3A_780] : memref<4x128xi32, #tpu.memory_space<vmem>> -> memref<1x128xi32, #tpu.memory_space<vmem>>
      %dma_wait3A_782 = tpu.memref_squeeze %dma_wait3A_781 : memref<1x128xi32, #tpu.memory_space<vmem>> -> memref<128xi32, #tpu.memory_space<vmem>>
      %dma_wait3A_783 = arith.constant 0 : i32
      %dma_wait3A_784 = arith.constant 0 : i32
      %dma_wait3A_785 = tpu.memref_slice %arg7[%dma_wait3A_783, %dma_wait3A_784] : memref<441x16xf32, #tpu.memory_space<hbm>> -> memref<441x16xf32, #tpu.memory_space<hbm>>
      tpu.wait_indirect_dma semaphore(%arg25 : memref<!tpu.dma_semaphore, #tpu.memory_space<semaphore_mem>>) src(%dma_wait3A_785 : memref<441x16xf32, #tpu.memory_space<hbm>>) dst(%dma_wait3A_779 : memref<128x16xf32, #tpu.memory_space<vmem>>)
      %dma_wait3A_786 = arith.constant 1 : i32
      %dma_wait3A_787 = arith.constant 128 : i32
      %dma_wait3A_788 = arith.constant 0 : i32
      %dma_wait3A_789 = tpu.memref_slice %arg21[%dma_wait3A_787, %dma_wait3A_788] : memref<512x64xf32, #tpu.memory_space<vmem>> -> memref<128x64xf32, #tpu.memory_space<vmem>>
      %dma_wait3A_790 = arith.constant 0 : i32
      %dma_wait3A_791 = tpu.memref_slice %arg18[%dma_wait3A_786, %dma_wait3A_790] : memref<4x128xi32, #tpu.memory_space<vmem>> -> memref<1x128xi32, #tpu.memory_space<vmem>>
      %dma_wait3A_792 = tpu.memref_squeeze %dma_wait3A_791 : memref<1x128xi32, #tpu.memory_space<vmem>> -> memref<128xi32, #tpu.memory_space<vmem>>
      %dma_wait3A_793 = arith.constant 0 : i32
      %dma_wait3A_794 = arith.constant 0 : i32
      %dma_wait3A_795 = tpu.memref_slice %arg5[%dma_wait3A_793, %dma_wait3A_794] : memref<100000x64xf32, #tpu.memory_space<hbm>> -> memref<100000x64xf32, #tpu.memory_space<hbm>>
      tpu.wait_indirect_dma semaphore(%arg25 : memref<!tpu.dma_semaphore, #tpu.memory_space<semaphore_mem>>) src(%dma_wait3A_795 : memref<100000x64xf32, #tpu.memory_space<hbm>>) dst(%dma_wait3A_789 : memref<128x64xf32, #tpu.memory_space<vmem>>)
      %dma_wait3A_796 = arith.constant 1 : i32
      %dma_wait3A_797 = arith.constant 128 : i32
      %dma_wait3A_798 = arith.constant 0 : i32
      %dma_wait3A_799 = tpu.memref_slice %arg22[%dma_wait3A_797, %dma_wait3A_798] : memref<512x32xf32, #tpu.memory_space<vmem>> -> memref<128x32xf32, #tpu.memory_space<vmem>>
      %dma_wait3A_800 = arith.constant 0 : i32
      %dma_wait3A_801 = tpu.memref_slice %arg19[%dma_wait3A_796, %dma_wait3A_800] : memref<4x128xi32, #tpu.memory_space<vmem>> -> memref<1x128xi32, #tpu.memory_space<vmem>>
      %dma_wait3A_802 = tpu.memref_squeeze %dma_wait3A_801 : memref<1x128xi32, #tpu.memory_space<vmem>> -> memref<128xi32, #tpu.memory_space<vmem>>
      %dma_wait3A_803 = arith.constant 0 : i32
      %dma_wait3A_804 = arith.constant 0 : i32
      %dma_wait3A_805 = tpu.memref_slice %arg6[%dma_wait3A_803, %dma_wait3A_804] : memref<2100x32xf32, #tpu.memory_space<hbm>> -> memref<2100x32xf32, #tpu.memory_space<hbm>>
      tpu.wait_indirect_dma semaphore(%arg25 : memref<!tpu.dma_semaphore, #tpu.memory_space<semaphore_mem>>) src(%dma_wait3A_805 : memref<2100x32xf32, #tpu.memory_space<hbm>>) dst(%dma_wait3A_799 : memref<128x32xf32, #tpu.memory_space<vmem>>)
      %dma_wait3A_806 = arith.constant 1 : i32
      %dma_wait3A_807 = arith.constant 128 : i32
      %dma_wait3A_808 = arith.constant 0 : i32
      %dma_wait3A_809 = tpu.memref_slice %arg23[%dma_wait3A_807, %dma_wait3A_808] : memref<512x16xf32, #tpu.memory_space<vmem>> -> memref<128x16xf32, #tpu.memory_space<vmem>>
      %dma_wait3A_810 = arith.constant 0 : i32
      %dma_wait3A_811 = tpu.memref_slice %arg20[%dma_wait3A_806, %dma_wait3A_810] : memref<4x128xi32, #tpu.memory_space<vmem>> -> memref<1x128xi32, #tpu.memory_space<vmem>>
      %dma_wait3A_812 = tpu.memref_squeeze %dma_wait3A_811 : memref<1x128xi32, #tpu.memory_space<vmem>> -> memref<128xi32, #tpu.memory_space<vmem>>
      %dma_wait3A_813 = arith.constant 0 : i32
      %dma_wait3A_814 = arith.constant 0 : i32
      %dma_wait3A_815 = tpu.memref_slice %arg7[%dma_wait3A_813, %dma_wait3A_814] : memref<441x16xf32, #tpu.memory_space<hbm>> -> memref<441x16xf32, #tpu.memory_space<hbm>>
      tpu.wait_indirect_dma semaphore(%arg25 : memref<!tpu.dma_semaphore, #tpu.memory_space<semaphore_mem>>) src(%dma_wait3A_815 : memref<441x16xf32, #tpu.memory_space<hbm>>) dst(%dma_wait3A_809 : memref<128x16xf32, #tpu.memory_space<vmem>>)
      %dma_wait3A_816 = arith.constant 2 : i32
      %dma_wait3A_817 = arith.constant 256 : i32
      %dma_wait3A_818 = arith.constant 0 : i32
      %dma_wait3A_819 = tpu.memref_slice %arg21[%dma_wait3A_817, %dma_wait3A_818] : memref<512x64xf32, #tpu.memory_space<vmem>> -> memref<128x64xf32, #tpu.memory_space<vmem>>
      %dma_wait3A_820 = arith.constant 0 : i32
      %dma_wait3A_821 = tpu.memref_slice %arg18[%dma_wait3A_816, %dma_wait3A_820] : memref<4x128xi32, #tpu.memory_space<vmem>> -> memref<1x128xi32, #tpu.memory_space<vmem>>
      %dma_wait3A_822 = tpu.memref_squeeze %dma_wait3A_821 : memref<1x128xi32, #tpu.memory_space<vmem>> -> memref<128xi32, #tpu.memory_space<vmem>>
      %dma_wait3A_823 = arith.constant 0 : i32
      %dma_wait3A_824 = arith.constant 0 : i32
      %dma_wait3A_825 = tpu.memref_slice %arg5[%dma_wait3A_823, %dma_wait3A_824] : memref<100000x64xf32, #tpu.memory_space<hbm>> -> memref<100000x64xf32, #tpu.memory_space<hbm>>
      tpu.wait_indirect_dma semaphore(%arg25 : memref<!tpu.dma_semaphore, #tpu.memory_space<semaphore_mem>>) src(%dma_wait3A_825 : memref<100000x64xf32, #tpu.memory_space<hbm>>) dst(%dma_wait3A_819 : memref<128x64xf32, #tpu.memory_space<vmem>>)
      %dma_wait3A_826 = arith.constant 2 : i32
      %dma_wait3A_827 = arith.constant 256 : i32
      %dma_wait3A_828 = arith.constant 0 : i32
      %dma_wait3A_829 = tpu.memref_slice %arg22[%dma_wait3A_827, %dma_wait3A_828] : memref<512x32xf32, #tpu.memory_space<vmem>> -> memref<128x32xf32, #tpu.memory_space<vmem>>
      %dma_wait3A_830 = arith.constant 0 : i32
      %dma_wait3A_831 = tpu.memref_slice %arg19[%dma_wait3A_826, %dma_wait3A_830] : memref<4x128xi32, #tpu.memory_space<vmem>> -> memref<1x128xi32, #tpu.memory_space<vmem>>
      %dma_wait3A_832 = tpu.memref_squeeze %dma_wait3A_831 : memref<1x128xi32, #tpu.memory_space<vmem>> -> memref<128xi32, #tpu.memory_space<vmem>>
      %dma_wait3A_833 = arith.constant 0 : i32
      %dma_wait3A_834 = arith.constant 0 : i32
      %dma_wait3A_835 = tpu.memref_slice %arg6[%dma_wait3A_833, %dma_wait3A_834] : memref<2100x32xf32, #tpu.memory_space<hbm>> -> memref<2100x32xf32, #tpu.memory_space<hbm>>
      tpu.wait_indirect_dma semaphore(%arg25 : memref<!tpu.dma_semaphore, #tpu.memory_space<semaphore_mem>>) src(%dma_wait3A_835 : memref<2100x32xf32, #tpu.memory_space<hbm>>) dst(%dma_wait3A_829 : memref<128x32xf32, #tpu.memory_space<vmem>>)
      %dma_wait3A_836 = arith.constant 2 : i32
      %dma_wait3A_837 = arith.constant 256 : i32
      %dma_wait3A_838 = arith.constant 0 : i32
      %dma_wait3A_839 = tpu.memref_slice %arg23[%dma_wait3A_837, %dma_wait3A_838] : memref<512x16xf32, #tpu.memory_space<vmem>> -> memref<128x16xf32, #tpu.memory_space<vmem>>
      %dma_wait3A_840 = arith.constant 0 : i32
      %dma_wait3A_841 = tpu.memref_slice %arg20[%dma_wait3A_836, %dma_wait3A_840] : memref<4x128xi32, #tpu.memory_space<vmem>> -> memref<1x128xi32, #tpu.memory_space<vmem>>
      %dma_wait3A_842 = tpu.memref_squeeze %dma_wait3A_841 : memref<1x128xi32, #tpu.memory_space<vmem>> -> memref<128xi32, #tpu.memory_space<vmem>>
      %dma_wait3A_843 = arith.constant 0 : i32
      %dma_wait3A_844 = arith.constant 0 : i32
      %dma_wait3A_845 = tpu.memref_slice %arg7[%dma_wait3A_843, %dma_wait3A_844] : memref<441x16xf32, #tpu.memory_space<hbm>> -> memref<441x16xf32, #tpu.memory_space<hbm>>
      tpu.wait_indirect_dma semaphore(%arg25 : memref<!tpu.dma_semaphore, #tpu.memory_space<semaphore_mem>>) src(%dma_wait3A_845 : memref<441x16xf32, #tpu.memory_space<hbm>>) dst(%dma_wait3A_839 : memref<128x16xf32, #tpu.memory_space<vmem>>)
      %dma_wait3A_846 = arith.constant 3 : i32
      %dma_wait3A_847 = arith.constant 384 : i32
      %dma_wait3A_848 = arith.constant 0 : i32
      %dma_wait3A_849 = tpu.memref_slice %arg21[%dma_wait3A_847, %dma_wait3A_848] : memref<512x64xf32, #tpu.memory_space<vmem>> -> memref<128x64xf32, #tpu.memory_space<vmem>>
      %dma_wait3A_850 = arith.constant 0 : i32
      %dma_wait3A_851 = tpu.memref_slice %arg18[%dma_wait3A_846, %dma_wait3A_850] : memref<4x128xi32, #tpu.memory_space<vmem>> -> memref<1x128xi32, #tpu.memory_space<vmem>>
      %dma_wait3A_852 = tpu.memref_squeeze %dma_wait3A_851 : memref<1x128xi32, #tpu.memory_space<vmem>> -> memref<128xi32, #tpu.memory_space<vmem>>
      %dma_wait3A_853 = arith.constant 0 : i32
      %dma_wait3A_854 = arith.constant 0 : i32
      %dma_wait3A_855 = tpu.memref_slice %arg5[%dma_wait3A_853, %dma_wait3A_854] : memref<100000x64xf32, #tpu.memory_space<hbm>> -> memref<100000x64xf32, #tpu.memory_space<hbm>>
      tpu.wait_indirect_dma semaphore(%arg25 : memref<!tpu.dma_semaphore, #tpu.memory_space<semaphore_mem>>) src(%dma_wait3A_855 : memref<100000x64xf32, #tpu.memory_space<hbm>>) dst(%dma_wait3A_849 : memref<128x64xf32, #tpu.memory_space<vmem>>)
      %dma_wait3A_856 = arith.constant 3 : i32
      %dma_wait3A_857 = arith.constant 384 : i32
      %dma_wait3A_858 = arith.constant 0 : i32
      %dma_wait3A_859 = tpu.memref_slice %arg22[%dma_wait3A_857, %dma_wait3A_858] : memref<512x32xf32, #tpu.memory_space<vmem>> -> memref<128x32xf32, #tpu.memory_space<vmem>>
      %dma_wait3A_860 = arith.constant 0 : i32
      %dma_wait3A_861 = tpu.memref_slice %arg19[%dma_wait3A_856, %dma_wait3A_860] : memref<4x128xi32, #tpu.memory_space<vmem>> -> memref<1x128xi32, #tpu.memory_space<vmem>>
      %dma_wait3A_862 = tpu.memref_squeeze %dma_wait3A_861 : memref<1x128xi32, #tpu.memory_space<vmem>> -> memref<128xi32, #tpu.memory_space<vmem>>
      %dma_wait3A_863 = arith.constant 0 : i32
      %dma_wait3A_864 = arith.constant 0 : i32
      %dma_wait3A_865 = tpu.memref_slice %arg6[%dma_wait3A_863, %dma_wait3A_864] : memref<2100x32xf32, #tpu.memory_space<hbm>> -> memref<2100x32xf32, #tpu.memory_space<hbm>>
      tpu.wait_indirect_dma semaphore(%arg25 : memref<!tpu.dma_semaphore, #tpu.memory_space<semaphore_mem>>) src(%dma_wait3A_865 : memref<2100x32xf32, #tpu.memory_space<hbm>>) dst(%dma_wait3A_859 : memref<128x32xf32, #tpu.memory_space<vmem>>)
      %dma_wait3A_866 = arith.constant 3 : i32
      %dma_wait3A_867 = arith.constant 384 : i32
      %dma_wait3A_868 = arith.constant 0 : i32
      %dma_wait3A_869 = tpu.memref_slice %arg23[%dma_wait3A_867, %dma_wait3A_868] : memref<512x16xf32, #tpu.memory_space<vmem>> -> memref<128x16xf32, #tpu.memory_space<vmem>>
      %dma_wait3A_870 = arith.constant 0 : i32
      %dma_wait3A_871 = tpu.memref_slice %arg20[%dma_wait3A_866, %dma_wait3A_870] : memref<4x128xi32, #tpu.memory_space<vmem>> -> memref<1x128xi32, #tpu.memory_space<vmem>>
      %dma_wait3A_872 = tpu.memref_squeeze %dma_wait3A_871 : memref<1x128xi32, #tpu.memory_space<vmem>> -> memref<128xi32, #tpu.memory_space<vmem>>
      %dma_wait3A_873 = arith.constant 0 : i32
      %dma_wait3A_874 = arith.constant 0 : i32
      %dma_wait3A_875 = tpu.memref_slice %arg7[%dma_wait3A_873, %dma_wait3A_874] : memref<441x16xf32, #tpu.memory_space<hbm>> -> memref<441x16xf32, #tpu.memory_space<hbm>>
      tpu.wait_indirect_dma semaphore(%arg25 : memref<!tpu.dma_semaphore, #tpu.memory_space<semaphore_mem>>) src(%dma_wait3A_875 : memref<441x16xf32, #tpu.memory_space<hbm>>) dst(%dma_wait3A_869 : memref<128x16xf32, #tpu.memory_space<vmem>>)
      %mul3A_876 = arith.constant 200 : i32
      %mul3A_877 = arith.muli %add3A, %mul3A_876 : i32
      %mul3A_878 = arith.constant 4 : i32
      %mul3A_879 = arith.muli %add3A_755, %mul3A_878 : i32
      %add3A_880 = arith.addi %mul3A_877, %mul3A_879 : i32
      %mul3A_881 = arith.constant 128 : i32
      %mul3A_882 = arith.muli %add3A_880, %mul3A_881 : i32
      %dma_start3A_883 = arith.constant 0 : i32
      %dma_start3A_884 = tpu.memref_slice %arg8[%mul3A_882, %dma_start3A_883] : memref<819200x128xf32, #tpu.memory_space<hbm>> -> memref<512x64xf32, #tpu.memory_space<hbm>>
      %dma_start3A_885 = arith.constant 0 : i32
      %dma_start3A_886 = tpu.memref_slice %arg8[%mul3A_882, %dma_start3A_885] : memref<819200x128xf32, #tpu.memory_space<hbm>> -> memref<512x64xf32, #tpu.memory_space<hbm>>
      tpu.enqueue_dma source(%arg21 : memref<512x64xf32, #tpu.memory_space<vmem>>) target(%dma_start3A_886 : memref<512x64xf32, #tpu.memory_space<hbm>>) target_semaphore(%arg26 : memref<!tpu.dma_semaphore, #tpu.memory_space<semaphore_mem>>)
      %dma_start3A_887 = arith.constant 64 : i32
      %dma_start3A_888 = tpu.memref_slice %arg8[%mul3A_882, %dma_start3A_887] : memref<819200x128xf32, #tpu.memory_space<hbm>> -> memref<512x32xf32, #tpu.memory_space<hbm>>
      %dma_start3A_889 = arith.constant 64 : i32
      %dma_start3A_890 = tpu.memref_slice %arg8[%mul3A_882, %dma_start3A_889] : memref<819200x128xf32, #tpu.memory_space<hbm>> -> memref<512x32xf32, #tpu.memory_space<hbm>>
      tpu.enqueue_dma source(%arg22 : memref<512x32xf32, #tpu.memory_space<vmem>>) target(%dma_start3A_890 : memref<512x32xf32, #tpu.memory_space<hbm>>) target_semaphore(%arg26 : memref<!tpu.dma_semaphore, #tpu.memory_space<semaphore_mem>>)
      %dma_start3A_891 = arith.constant 96 : i32
      %dma_start3A_892 = tpu.memref_slice %arg8[%mul3A_882, %dma_start3A_891] : memref<819200x128xf32, #tpu.memory_space<hbm>> -> memref<512x16xf32, #tpu.memory_space<hbm>>
      %dma_start3A_893 = arith.constant 96 : i32
      %dma_start3A_894 = tpu.memref_slice %arg8[%mul3A_882, %dma_start3A_893] : memref<819200x128xf32, #tpu.memory_space<hbm>> -> memref<512x16xf32, #tpu.memory_space<hbm>>
      tpu.enqueue_dma source(%arg23 : memref<512x16xf32, #tpu.memory_space<vmem>>) target(%dma_start3A_894 : memref<512x16xf32, #tpu.memory_space<hbm>>) target_semaphore(%arg26 : memref<!tpu.dma_semaphore, #tpu.memory_space<semaphore_mem>>)
      %dma_wait3A_895 = arith.constant 0 : i32
      %dma_wait3A_896 = arith.constant 0 : i32
      %dma_wait3A_897 = tpu.memref_slice %arg8[%dma_wait3A_895, %dma_wait3A_896] : memref<819200x128xf32, #tpu.memory_space<hbm>> -> memref<512x64xf32, #tpu.memory_space<hbm>>
      %dma_wait3A_898 = arith.constant 0 : i32
      %dma_wait3A_899 = arith.constant 0 : i32
      %dma_wait3A_900 = tpu.memref_slice %arg8[%dma_wait3A_898, %dma_wait3A_899] : memref<819200x128xf32, #tpu.memory_space<hbm>> -> memref<512x64xf32, #tpu.memory_space<hbm>>
      tpu.wait_dma2 semaphore(%arg17 : memref<!tpu.dma_semaphore, #tpu.memory_space<semaphore_mem>>) src(%arg12 : memref<512x64xf32, #tpu.memory_space<vmem>>) dst(%dma_wait3A_900 : memref<512x64xf32, #tpu.memory_space<hbm>>)
      %dma_wait3A_901 = arith.constant 0 : i32
      %dma_wait3A_902 = arith.constant 64 : i32
      %dma_wait3A_903 = tpu.memref_slice %arg8[%dma_wait3A_901, %dma_wait3A_902] : memref<819200x128xf32, #tpu.memory_space<hbm>> -> memref<512x32xf32, #tpu.memory_space<hbm>>
      %dma_wait3A_904 = arith.constant 0 : i32
      %dma_wait3A_905 = arith.constant 64 : i32
      %dma_wait3A_906 = tpu.memref_slice %arg8[%dma_wait3A_904, %dma_wait3A_905] : memref<819200x128xf32, #tpu.memory_space<hbm>> -> memref<512x32xf32, #tpu.memory_space<hbm>>
      tpu.wait_dma2 semaphore(%arg17 : memref<!tpu.dma_semaphore, #tpu.memory_space<semaphore_mem>>) src(%arg13 : memref<512x32xf32, #tpu.memory_space<vmem>>) dst(%dma_wait3A_906 : memref<512x32xf32, #tpu.memory_space<hbm>>)
      %dma_wait3A_907 = arith.constant 0 : i32
      %dma_wait3A_908 = arith.constant 96 : i32
      %dma_wait3A_909 = tpu.memref_slice %arg8[%dma_wait3A_907, %dma_wait3A_908] : memref<819200x128xf32, #tpu.memory_space<hbm>> -> memref<512x16xf32, #tpu.memory_space<hbm>>
      %dma_wait3A_910 = arith.constant 0 : i32
      %dma_wait3A_911 = arith.constant 96 : i32
      %dma_wait3A_912 = tpu.memref_slice %arg8[%dma_wait3A_910, %dma_wait3A_911] : memref<819200x128xf32, #tpu.memory_space<hbm>> -> memref<512x16xf32, #tpu.memory_space<hbm>>
      tpu.wait_dma2 semaphore(%arg17 : memref<!tpu.dma_semaphore, #tpu.memory_space<semaphore_mem>>) src(%arg14 : memref<512x16xf32, #tpu.memory_space<vmem>>) dst(%dma_wait3A_912 : memref<512x16xf32, #tpu.memory_space<hbm>>)
      %add3A_913 = arith.constant 2 : i32
      %add3A_914 = arith.addi %mul3A_614, %add3A_913 : i32
      %mul3A_915 = arith.constant 200 : i32
      %mul3A_916 = arith.muli %add3A, %mul3A_915 : i32
      %mul3A_917 = arith.constant 4 : i32
      %mul3A_918 = arith.muli %add3A_914, %mul3A_917 : i32
      %add3A_919 = arith.addi %mul3A_916, %mul3A_918 : i32
      %dma_start3A_920 = arith.constant 0 : i32
      %dma_start3A_921 = tpu.memref_slice %arg2[%add3A_919, %dma_start3A_920] : memref<6400x128xi32, #tpu.memory_space<hbm>> -> memref<4x128xi32, #tpu.memory_space<hbm>>
      %dma_start3A_922 = arith.constant 0 : i32
      %dma_start3A_923 = tpu.memref_slice %arg2[%add3A_919, %dma_start3A_922] : memref<6400x128xi32, #tpu.memory_space<hbm>> -> memref<4x128xi32, #tpu.memory_space<hbm>>
      tpu.enqueue_dma source(%dma_start3A_923 : memref<4x128xi32, #tpu.memory_space<hbm>>) target(%arg9 : memref<4x128xi32, #tpu.memory_space<vmem>>) target_semaphore(%arg15 : memref<!tpu.dma_semaphore, #tpu.memory_space<semaphore_mem>>)
      %dma_start3A_924 = arith.constant 0 : i32
      %dma_start3A_925 = tpu.memref_slice %arg3[%add3A_919, %dma_start3A_924] : memref<6400x128xi32, #tpu.memory_space<hbm>> -> memref<4x128xi32, #tpu.memory_space<hbm>>
      %dma_start3A_926 = arith.constant 0 : i32
      %dma_start3A_927 = tpu.memref_slice %arg3[%add3A_919, %dma_start3A_926] : memref<6400x128xi32, #tpu.memory_space<hbm>> -> memref<4x128xi32, #tpu.memory_space<hbm>>
      tpu.enqueue_dma source(%dma_start3A_927 : memref<4x128xi32, #tpu.memory_space<hbm>>) target(%arg10 : memref<4x128xi32, #tpu.memory_space<vmem>>) target_semaphore(%arg15 : memref<!tpu.dma_semaphore, #tpu.memory_space<semaphore_mem>>)
      %dma_start3A_928 = arith.constant 0 : i32
      %dma_start3A_929 = tpu.memref_slice %arg4[%add3A_919, %dma_start3A_928] : memref<6400x128xi32, #tpu.memory_space<hbm>> -> memref<4x128xi32, #tpu.memory_space<hbm>>
      %dma_start3A_930 = arith.constant 0 : i32
      %dma_start3A_931 = tpu.memref_slice %arg4[%add3A_919, %dma_start3A_930] : memref<6400x128xi32, #tpu.memory_space<hbm>> -> memref<4x128xi32, #tpu.memory_space<hbm>>
      tpu.enqueue_dma source(%dma_start3A_931 : memref<4x128xi32, #tpu.memory_space<hbm>>) target(%arg11 : memref<4x128xi32, #tpu.memory_space<vmem>>) target_semaphore(%arg15 : memref<!tpu.dma_semaphore, #tpu.memory_space<semaphore_mem>>)
      %dma_wait3A_932 = arith.constant 0 : i32
      %dma_wait3A_933 = tpu.memref_slice %arg2[%add3A_919, %dma_wait3A_932] : memref<6400x128xi32, #tpu.memory_space<hbm>> -> memref<4x128xi32, #tpu.memory_space<hbm>>
      %dma_wait3A_934 = arith.constant 0 : i32
      %dma_wait3A_935 = tpu.memref_slice %arg2[%add3A_919, %dma_wait3A_934] : memref<6400x128xi32, #tpu.memory_space<hbm>> -> memref<4x128xi32, #tpu.memory_space<hbm>>
      tpu.wait_dma2 semaphore(%arg15 : memref<!tpu.dma_semaphore, #tpu.memory_space<semaphore_mem>>) src(%dma_wait3A_935 : memref<4x128xi32, #tpu.memory_space<hbm>>) dst(%arg9 : memref<4x128xi32, #tpu.memory_space<vmem>>)
      %dma_wait3A_936 = arith.constant 0 : i32
      %dma_wait3A_937 = tpu.memref_slice %arg3[%add3A_919, %dma_wait3A_936] : memref<6400x128xi32, #tpu.memory_space<hbm>> -> memref<4x128xi32, #tpu.memory_space<hbm>>
      %dma_wait3A_938 = arith.constant 0 : i32
      %dma_wait3A_939 = tpu.memref_slice %arg3[%add3A_919, %dma_wait3A_938] : memref<6400x128xi32, #tpu.memory_space<hbm>> -> memref<4x128xi32, #tpu.memory_space<hbm>>
      tpu.wait_dma2 semaphore(%arg15 : memref<!tpu.dma_semaphore, #tpu.memory_space<semaphore_mem>>) src(%dma_wait3A_939 : memref<4x128xi32, #tpu.memory_space<hbm>>) dst(%arg10 : memref<4x128xi32, #tpu.memory_space<vmem>>)
      %dma_wait3A_940 = arith.constant 0 : i32
      %dma_wait3A_941 = tpu.memref_slice %arg4[%add3A_919, %dma_wait3A_940] : memref<6400x128xi32, #tpu.memory_space<hbm>> -> memref<4x128xi32, #tpu.memory_space<hbm>>
      %dma_wait3A_942 = arith.constant 0 : i32
      %dma_wait3A_943 = tpu.memref_slice %arg4[%add3A_919, %dma_wait3A_942] : memref<6400x128xi32, #tpu.memory_space<hbm>> -> memref<4x128xi32, #tpu.memory_space<hbm>>
      tpu.wait_dma2 semaphore(%arg15 : memref<!tpu.dma_semaphore, #tpu.memory_space<semaphore_mem>>) src(%dma_wait3A_943 : memref<4x128xi32, #tpu.memory_space<hbm>>) dst(%arg11 : memref<4x128xi32, #tpu.memory_space<vmem>>)
      %dma_start3A_944 = arith.constant 0 : i32
      %dma_start3A_945 = arith.constant 0 : i32
      %dma_start3A_946 = arith.constant 0 : i32
      %dma_start3A_947 = tpu.memref_slice %arg12[%dma_start3A_945, %dma_start3A_946] : memref<512x64xf32, #tpu.memory_space<vmem>> -> memref<128x64xf32, #tpu.memory_space<vmem>>
      %dma_start3A_948 = arith.constant 0 : i32
      %dma_start3A_949 = tpu.memref_slice %arg9[%dma_start3A_944, %dma_start3A_948] : memref<4x128xi32, #tpu.memory_space<vmem>> -> memref<1x128xi32, #tpu.memory_space<vmem>>
      %dma_start3A_950 = tpu.memref_squeeze %dma_start3A_949 : memref<1x128xi32, #tpu.memory_space<vmem>> -> memref<128xi32, #tpu.memory_space<vmem>>
      %dma_start3A_951 = arith.constant 0 : i32
      %dma_start3A_952 = arith.constant 0 : i32
      %dma_start3A_953 = tpu.memref_slice %arg5[%dma_start3A_951, %dma_start3A_952] : memref<100000x64xf32, #tpu.memory_space<hbm>> -> memref<100000x64xf32, #tpu.memory_space<hbm>>
      tpu.enqueue_indirect_dma source(%dma_start3A_953 : memref<100000x64xf32, #tpu.memory_space<hbm>>) target(%dma_start3A_947 : memref<128x64xf32, #tpu.memory_space<vmem>>) offsets(%dma_start3A_950 : memref<128xi32, #tpu.memory_space<vmem>>) semaphore(%arg16 : memref<!tpu.dma_semaphore, #tpu.memory_space<semaphore_mem>>)
      %dma_start3A_954 = arith.constant 0 : i32
      %dma_start3A_955 = arith.constant 0 : i32
      %dma_start3A_956 = arith.constant 0 : i32
      %dma_start3A_957 = tpu.memref_slice %arg13[%dma_start3A_955, %dma_start3A_956] : memref<512x32xf32, #tpu.memory_space<vmem>> -> memref<128x32xf32, #tpu.memory_space<vmem>>
      %dma_start3A_958 = arith.constant 0 : i32
      %dma_start3A_959 = tpu.memref_slice %arg10[%dma_start3A_954, %dma_start3A_958] : memref<4x128xi32, #tpu.memory_space<vmem>> -> memref<1x128xi32, #tpu.memory_space<vmem>>
      %dma_start3A_960 = tpu.memref_squeeze %dma_start3A_959 : memref<1x128xi32, #tpu.memory_space<vmem>> -> memref<128xi32, #tpu.memory_space<vmem>>
      %dma_start3A_961 = arith.constant 0 : i32
      %dma_start3A_962 = arith.constant 0 : i32
      %dma_start3A_963 = tpu.memref_slice %arg6[%dma_start3A_961, %dma_start3A_962] : memref<2100x32xf32, #tpu.memory_space<hbm>> -> memref<2100x32xf32, #tpu.memory_space<hbm>>
      tpu.enqueue_indirect_dma source(%dma_start3A_963 : memref<2100x32xf32, #tpu.memory_space<hbm>>) target(%dma_start3A_957 : memref<128x32xf32, #tpu.memory_space<vmem>>) offsets(%dma_start3A_960 : memref<128xi32, #tpu.memory_space<vmem>>) semaphore(%arg16 : memref<!tpu.dma_semaphore, #tpu.memory_space<semaphore_mem>>)
      %dma_start3A_964 = arith.constant 0 : i32
      %dma_start3A_965 = arith.constant 0 : i32
      %dma_start3A_966 = arith.constant 0 : i32
      %dma_start3A_967 = tpu.memref_slice %arg14[%dma_start3A_965, %dma_start3A_966] : memref<512x16xf32, #tpu.memory_space<vmem>> -> memref<128x16xf32, #tpu.memory_space<vmem>>
      %dma_start3A_968 = arith.constant 0 : i32
      %dma_start3A_969 = tpu.memref_slice %arg11[%dma_start3A_964, %dma_start3A_968] : memref<4x128xi32, #tpu.memory_space<vmem>> -> memref<1x128xi32, #tpu.memory_space<vmem>>
      %dma_start3A_970 = tpu.memref_squeeze %dma_start3A_969 : memref<1x128xi32, #tpu.memory_space<vmem>> -> memref<128xi32, #tpu.memory_space<vmem>>
      %dma_start3A_971 = arith.constant 0 : i32
      %dma_start3A_972 = arith.constant 0 : i32
      %dma_start3A_973 = tpu.memref_slice %arg7[%dma_start3A_971, %dma_start3A_972] : memref<441x16xf32, #tpu.memory_space<hbm>> -> memref<441x16xf32, #tpu.memory_space<hbm>>
      tpu.enqueue_indirect_dma source(%dma_start3A_973 : memref<441x16xf32, #tpu.memory_space<hbm>>) target(%dma_start3A_967 : memref<128x16xf32, #tpu.memory_space<vmem>>) offsets(%dma_start3A_970 : memref<128xi32, #tpu.memory_space<vmem>>) semaphore(%arg16 : memref<!tpu.dma_semaphore, #tpu.memory_space<semaphore_mem>>)
      %dma_start3A_974 = arith.constant 1 : i32
      %dma_start3A_975 = arith.constant 128 : i32
      %dma_start3A_976 = arith.constant 0 : i32
      %dma_start3A_977 = tpu.memref_slice %arg12[%dma_start3A_975, %dma_start3A_976] : memref<512x64xf32, #tpu.memory_space<vmem>> -> memref<128x64xf32, #tpu.memory_space<vmem>>
      %dma_start3A_978 = arith.constant 0 : i32
      %dma_start3A_979 = tpu.memref_slice %arg9[%dma_start3A_974, %dma_start3A_978] : memref<4x128xi32, #tpu.memory_space<vmem>> -> memref<1x128xi32, #tpu.memory_space<vmem>>
      %dma_start3A_980 = tpu.memref_squeeze %dma_start3A_979 : memref<1x128xi32, #tpu.memory_space<vmem>> -> memref<128xi32, #tpu.memory_space<vmem>>
      %dma_start3A_981 = arith.constant 0 : i32
      %dma_start3A_982 = arith.constant 0 : i32
      %dma_start3A_983 = tpu.memref_slice %arg5[%dma_start3A_981, %dma_start3A_982] : memref<100000x64xf32, #tpu.memory_space<hbm>> -> memref<100000x64xf32, #tpu.memory_space<hbm>>
      tpu.enqueue_indirect_dma source(%dma_start3A_983 : memref<100000x64xf32, #tpu.memory_space<hbm>>) target(%dma_start3A_977 : memref<128x64xf32, #tpu.memory_space<vmem>>) offsets(%dma_start3A_980 : memref<128xi32, #tpu.memory_space<vmem>>) semaphore(%arg16 : memref<!tpu.dma_semaphore, #tpu.memory_space<semaphore_mem>>)
      %dma_start3A_984 = arith.constant 1 : i32
      %dma_start3A_985 = arith.constant 128 : i32
      %dma_start3A_986 = arith.constant 0 : i32
      %dma_start3A_987 = tpu.memref_slice %arg13[%dma_start3A_985, %dma_start3A_986] : memref<512x32xf32, #tpu.memory_space<vmem>> -> memref<128x32xf32, #tpu.memory_space<vmem>>
      %dma_start3A_988 = arith.constant 0 : i32
      %dma_start3A_989 = tpu.memref_slice %arg10[%dma_start3A_984, %dma_start3A_988] : memref<4x128xi32, #tpu.memory_space<vmem>> -> memref<1x128xi32, #tpu.memory_space<vmem>>
      %dma_start3A_990 = tpu.memref_squeeze %dma_start3A_989 : memref<1x128xi32, #tpu.memory_space<vmem>> -> memref<128xi32, #tpu.memory_space<vmem>>
      %dma_start3A_991 = arith.constant 0 : i32
      %dma_start3A_992 = arith.constant 0 : i32
      %dma_start3A_993 = tpu.memref_slice %arg6[%dma_start3A_991, %dma_start3A_992] : memref<2100x32xf32, #tpu.memory_space<hbm>> -> memref<2100x32xf32, #tpu.memory_space<hbm>>
      tpu.enqueue_indirect_dma source(%dma_start3A_993 : memref<2100x32xf32, #tpu.memory_space<hbm>>) target(%dma_start3A_987 : memref<128x32xf32, #tpu.memory_space<vmem>>) offsets(%dma_start3A_990 : memref<128xi32, #tpu.memory_space<vmem>>) semaphore(%arg16 : memref<!tpu.dma_semaphore, #tpu.memory_space<semaphore_mem>>)
      %dma_start3A_994 = arith.constant 1 : i32
      %dma_start3A_995 = arith.constant 128 : i32
      %dma_start3A_996 = arith.constant 0 : i32
      %dma_start3A_997 = tpu.memref_slice %arg14[%dma_start3A_995, %dma_start3A_996] : memref<512x16xf32, #tpu.memory_space<vmem>> -> memref<128x16xf32, #tpu.memory_space<vmem>>
      %dma_start3A_998 = arith.constant 0 : i32
      %dma_start3A_999 = tpu.memref_slice %arg11[%dma_start3A_994, %dma_start3A_998] : memref<4x128xi32, #tpu.memory_space<vmem>> -> memref<1x128xi32, #tpu.memory_space<vmem>>
      %dma_start3A_1000 = tpu.memref_squeeze %dma_start3A_999 : memref<1x128xi32, #tpu.memory_space<vmem>> -> memref<128xi32, #tpu.memory_space<vmem>>
      %dma_start3A_1001 = arith.constant 0 : i32
      %dma_start3A_1002 = arith.constant 0 : i32
      %dma_start3A_1003 = tpu.memref_slice %arg7[%dma_start3A_1001, %dma_start3A_1002] : memref<441x16xf32, #tpu.memory_space<hbm>> -> memref<441x16xf32, #tpu.memory_space<hbm>>
      tpu.enqueue_indirect_dma source(%dma_start3A_1003 : memref<441x16xf32, #tpu.memory_space<hbm>>) target(%dma_start3A_997 : memref<128x16xf32, #tpu.memory_space<vmem>>) offsets(%dma_start3A_1000 : memref<128xi32, #tpu.memory_space<vmem>>) semaphore(%arg16 : memref<!tpu.dma_semaphore, #tpu.memory_space<semaphore_mem>>)
      %dma_start3A_1004 = arith.constant 2 : i32
      %dma_start3A_1005 = arith.constant 256 : i32
      %dma_start3A_1006 = arith.constant 0 : i32
      %dma_start3A_1007 = tpu.memref_slice %arg12[%dma_start3A_1005, %dma_start3A_1006] : memref<512x64xf32, #tpu.memory_space<vmem>> -> memref<128x64xf32, #tpu.memory_space<vmem>>
      %dma_start3A_1008 = arith.constant 0 : i32
      %dma_start3A_1009 = tpu.memref_slice %arg9[%dma_start3A_1004, %dma_start3A_1008] : memref<4x128xi32, #tpu.memory_space<vmem>> -> memref<1x128xi32, #tpu.memory_space<vmem>>
      %dma_start3A_1010 = tpu.memref_squeeze %dma_start3A_1009 : memref<1x128xi32, #tpu.memory_space<vmem>> -> memref<128xi32, #tpu.memory_space<vmem>>
      %dma_start3A_1011 = arith.constant 0 : i32
      %dma_start3A_1012 = arith.constant 0 : i32
      %dma_start3A_1013 = tpu.memref_slice %arg5[%dma_start3A_1011, %dma_start3A_1012] : memref<100000x64xf32, #tpu.memory_space<hbm>> -> memref<100000x64xf32, #tpu.memory_space<hbm>>
      tpu.enqueue_indirect_dma source(%dma_start3A_1013 : memref<100000x64xf32, #tpu.memory_space<hbm>>) target(%dma_start3A_1007 : memref<128x64xf32, #tpu.memory_space<vmem>>) offsets(%dma_start3A_1010 : memref<128xi32, #tpu.memory_space<vmem>>) semaphore(%arg16 : memref<!tpu.dma_semaphore, #tpu.memory_space<semaphore_mem>>)
      %dma_start3A_1014 = arith.constant 2 : i32
      %dma_start3A_1015 = arith.constant 256 : i32
      %dma_start3A_1016 = arith.constant 0 : i32
      %dma_start3A_1017 = tpu.memref_slice %arg13[%dma_start3A_1015, %dma_start3A_1016] : memref<512x32xf32, #tpu.memory_space<vmem>> -> memref<128x32xf32, #tpu.memory_space<vmem>>
      %dma_start3A_1018 = arith.constant 0 : i32
      %dma_start3A_1019 = tpu.memref_slice %arg10[%dma_start3A_1014, %dma_start3A_1018] : memref<4x128xi32, #tpu.memory_space<vmem>> -> memref<1x128xi32, #tpu.memory_space<vmem>>
      %dma_start3A_1020 = tpu.memref_squeeze %dma_start3A_1019 : memref<1x128xi32, #tpu.memory_space<vmem>> -> memref<128xi32, #tpu.memory_space<vmem>>
      %dma_start3A_1021 = arith.constant 0 : i32
      %dma_start3A_1022 = arith.constant 0 : i32
      %dma_start3A_1023 = tpu.memref_slice %arg6[%dma_start3A_1021, %dma_start3A_1022] : memref<2100x32xf32, #tpu.memory_space<hbm>> -> memref<2100x32xf32, #tpu.memory_space<hbm>>
      tpu.enqueue_indirect_dma source(%dma_start3A_1023 : memref<2100x32xf32, #tpu.memory_space<hbm>>) target(%dma_start3A_1017 : memref<128x32xf32, #tpu.memory_space<vmem>>) offsets(%dma_start3A_1020 : memref<128xi32, #tpu.memory_space<vmem>>) semaphore(%arg16 : memref<!tpu.dma_semaphore, #tpu.memory_space<semaphore_mem>>)
      %dma_start3A_1024 = arith.constant 2 : i32
      %dma_start3A_1025 = arith.constant 256 : i32
      %dma_start3A_1026 = arith.constant 0 : i32
      %dma_start3A_1027 = tpu.memref_slice %arg14[%dma_start3A_1025, %dma_start3A_1026] : memref<512x16xf32, #tpu.memory_space<vmem>> -> memref<128x16xf32, #tpu.memory_space<vmem>>
      %dma_start3A_1028 = arith.constant 0 : i32
      %dma_start3A_1029 = tpu.memref_slice %arg11[%dma_start3A_1024, %dma_start3A_1028] : memref<4x128xi32, #tpu.memory_space<vmem>> -> memref<1x128xi32, #tpu.memory_space<vmem>>
      %dma_start3A_1030 = tpu.memref_squeeze %dma_start3A_1029 : memref<1x128xi32, #tpu.memory_space<vmem>> -> memref<128xi32, #tpu.memory_space<vmem>>
      %dma_start3A_1031 = arith.constant 0 : i32
      %dma_start3A_1032 = arith.constant 0 : i32
      %dma_start3A_1033 = tpu.memref_slice %arg7[%dma_start3A_1031, %dma_start3A_1032] : memref<441x16xf32, #tpu.memory_space<hbm>> -> memref<441x16xf32, #tpu.memory_space<hbm>>
      tpu.enqueue_indirect_dma source(%dma_start3A_1033 : memref<441x16xf32, #tpu.memory_space<hbm>>) target(%dma_start3A_1027 : memref<128x16xf32, #tpu.memory_space<vmem>>) offsets(%dma_start3A_1030 : memref<128xi32, #tpu.memory_space<vmem>>) semaphore(%arg16 : memref<!tpu.dma_semaphore, #tpu.memory_space<semaphore_mem>>)
      %dma_start3A_1034 = arith.constant 3 : i32
      %dma_start3A_1035 = arith.constant 384 : i32
      %dma_start3A_1036 = arith.constant 0 : i32
      %dma_start3A_1037 = tpu.memref_slice %arg12[%dma_start3A_1035, %dma_start3A_1036] : memref<512x64xf32, #tpu.memory_space<vmem>> -> memref<128x64xf32, #tpu.memory_space<vmem>>
      %dma_start3A_1038 = arith.constant 0 : i32
      %dma_start3A_1039 = tpu.memref_slice %arg9[%dma_start3A_1034, %dma_start3A_1038] : memref<4x128xi32, #tpu.memory_space<vmem>> -> memref<1x128xi32, #tpu.memory_space<vmem>>
      %dma_start3A_1040 = tpu.memref_squeeze %dma_start3A_1039 : memref<1x128xi32, #tpu.memory_space<vmem>> -> memref<128xi32, #tpu.memory_space<vmem>>
      %dma_start3A_1041 = arith.constant 0 : i32
      %dma_start3A_1042 = arith.constant 0 : i32
      %dma_start3A_1043 = tpu.memref_slice %arg5[%dma_start3A_1041, %dma_start3A_1042] : memref<100000x64xf32, #tpu.memory_space<hbm>> -> memref<100000x64xf32, #tpu.memory_space<hbm>>
      tpu.enqueue_indirect_dma source(%dma_start3A_1043 : memref<100000x64xf32, #tpu.memory_space<hbm>>) target(%dma_start3A_1037 : memref<128x64xf32, #tpu.memory_space<vmem>>) offsets(%dma_start3A_1040 : memref<128xi32, #tpu.memory_space<vmem>>) semaphore(%arg16 : memref<!tpu.dma_semaphore, #tpu.memory_space<semaphore_mem>>)
      %dma_start3A_1044 = arith.constant 3 : i32
      %dma_start3A_1045 = arith.constant 384 : i32
      %dma_start3A_1046 = arith.constant 0 : i32
      %dma_start3A_1047 = tpu.memref_slice %arg13[%dma_start3A_1045, %dma_start3A_1046] : memref<512x32xf32, #tpu.memory_space<vmem>> -> memref<128x32xf32, #tpu.memory_space<vmem>>
      %dma_start3A_1048 = arith.constant 0 : i32
      %dma_start3A_1049 = tpu.memref_slice %arg10[%dma_start3A_1044, %dma_start3A_1048] : memref<4x128xi32, #tpu.memory_space<vmem>> -> memref<1x128xi32, #tpu.memory_space<vmem>>
      %dma_start3A_1050 = tpu.memref_squeeze %dma_start3A_1049 : memref<1x128xi32, #tpu.memory_space<vmem>> -> memref<128xi32, #tpu.memory_space<vmem>>
      %dma_start3A_1051 = arith.constant 0 : i32
      %dma_start3A_1052 = arith.constant 0 : i32
      %dma_start3A_1053 = tpu.memref_slice %arg6[%dma_start3A_1051, %dma_start3A_1052] : memref<2100x32xf32, #tpu.memory_space<hbm>> -> memref<2100x32xf32, #tpu.memory_space<hbm>>
      tpu.enqueue_indirect_dma source(%dma_start3A_1053 : memref<2100x32xf32, #tpu.memory_space<hbm>>) target(%dma_start3A_1047 : memref<128x32xf32, #tpu.memory_space<vmem>>) offsets(%dma_start3A_1050 : memref<128xi32, #tpu.memory_space<vmem>>) semaphore(%arg16 : memref<!tpu.dma_semaphore, #tpu.memory_space<semaphore_mem>>)
      %dma_start3A_1054 = arith.constant 3 : i32
      %dma_start3A_1055 = arith.constant 384 : i32
      %dma_start3A_1056 = arith.constant 0 : i32
      %dma_start3A_1057 = tpu.memref_slice %arg14[%dma_start3A_1055, %dma_start3A_1056] : memref<512x16xf32, #tpu.memory_space<vmem>> -> memref<128x16xf32, #tpu.memory_space<vmem>>
      %dma_start3A_1058 = arith.constant 0 : i32
      %dma_start3A_1059 = tpu.memref_slice %arg11[%dma_start3A_1054, %dma_start3A_1058] : memref<4x128xi32, #tpu.memory_space<vmem>> -> memref<1x128xi32, #tpu.memory_space<vmem>>
      %dma_start3A_1060 = tpu.memref_squeeze %dma_start3A_1059 : memref<1x128xi32, #tpu.memory_space<vmem>> -> memref<128xi32, #tpu.memory_space<vmem>>
      %dma_start3A_1061 = arith.constant 0 : i32
      %dma_start3A_1062 = arith.constant 0 : i32
      %dma_start3A_1063 = tpu.memref_slice %arg7[%dma_start3A_1061, %dma_start3A_1062] : memref<441x16xf32, #tpu.memory_space<hbm>> -> memref<441x16xf32, #tpu.memory_space<hbm>>
      tpu.enqueue_indirect_dma source(%dma_start3A_1063 : memref<441x16xf32, #tpu.memory_space<hbm>>) target(%dma_start3A_1057 : memref<128x16xf32, #tpu.memory_space<vmem>>) offsets(%dma_start3A_1060 : memref<128xi32, #tpu.memory_space<vmem>>) semaphore(%arg16 : memref<!tpu.dma_semaphore, #tpu.memory_space<semaphore_mem>>)
      %dma_wait3A_1064 = arith.constant 0 : i32
      %dma_wait3A_1065 = arith.constant 0 : i32
      %dma_wait3A_1066 = tpu.memref_slice %arg8[%dma_wait3A_1064, %dma_wait3A_1065] : memref<819200x128xf32, #tpu.memory_space<hbm>> -> memref<512x64xf32, #tpu.memory_space<hbm>>
      %dma_wait3A_1067 = arith.constant 0 : i32
      %dma_wait3A_1068 = arith.constant 0 : i32
      %dma_wait3A_1069 = tpu.memref_slice %arg8[%dma_wait3A_1067, %dma_wait3A_1068] : memref<819200x128xf32, #tpu.memory_space<hbm>> -> memref<512x64xf32, #tpu.memory_space<hbm>>
      tpu.wait_dma2 semaphore(%arg26 : memref<!tpu.dma_semaphore, #tpu.memory_space<semaphore_mem>>) src(%arg21 : memref<512x64xf32, #tpu.memory_space<vmem>>) dst(%dma_wait3A_1069 : memref<512x64xf32, #tpu.memory_space<hbm>>)
      %dma_wait3A_1070 = arith.constant 0 : i32
      %dma_wait3A_1071 = arith.constant 64 : i32
      %dma_wait3A_1072 = tpu.memref_slice %arg8[%dma_wait3A_1070, %dma_wait3A_1071] : memref<819200x128xf32, #tpu.memory_space<hbm>> -> memref<512x32xf32, #tpu.memory_space<hbm>>
      %dma_wait3A_1073 = arith.constant 0 : i32
      %dma_wait3A_1074 = arith.constant 64 : i32
      %dma_wait3A_1075 = tpu.memref_slice %arg8[%dma_wait3A_1073, %dma_wait3A_1074] : memref<819200x128xf32, #tpu.memory_space<hbm>> -> memref<512x32xf32, #tpu.memory_space<hbm>>
      tpu.wait_dma2 semaphore(%arg26 : memref<!tpu.dma_semaphore, #tpu.memory_space<semaphore_mem>>) src(%arg22 : memref<512x32xf32, #tpu.memory_space<vmem>>) dst(%dma_wait3A_1075 : memref<512x32xf32, #tpu.memory_space<hbm>>)
      %dma_wait3A_1076 = arith.constant 0 : i32
      %dma_wait3A_1077 = arith.constant 96 : i32
      %dma_wait3A_1078 = tpu.memref_slice %arg8[%dma_wait3A_1076, %dma_wait3A_1077] : memref<819200x128xf32, #tpu.memory_space<hbm>> -> memref<512x16xf32, #tpu.memory_space<hbm>>
      %dma_wait3A_1079 = arith.constant 0 : i32
      %dma_wait3A_1080 = arith.constant 96 : i32
      %dma_wait3A_1081 = tpu.memref_slice %arg8[%dma_wait3A_1079, %dma_wait3A_1080] : memref<819200x128xf32, #tpu.memory_space<hbm>> -> memref<512x16xf32, #tpu.memory_space<hbm>>
      tpu.wait_dma2 semaphore(%arg26 : memref<!tpu.dma_semaphore, #tpu.memory_space<semaphore_mem>>) src(%arg23 : memref<512x16xf32, #tpu.memory_space<vmem>>) dst(%dma_wait3A_1081 : memref<512x16xf32, #tpu.memory_space<hbm>>)
      %add3A_1082 = arith.constant 3 : i32
      %add3A_1083 = arith.addi %mul3A_614, %add3A_1082 : i32
      %mul3A_1084 = arith.constant 200 : i32
      %mul3A_1085 = arith.muli %add3A, %mul3A_1084 : i32
      %mul3A_1086 = arith.constant 4 : i32
      %mul3A_1087 = arith.muli %add3A_1083, %mul3A_1086 : i32
      %add3A_1088 = arith.addi %mul3A_1085, %mul3A_1087 : i32
      %dma_start3A_1089 = arith.constant 0 : i32
      %dma_start3A_1090 = tpu.memref_slice %arg2[%add3A_1088, %dma_start3A_1089] : memref<6400x128xi32, #tpu.memory_space<hbm>> -> memref<4x128xi32, #tpu.memory_space<hbm>>
      %dma_start3A_1091 = arith.constant 0 : i32
      %dma_start3A_1092 = tpu.memref_slice %arg2[%add3A_1088, %dma_start3A_1091] : memref<6400x128xi32, #tpu.memory_space<hbm>> -> memref<4x128xi32, #tpu.memory_space<hbm>>
      tpu.enqueue_dma source(%dma_start3A_1092 : memref<4x128xi32, #tpu.memory_space<hbm>>) target(%arg18 : memref<4x128xi32, #tpu.memory_space<vmem>>) target_semaphore(%arg24 : memref<!tpu.dma_semaphore, #tpu.memory_space<semaphore_mem>>)
      %dma_start3A_1093 = arith.constant 0 : i32
      %dma_start3A_1094 = tpu.memref_slice %arg3[%add3A_1088, %dma_start3A_1093] : memref<6400x128xi32, #tpu.memory_space<hbm>> -> memref<4x128xi32, #tpu.memory_space<hbm>>
      %dma_start3A_1095 = arith.constant 0 : i32
      %dma_start3A_1096 = tpu.memref_slice %arg3[%add3A_1088, %dma_start3A_1095] : memref<6400x128xi32, #tpu.memory_space<hbm>> -> memref<4x128xi32, #tpu.memory_space<hbm>>
      tpu.enqueue_dma source(%dma_start3A_1096 : memref<4x128xi32, #tpu.memory_space<hbm>>) target(%arg19 : memref<4x128xi32, #tpu.memory_space<vmem>>) target_semaphore(%arg24 : memref<!tpu.dma_semaphore, #tpu.memory_space<semaphore_mem>>)
      %dma_start3A_1097 = arith.constant 0 : i32
      %dma_start3A_1098 = tpu.memref_slice %arg4[%add3A_1088, %dma_start3A_1097] : memref<6400x128xi32, #tpu.memory_space<hbm>> -> memref<4x128xi32, #tpu.memory_space<hbm>>
      %dma_start3A_1099 = arith.constant 0 : i32
      %dma_start3A_1100 = tpu.memref_slice %arg4[%add3A_1088, %dma_start3A_1099] : memref<6400x128xi32, #tpu.memory_space<hbm>> -> memref<4x128xi32, #tpu.memory_space<hbm>>
      tpu.enqueue_dma source(%dma_start3A_1100 : memref<4x128xi32, #tpu.memory_space<hbm>>) target(%arg20 : memref<4x128xi32, #tpu.memory_space<vmem>>) target_semaphore(%arg24 : memref<!tpu.dma_semaphore, #tpu.memory_space<semaphore_mem>>)
      %dma_wait3A_1101 = arith.constant 0 : i32
      %dma_wait3A_1102 = tpu.memref_slice %arg2[%add3A_1088, %dma_wait3A_1101] : memref<6400x128xi32, #tpu.memory_space<hbm>> -> memref<4x128xi32, #tpu.memory_space<hbm>>
      %dma_wait3A_1103 = arith.constant 0 : i32
      %dma_wait3A_1104 = tpu.memref_slice %arg2[%add3A_1088, %dma_wait3A_1103] : memref<6400x128xi32, #tpu.memory_space<hbm>> -> memref<4x128xi32, #tpu.memory_space<hbm>>
      tpu.wait_dma2 semaphore(%arg24 : memref<!tpu.dma_semaphore, #tpu.memory_space<semaphore_mem>>) src(%dma_wait3A_1104 : memref<4x128xi32, #tpu.memory_space<hbm>>) dst(%arg18 : memref<4x128xi32, #tpu.memory_space<vmem>>)
      %dma_wait3A_1105 = arith.constant 0 : i32
      %dma_wait3A_1106 = tpu.memref_slice %arg3[%add3A_1088, %dma_wait3A_1105] : memref<6400x128xi32, #tpu.memory_space<hbm>> -> memref<4x128xi32, #tpu.memory_space<hbm>>
      %dma_wait3A_1107 = arith.constant 0 : i32
      %dma_wait3A_1108 = tpu.memref_slice %arg3[%add3A_1088, %dma_wait3A_1107] : memref<6400x128xi32, #tpu.memory_space<hbm>> -> memref<4x128xi32, #tpu.memory_space<hbm>>
      tpu.wait_dma2 semaphore(%arg24 : memref<!tpu.dma_semaphore, #tpu.memory_space<semaphore_mem>>) src(%dma_wait3A_1108 : memref<4x128xi32, #tpu.memory_space<hbm>>) dst(%arg19 : memref<4x128xi32, #tpu.memory_space<vmem>>)
      %dma_wait3A_1109 = arith.constant 0 : i32
      %dma_wait3A_1110 = tpu.memref_slice %arg4[%add3A_1088, %dma_wait3A_1109] : memref<6400x128xi32, #tpu.memory_space<hbm>> -> memref<4x128xi32, #tpu.memory_space<hbm>>
      %dma_wait3A_1111 = arith.constant 0 : i32
      %dma_wait3A_1112 = tpu.memref_slice %arg4[%add3A_1088, %dma_wait3A_1111] : memref<6400x128xi32, #tpu.memory_space<hbm>> -> memref<4x128xi32, #tpu.memory_space<hbm>>
      tpu.wait_dma2 semaphore(%arg24 : memref<!tpu.dma_semaphore, #tpu.memory_space<semaphore_mem>>) src(%dma_wait3A_1112 : memref<4x128xi32, #tpu.memory_space<hbm>>) dst(%arg20 : memref<4x128xi32, #tpu.memory_space<vmem>>)
      %dma_start3A_1113 = arith.constant 0 : i32
      %dma_start3A_1114 = arith.constant 0 : i32
      %dma_start3A_1115 = arith.constant 0 : i32
      %dma_start3A_1116 = tpu.memref_slice %arg21[%dma_start3A_1114, %dma_start3A_1115] : memref<512x64xf32, #tpu.memory_space<vmem>> -> memref<128x64xf32, #tpu.memory_space<vmem>>
      %dma_start3A_1117 = arith.constant 0 : i32
      %dma_start3A_1118 = tpu.memref_slice %arg18[%dma_start3A_1113, %dma_start3A_1117] : memref<4x128xi32, #tpu.memory_space<vmem>> -> memref<1x128xi32, #tpu.memory_space<vmem>>
      %dma_start3A_1119 = tpu.memref_squeeze %dma_start3A_1118 : memref<1x128xi32, #tpu.memory_space<vmem>> -> memref<128xi32, #tpu.memory_space<vmem>>
      %dma_start3A_1120 = arith.constant 0 : i32
      %dma_start3A_1121 = arith.constant 0 : i32
      %dma_start3A_1122 = tpu.memref_slice %arg5[%dma_start3A_1120, %dma_start3A_1121] : memref<100000x64xf32, #tpu.memory_space<hbm>> -> memref<100000x64xf32, #tpu.memory_space<hbm>>
      tpu.enqueue_indirect_dma source(%dma_start3A_1122 : memref<100000x64xf32, #tpu.memory_space<hbm>>) target(%dma_start3A_1116 : memref<128x64xf32, #tpu.memory_space<vmem>>) offsets(%dma_start3A_1119 : memref<128xi32, #tpu.memory_space<vmem>>) semaphore(%arg25 : memref<!tpu.dma_semaphore, #tpu.memory_space<semaphore_mem>>)
      %dma_start3A_1123 = arith.constant 0 : i32
      %dma_start3A_1124 = arith.constant 0 : i32
      %dma_start3A_1125 = arith.constant 0 : i32
      %dma_start3A_1126 = tpu.memref_slice %arg22[%dma_start3A_1124, %dma_start3A_1125] : memref<512x32xf32, #tpu.memory_space<vmem>> -> memref<128x32xf32, #tpu.memory_space<vmem>>
      %dma_start3A_1127 = arith.constant 0 : i32
      %dma_start3A_1128 = tpu.memref_slice %arg19[%dma_start3A_1123, %dma_start3A_1127] : memref<4x128xi32, #tpu.memory_space<vmem>> -> memref<1x128xi32, #tpu.memory_space<vmem>>
      %dma_start3A_1129 = tpu.memref_squeeze %dma_start3A_1128 : memref<1x128xi32, #tpu.memory_space<vmem>> -> memref<128xi32, #tpu.memory_space<vmem>>
      %dma_start3A_1130 = arith.constant 0 : i32
      %dma_start3A_1131 = arith.constant 0 : i32
      %dma_start3A_1132 = tpu.memref_slice %arg6[%dma_start3A_1130, %dma_start3A_1131] : memref<2100x32xf32, #tpu.memory_space<hbm>> -> memref<2100x32xf32, #tpu.memory_space<hbm>>
      tpu.enqueue_indirect_dma source(%dma_start3A_1132 : memref<2100x32xf32, #tpu.memory_space<hbm>>) target(%dma_start3A_1126 : memref<128x32xf32, #tpu.memory_space<vmem>>) offsets(%dma_start3A_1129 : memref<128xi32, #tpu.memory_space<vmem>>) semaphore(%arg25 : memref<!tpu.dma_semaphore, #tpu.memory_space<semaphore_mem>>)
      %dma_start3A_1133 = arith.constant 0 : i32
      %dma_start3A_1134 = arith.constant 0 : i32
      %dma_start3A_1135 = arith.constant 0 : i32
      %dma_start3A_1136 = tpu.memref_slice %arg23[%dma_start3A_1134, %dma_start3A_1135] : memref<512x16xf32, #tpu.memory_space<vmem>> -> memref<128x16xf32, #tpu.memory_space<vmem>>
      %dma_start3A_1137 = arith.constant 0 : i32
      %dma_start3A_1138 = tpu.memref_slice %arg20[%dma_start3A_1133, %dma_start3A_1137] : memref<4x128xi32, #tpu.memory_space<vmem>> -> memref<1x128xi32, #tpu.memory_space<vmem>>
      %dma_start3A_1139 = tpu.memref_squeeze %dma_start3A_1138 : memref<1x128xi32, #tpu.memory_space<vmem>> -> memref<128xi32, #tpu.memory_space<vmem>>
      %dma_start3A_1140 = arith.constant 0 : i32
      %dma_start3A_1141 = arith.constant 0 : i32
      %dma_start3A_1142 = tpu.memref_slice %arg7[%dma_start3A_1140, %dma_start3A_1141] : memref<441x16xf32, #tpu.memory_space<hbm>> -> memref<441x16xf32, #tpu.memory_space<hbm>>
      tpu.enqueue_indirect_dma source(%dma_start3A_1142 : memref<441x16xf32, #tpu.memory_space<hbm>>) target(%dma_start3A_1136 : memref<128x16xf32, #tpu.memory_space<vmem>>) offsets(%dma_start3A_1139 : memref<128xi32, #tpu.memory_space<vmem>>) semaphore(%arg25 : memref<!tpu.dma_semaphore, #tpu.memory_space<semaphore_mem>>)
      %dma_start3A_1143 = arith.constant 1 : i32
      %dma_start3A_1144 = arith.constant 128 : i32
      %dma_start3A_1145 = arith.constant 0 : i32
      %dma_start3A_1146 = tpu.memref_slice %arg21[%dma_start3A_1144, %dma_start3A_1145] : memref<512x64xf32, #tpu.memory_space<vmem>> -> memref<128x64xf32, #tpu.memory_space<vmem>>
      %dma_start3A_1147 = arith.constant 0 : i32
      %dma_start3A_1148 = tpu.memref_slice %arg18[%dma_start3A_1143, %dma_start3A_1147] : memref<4x128xi32, #tpu.memory_space<vmem>> -> memref<1x128xi32, #tpu.memory_space<vmem>>
      %dma_start3A_1149 = tpu.memref_squeeze %dma_start3A_1148 : memref<1x128xi32, #tpu.memory_space<vmem>> -> memref<128xi32, #tpu.memory_space<vmem>>
      %dma_start3A_1150 = arith.constant 0 : i32
      %dma_start3A_1151 = arith.constant 0 : i32
      %dma_start3A_1152 = tpu.memref_slice %arg5[%dma_start3A_1150, %dma_start3A_1151] : memref<100000x64xf32, #tpu.memory_space<hbm>> -> memref<100000x64xf32, #tpu.memory_space<hbm>>
      tpu.enqueue_indirect_dma source(%dma_start3A_1152 : memref<100000x64xf32, #tpu.memory_space<hbm>>) target(%dma_start3A_1146 : memref<128x64xf32, #tpu.memory_space<vmem>>) offsets(%dma_start3A_1149 : memref<128xi32, #tpu.memory_space<vmem>>) semaphore(%arg25 : memref<!tpu.dma_semaphore, #tpu.memory_space<semaphore_mem>>)
      %dma_start3A_1153 = arith.constant 1 : i32
      %dma_start3A_1154 = arith.constant 128 : i32
      %dma_start3A_1155 = arith.constant 0 : i32
      %dma_start3A_1156 = tpu.memref_slice %arg22[%dma_start3A_1154, %dma_start3A_1155] : memref<512x32xf32, #tpu.memory_space<vmem>> -> memref<128x32xf32, #tpu.memory_space<vmem>>
      %dma_start3A_1157 = arith.constant 0 : i32
      %dma_start3A_1158 = tpu.memref_slice %arg19[%dma_start3A_1153, %dma_start3A_1157] : memref<4x128xi32, #tpu.memory_space<vmem>> -> memref<1x128xi32, #tpu.memory_space<vmem>>
      %dma_start3A_1159 = tpu.memref_squeeze %dma_start3A_1158 : memref<1x128xi32, #tpu.memory_space<vmem>> -> memref<128xi32, #tpu.memory_space<vmem>>
      %dma_start3A_1160 = arith.constant 0 : i32
      %dma_start3A_1161 = arith.constant 0 : i32
      %dma_start3A_1162 = tpu.memref_slice %arg6[%dma_start3A_1160, %dma_start3A_1161] : memref<2100x32xf32, #tpu.memory_space<hbm>> -> memref<2100x32xf32, #tpu.memory_space<hbm>>
      tpu.enqueue_indirect_dma source(%dma_start3A_1162 : memref<2100x32xf32, #tpu.memory_space<hbm>>) target(%dma_start3A_1156 : memref<128x32xf32, #tpu.memory_space<vmem>>) offsets(%dma_start3A_1159 : memref<128xi32, #tpu.memory_space<vmem>>) semaphore(%arg25 : memref<!tpu.dma_semaphore, #tpu.memory_space<semaphore_mem>>)
      %dma_start3A_1163 = arith.constant 1 : i32
      %dma_start3A_1164 = arith.constant 128 : i32
      %dma_start3A_1165 = arith.constant 0 : i32
      %dma_start3A_1166 = tpu.memref_slice %arg23[%dma_start3A_1164, %dma_start3A_1165] : memref<512x16xf32, #tpu.memory_space<vmem>> -> memref<128x16xf32, #tpu.memory_space<vmem>>
      %dma_start3A_1167 = arith.constant 0 : i32
      %dma_start3A_1168 = tpu.memref_slice %arg20[%dma_start3A_1163, %dma_start3A_1167] : memref<4x128xi32, #tpu.memory_space<vmem>> -> memref<1x128xi32, #tpu.memory_space<vmem>>
      %dma_start3A_1169 = tpu.memref_squeeze %dma_start3A_1168 : memref<1x128xi32, #tpu.memory_space<vmem>> -> memref<128xi32, #tpu.memory_space<vmem>>
      %dma_start3A_1170 = arith.constant 0 : i32
      %dma_start3A_1171 = arith.constant 0 : i32
      %dma_start3A_1172 = tpu.memref_slice %arg7[%dma_start3A_1170, %dma_start3A_1171] : memref<441x16xf32, #tpu.memory_space<hbm>> -> memref<441x16xf32, #tpu.memory_space<hbm>>
      tpu.enqueue_indirect_dma source(%dma_start3A_1172 : memref<441x16xf32, #tpu.memory_space<hbm>>) target(%dma_start3A_1166 : memref<128x16xf32, #tpu.memory_space<vmem>>) offsets(%dma_start3A_1169 : memref<128xi32, #tpu.memory_space<vmem>>) semaphore(%arg25 : memref<!tpu.dma_semaphore, #tpu.memory_space<semaphore_mem>>)
      %dma_start3A_1173 = arith.constant 2 : i32
      %dma_start3A_1174 = arith.constant 256 : i32
      %dma_start3A_1175 = arith.constant 0 : i32
      %dma_start3A_1176 = tpu.memref_slice %arg21[%dma_start3A_1174, %dma_start3A_1175] : memref<512x64xf32, #tpu.memory_space<vmem>> -> memref<128x64xf32, #tpu.memory_space<vmem>>
      %dma_start3A_1177 = arith.constant 0 : i32
      %dma_start3A_1178 = tpu.memref_slice %arg18[%dma_start3A_1173, %dma_start3A_1177] : memref<4x128xi32, #tpu.memory_space<vmem>> -> memref<1x128xi32, #tpu.memory_space<vmem>>
      %dma_start3A_1179 = tpu.memref_squeeze %dma_start3A_1178 : memref<1x128xi32, #tpu.memory_space<vmem>> -> memref<128xi32, #tpu.memory_space<vmem>>
      %dma_start3A_1180 = arith.constant 0 : i32
      %dma_start3A_1181 = arith.constant 0 : i32
      %dma_start3A_1182 = tpu.memref_slice %arg5[%dma_start3A_1180, %dma_start3A_1181] : memref<100000x64xf32, #tpu.memory_space<hbm>> -> memref<100000x64xf32, #tpu.memory_space<hbm>>
      tpu.enqueue_indirect_dma source(%dma_start3A_1182 : memref<100000x64xf32, #tpu.memory_space<hbm>>) target(%dma_start3A_1176 : memref<128x64xf32, #tpu.memory_space<vmem>>) offsets(%dma_start3A_1179 : memref<128xi32, #tpu.memory_space<vmem>>) semaphore(%arg25 : memref<!tpu.dma_semaphore, #tpu.memory_space<semaphore_mem>>)
      %dma_start3A_1183 = arith.constant 2 : i32
      %dma_start3A_1184 = arith.constant 256 : i32
      %dma_start3A_1185 = arith.constant 0 : i32
      %dma_start3A_1186 = tpu.memref_slice %arg22[%dma_start3A_1184, %dma_start3A_1185] : memref<512x32xf32, #tpu.memory_space<vmem>> -> memref<128x32xf32, #tpu.memory_space<vmem>>
      %dma_start3A_1187 = arith.constant 0 : i32
      %dma_start3A_1188 = tpu.memref_slice %arg19[%dma_start3A_1183, %dma_start3A_1187] : memref<4x128xi32, #tpu.memory_space<vmem>> -> memref<1x128xi32, #tpu.memory_space<vmem>>
      %dma_start3A_1189 = tpu.memref_squeeze %dma_start3A_1188 : memref<1x128xi32, #tpu.memory_space<vmem>> -> memref<128xi32, #tpu.memory_space<vmem>>
      %dma_start3A_1190 = arith.constant 0 : i32
      %dma_start3A_1191 = arith.constant 0 : i32
      %dma_start3A_1192 = tpu.memref_slice %arg6[%dma_start3A_1190, %dma_start3A_1191] : memref<2100x32xf32, #tpu.memory_space<hbm>> -> memref<2100x32xf32, #tpu.memory_space<hbm>>
      tpu.enqueue_indirect_dma source(%dma_start3A_1192 : memref<2100x32xf32, #tpu.memory_space<hbm>>) target(%dma_start3A_1186 : memref<128x32xf32, #tpu.memory_space<vmem>>) offsets(%dma_start3A_1189 : memref<128xi32, #tpu.memory_space<vmem>>) semaphore(%arg25 : memref<!tpu.dma_semaphore, #tpu.memory_space<semaphore_mem>>)
      %dma_start3A_1193 = arith.constant 2 : i32
      %dma_start3A_1194 = arith.constant 256 : i32
      %dma_start3A_1195 = arith.constant 0 : i32
      %dma_start3A_1196 = tpu.memref_slice %arg23[%dma_start3A_1194, %dma_start3A_1195] : memref<512x16xf32, #tpu.memory_space<vmem>> -> memref<128x16xf32, #tpu.memory_space<vmem>>
      %dma_start3A_1197 = arith.constant 0 : i32
      %dma_start3A_1198 = tpu.memref_slice %arg20[%dma_start3A_1193, %dma_start3A_1197] : memref<4x128xi32, #tpu.memory_space<vmem>> -> memref<1x128xi32, #tpu.memory_space<vmem>>
      %dma_start3A_1199 = tpu.memref_squeeze %dma_start3A_1198 : memref<1x128xi32, #tpu.memory_space<vmem>> -> memref<128xi32, #tpu.memory_space<vmem>>
      %dma_start3A_1200 = arith.constant 0 : i32
      %dma_start3A_1201 = arith.constant 0 : i32
      %dma_start3A_1202 = tpu.memref_slice %arg7[%dma_start3A_1200, %dma_start3A_1201] : memref<441x16xf32, #tpu.memory_space<hbm>> -> memref<441x16xf32, #tpu.memory_space<hbm>>
      tpu.enqueue_indirect_dma source(%dma_start3A_1202 : memref<441x16xf32, #tpu.memory_space<hbm>>) target(%dma_start3A_1196 : memref<128x16xf32, #tpu.memory_space<vmem>>) offsets(%dma_start3A_1199 : memref<128xi32, #tpu.memory_space<vmem>>) semaphore(%arg25 : memref<!tpu.dma_semaphore, #tpu.memory_space<semaphore_mem>>)
      %dma_start3A_1203 = arith.constant 3 : i32
      %dma_start3A_1204 = arith.constant 384 : i32
      %dma_start3A_1205 = arith.constant 0 : i32
      %dma_start3A_1206 = tpu.memref_slice %arg21[%dma_start3A_1204, %dma_start3A_1205] : memref<512x64xf32, #tpu.memory_space<vmem>> -> memref<128x64xf32, #tpu.memory_space<vmem>>
      %dma_start3A_1207 = arith.constant 0 : i32
      %dma_start3A_1208 = tpu.memref_slice %arg18[%dma_start3A_1203, %dma_start3A_1207] : memref<4x128xi32, #tpu.memory_space<vmem>> -> memref<1x128xi32, #tpu.memory_space<vmem>>
      %dma_start3A_1209 = tpu.memref_squeeze %dma_start3A_1208 : memref<1x128xi32, #tpu.memory_space<vmem>> -> memref<128xi32, #tpu.memory_space<vmem>>
      %dma_start3A_1210 = arith.constant 0 : i32
      %dma_start3A_1211 = arith.constant 0 : i32
      %dma_start3A_1212 = tpu.memref_slice %arg5[%dma_start3A_1210, %dma_start3A_1211] : memref<100000x64xf32, #tpu.memory_space<hbm>> -> memref<100000x64xf32, #tpu.memory_space<hbm>>
      tpu.enqueue_indirect_dma source(%dma_start3A_1212 : memref<100000x64xf32, #tpu.memory_space<hbm>>) target(%dma_start3A_1206 : memref<128x64xf32, #tpu.memory_space<vmem>>) offsets(%dma_start3A_1209 : memref<128xi32, #tpu.memory_space<vmem>>) semaphore(%arg25 : memref<!tpu.dma_semaphore, #tpu.memory_space<semaphore_mem>>)
      %dma_start3A_1213 = arith.constant 3 : i32
      %dma_start3A_1214 = arith.constant 384 : i32
      %dma_start3A_1215 = arith.constant 0 : i32
      %dma_start3A_1216 = tpu.memref_slice %arg22[%dma_start3A_1214, %dma_start3A_1215] : memref<512x32xf32, #tpu.memory_space<vmem>> -> memref<128x32xf32, #tpu.memory_space<vmem>>
      %dma_start3A_1217 = arith.constant 0 : i32
      %dma_start3A_1218 = tpu.memref_slice %arg19[%dma_start3A_1213, %dma_start3A_1217] : memref<4x128xi32, #tpu.memory_space<vmem>> -> memref<1x128xi32, #tpu.memory_space<vmem>>
      %dma_start3A_1219 = tpu.memref_squeeze %dma_start3A_1218 : memref<1x128xi32, #tpu.memory_space<vmem>> -> memref<128xi32, #tpu.memory_space<vmem>>
      %dma_start3A_1220 = arith.constant 0 : i32
      %dma_start3A_1221 = arith.constant 0 : i32
      %dma_start3A_1222 = tpu.memref_slice %arg6[%dma_start3A_1220, %dma_start3A_1221] : memref<2100x32xf32, #tpu.memory_space<hbm>> -> memref<2100x32xf32, #tpu.memory_space<hbm>>
      tpu.enqueue_indirect_dma source(%dma_start3A_1222 : memref<2100x32xf32, #tpu.memory_space<hbm>>) target(%dma_start3A_1216 : memref<128x32xf32, #tpu.memory_space<vmem>>) offsets(%dma_start3A_1219 : memref<128xi32, #tpu.memory_space<vmem>>) semaphore(%arg25 : memref<!tpu.dma_semaphore, #tpu.memory_space<semaphore_mem>>)
      %dma_start3A_1223 = arith.constant 3 : i32
      %dma_start3A_1224 = arith.constant 384 : i32
      %dma_start3A_1225 = arith.constant 0 : i32
      %dma_start3A_1226 = tpu.memref_slice %arg23[%dma_start3A_1224, %dma_start3A_1225] : memref<512x16xf32, #tpu.memory_space<vmem>> -> memref<128x16xf32, #tpu.memory_space<vmem>>
      %dma_start3A_1227 = arith.constant 0 : i32
      %dma_start3A_1228 = tpu.memref_slice %arg20[%dma_start3A_1223, %dma_start3A_1227] : memref<4x128xi32, #tpu.memory_space<vmem>> -> memref<1x128xi32, #tpu.memory_space<vmem>>
      %dma_start3A_1229 = tpu.memref_squeeze %dma_start3A_1228 : memref<1x128xi32, #tpu.memory_space<vmem>> -> memref<128xi32, #tpu.memory_space<vmem>>
      %dma_start3A_1230 = arith.constant 0 : i32
      %dma_start3A_1231 = arith.constant 0 : i32
      %dma_start3A_1232 = tpu.memref_slice %arg7[%dma_start3A_1230, %dma_start3A_1231] : memref<441x16xf32, #tpu.memory_space<hbm>> -> memref<441x16xf32, #tpu.memory_space<hbm>>
      tpu.enqueue_indirect_dma source(%dma_start3A_1232 : memref<441x16xf32, #tpu.memory_space<hbm>>) target(%dma_start3A_1226 : memref<128x16xf32, #tpu.memory_space<vmem>>) offsets(%dma_start3A_1229 : memref<128xi32, #tpu.memory_space<vmem>>) semaphore(%arg25 : memref<!tpu.dma_semaphore, #tpu.memory_space<semaphore_mem>>)
    }
    %scan3A_299 = arith.constant 24 : i32
    %dma_wait3A_300 = arith.constant 0 : i32
    %dma_wait3A_301 = arith.constant 0 : i32
    %dma_wait3A_302 = arith.constant 0 : i32
    %dma_wait3A_303 = tpu.memref_slice %arg12[%dma_wait3A_301, %dma_wait3A_302] : memref<512x64xf32, #tpu.memory_space<vmem>> -> memref<128x64xf32, #tpu.memory_space<vmem>>
    %dma_wait3A_304 = arith.constant 0 : i32
    %dma_wait3A_305 = tpu.memref_slice %arg9[%dma_wait3A_300, %dma_wait3A_304] : memref<4x128xi32, #tpu.memory_space<vmem>> -> memref<1x128xi32, #tpu.memory_space<vmem>>
    %dma_wait3A_306 = tpu.memref_squeeze %dma_wait3A_305 : memref<1x128xi32, #tpu.memory_space<vmem>> -> memref<128xi32, #tpu.memory_space<vmem>>
    %dma_wait3A_307 = arith.constant 0 : i32
    %dma_wait3A_308 = arith.constant 0 : i32
    %dma_wait3A_309 = tpu.memref_slice %arg5[%dma_wait3A_307, %dma_wait3A_308] : memref<100000x64xf32, #tpu.memory_space<hbm>> -> memref<100000x64xf32, #tpu.memory_space<hbm>>
    tpu.wait_indirect_dma semaphore(%arg16 : memref<!tpu.dma_semaphore, #tpu.memory_space<semaphore_mem>>) src(%dma_wait3A_309 : memref<100000x64xf32, #tpu.memory_space<hbm>>) dst(%dma_wait3A_303 : memref<128x64xf32, #tpu.memory_space<vmem>>)
    %dma_wait3A_310 = arith.constant 0 : i32
    %dma_wait3A_311 = arith.constant 0 : i32
    %dma_wait3A_312 = arith.constant 0 : i32
    %dma_wait3A_313 = tpu.memref_slice %arg13[%dma_wait3A_311, %dma_wait3A_312] : memref<512x32xf32, #tpu.memory_space<vmem>> -> memref<128x32xf32, #tpu.memory_space<vmem>>
    %dma_wait3A_314 = arith.constant 0 : i32
    %dma_wait3A_315 = tpu.memref_slice %arg10[%dma_wait3A_310, %dma_wait3A_314] : memref<4x128xi32, #tpu.memory_space<vmem>> -> memref<1x128xi32, #tpu.memory_space<vmem>>
    %dma_wait3A_316 = tpu.memref_squeeze %dma_wait3A_315 : memref<1x128xi32, #tpu.memory_space<vmem>> -> memref<128xi32, #tpu.memory_space<vmem>>
    %dma_wait3A_317 = arith.constant 0 : i32
    %dma_wait3A_318 = arith.constant 0 : i32
    %dma_wait3A_319 = tpu.memref_slice %arg6[%dma_wait3A_317, %dma_wait3A_318] : memref<2100x32xf32, #tpu.memory_space<hbm>> -> memref<2100x32xf32, #tpu.memory_space<hbm>>
    tpu.wait_indirect_dma semaphore(%arg16 : memref<!tpu.dma_semaphore, #tpu.memory_space<semaphore_mem>>) src(%dma_wait3A_319 : memref<2100x32xf32, #tpu.memory_space<hbm>>) dst(%dma_wait3A_313 : memref<128x32xf32, #tpu.memory_space<vmem>>)
    %dma_wait3A_320 = arith.constant 0 : i32
    %dma_wait3A_321 = arith.constant 0 : i32
    %dma_wait3A_322 = arith.constant 0 : i32
    %dma_wait3A_323 = tpu.memref_slice %arg14[%dma_wait3A_321, %dma_wait3A_322] : memref<512x16xf32, #tpu.memory_space<vmem>> -> memref<128x16xf32, #tpu.memory_space<vmem>>
    %dma_wait3A_324 = arith.constant 0 : i32
    %dma_wait3A_325 = tpu.memref_slice %arg11[%dma_wait3A_320, %dma_wait3A_324] : memref<4x128xi32, #tpu.memory_space<vmem>> -> memref<1x128xi32, #tpu.memory_space<vmem>>
    %dma_wait3A_326 = tpu.memref_squeeze %dma_wait3A_325 : memref<1x128xi32, #tpu.memory_space<vmem>> -> memref<128xi32, #tpu.memory_space<vmem>>
    %dma_wait3A_327 = arith.constant 0 : i32
    %dma_wait3A_328 = arith.constant 0 : i32
    %dma_wait3A_329 = tpu.memref_slice %arg7[%dma_wait3A_327, %dma_wait3A_328] : memref<441x16xf32, #tpu.memory_space<hbm>> -> memref<441x16xf32, #tpu.memory_space<hbm>>
    tpu.wait_indirect_dma semaphore(%arg16 : memref<!tpu.dma_semaphore, #tpu.memory_space<semaphore_mem>>) src(%dma_wait3A_329 : memref<441x16xf32, #tpu.memory_space<hbm>>) dst(%dma_wait3A_323 : memref<128x16xf32, #tpu.memory_space<vmem>>)
    %dma_wait3A_330 = arith.constant 1 : i32
    %dma_wait3A_331 = arith.constant 128 : i32
    %dma_wait3A_332 = arith.constant 0 : i32
    %dma_wait3A_333 = tpu.memref_slice %arg12[%dma_wait3A_331, %dma_wait3A_332] : memref<512x64xf32, #tpu.memory_space<vmem>> -> memref<128x64xf32, #tpu.memory_space<vmem>>
    %dma_wait3A_334 = arith.constant 0 : i32
    %dma_wait3A_335 = tpu.memref_slice %arg9[%dma_wait3A_330, %dma_wait3A_334] : memref<4x128xi32, #tpu.memory_space<vmem>> -> memref<1x128xi32, #tpu.memory_space<vmem>>
    %dma_wait3A_336 = tpu.memref_squeeze %dma_wait3A_335 : memref<1x128xi32, #tpu.memory_space<vmem>> -> memref<128xi32, #tpu.memory_space<vmem>>
    %dma_wait3A_337 = arith.constant 0 : i32
    %dma_wait3A_338 = arith.constant 0 : i32
    %dma_wait3A_339 = tpu.memref_slice %arg5[%dma_wait3A_337, %dma_wait3A_338] : memref<100000x64xf32, #tpu.memory_space<hbm>> -> memref<100000x64xf32, #tpu.memory_space<hbm>>
    tpu.wait_indirect_dma semaphore(%arg16 : memref<!tpu.dma_semaphore, #tpu.memory_space<semaphore_mem>>) src(%dma_wait3A_339 : memref<100000x64xf32, #tpu.memory_space<hbm>>) dst(%dma_wait3A_333 : memref<128x64xf32, #tpu.memory_space<vmem>>)
    %dma_wait3A_340 = arith.constant 1 : i32
    %dma_wait3A_341 = arith.constant 128 : i32
    %dma_wait3A_342 = arith.constant 0 : i32
    %dma_wait3A_343 = tpu.memref_slice %arg13[%dma_wait3A_341, %dma_wait3A_342] : memref<512x32xf32, #tpu.memory_space<vmem>> -> memref<128x32xf32, #tpu.memory_space<vmem>>
    %dma_wait3A_344 = arith.constant 0 : i32
    %dma_wait3A_345 = tpu.memref_slice %arg10[%dma_wait3A_340, %dma_wait3A_344] : memref<4x128xi32, #tpu.memory_space<vmem>> -> memref<1x128xi32, #tpu.memory_space<vmem>>
    %dma_wait3A_346 = tpu.memref_squeeze %dma_wait3A_345 : memref<1x128xi32, #tpu.memory_space<vmem>> -> memref<128xi32, #tpu.memory_space<vmem>>
    %dma_wait3A_347 = arith.constant 0 : i32
    %dma_wait3A_348 = arith.constant 0 : i32
    %dma_wait3A_349 = tpu.memref_slice %arg6[%dma_wait3A_347, %dma_wait3A_348] : memref<2100x32xf32, #tpu.memory_space<hbm>> -> memref<2100x32xf32, #tpu.memory_space<hbm>>
    tpu.wait_indirect_dma semaphore(%arg16 : memref<!tpu.dma_semaphore, #tpu.memory_space<semaphore_mem>>) src(%dma_wait3A_349 : memref<2100x32xf32, #tpu.memory_space<hbm>>) dst(%dma_wait3A_343 : memref<128x32xf32, #tpu.memory_space<vmem>>)
    %dma_wait3A_350 = arith.constant 1 : i32
    %dma_wait3A_351 = arith.constant 128 : i32
    %dma_wait3A_352 = arith.constant 0 : i32
    %dma_wait3A_353 = tpu.memref_slice %arg14[%dma_wait3A_351, %dma_wait3A_352] : memref<512x16xf32, #tpu.memory_space<vmem>> -> memref<128x16xf32, #tpu.memory_space<vmem>>
    %dma_wait3A_354 = arith.constant 0 : i32
    %dma_wait3A_355 = tpu.memref_slice %arg11[%dma_wait3A_350, %dma_wait3A_354] : memref<4x128xi32, #tpu.memory_space<vmem>> -> memref<1x128xi32, #tpu.memory_space<vmem>>
    %dma_wait3A_356 = tpu.memref_squeeze %dma_wait3A_355 : memref<1x128xi32, #tpu.memory_space<vmem>> -> memref<128xi32, #tpu.memory_space<vmem>>
    %dma_wait3A_357 = arith.constant 0 : i32
    %dma_wait3A_358 = arith.constant 0 : i32
    %dma_wait3A_359 = tpu.memref_slice %arg7[%dma_wait3A_357, %dma_wait3A_358] : memref<441x16xf32, #tpu.memory_space<hbm>> -> memref<441x16xf32, #tpu.memory_space<hbm>>
    tpu.wait_indirect_dma semaphore(%arg16 : memref<!tpu.dma_semaphore, #tpu.memory_space<semaphore_mem>>) src(%dma_wait3A_359 : memref<441x16xf32, #tpu.memory_space<hbm>>) dst(%dma_wait3A_353 : memref<128x16xf32, #tpu.memory_space<vmem>>)
    %dma_wait3A_360 = arith.constant 2 : i32
    %dma_wait3A_361 = arith.constant 256 : i32
    %dma_wait3A_362 = arith.constant 0 : i32
    %dma_wait3A_363 = tpu.memref_slice %arg12[%dma_wait3A_361, %dma_wait3A_362] : memref<512x64xf32, #tpu.memory_space<vmem>> -> memref<128x64xf32, #tpu.memory_space<vmem>>
    %dma_wait3A_364 = arith.constant 0 : i32
    %dma_wait3A_365 = tpu.memref_slice %arg9[%dma_wait3A_360, %dma_wait3A_364] : memref<4x128xi32, #tpu.memory_space<vmem>> -> memref<1x128xi32, #tpu.memory_space<vmem>>
    %dma_wait3A_366 = tpu.memref_squeeze %dma_wait3A_365 : memref<1x128xi32, #tpu.memory_space<vmem>> -> memref<128xi32, #tpu.memory_space<vmem>>
    %dma_wait3A_367 = arith.constant 0 : i32
    %dma_wait3A_368 = arith.constant 0 : i32
    %dma_wait3A_369 = tpu.memref_slice %arg5[%dma_wait3A_367, %dma_wait3A_368] : memref<100000x64xf32, #tpu.memory_space<hbm>> -> memref<100000x64xf32, #tpu.memory_space<hbm>>
    tpu.wait_indirect_dma semaphore(%arg16 : memref<!tpu.dma_semaphore, #tpu.memory_space<semaphore_mem>>) src(%dma_wait3A_369 : memref<100000x64xf32, #tpu.memory_space<hbm>>) dst(%dma_wait3A_363 : memref<128x64xf32, #tpu.memory_space<vmem>>)
    %dma_wait3A_370 = arith.constant 2 : i32
    %dma_wait3A_371 = arith.constant 256 : i32
    %dma_wait3A_372 = arith.constant 0 : i32
    %dma_wait3A_373 = tpu.memref_slice %arg13[%dma_wait3A_371, %dma_wait3A_372] : memref<512x32xf32, #tpu.memory_space<vmem>> -> memref<128x32xf32, #tpu.memory_space<vmem>>
    %dma_wait3A_374 = arith.constant 0 : i32
    %dma_wait3A_375 = tpu.memref_slice %arg10[%dma_wait3A_370, %dma_wait3A_374] : memref<4x128xi32, #tpu.memory_space<vmem>> -> memref<1x128xi32, #tpu.memory_space<vmem>>
    %dma_wait3A_376 = tpu.memref_squeeze %dma_wait3A_375 : memref<1x128xi32, #tpu.memory_space<vmem>> -> memref<128xi32, #tpu.memory_space<vmem>>
    %dma_wait3A_377 = arith.constant 0 : i32
    %dma_wait3A_378 = arith.constant 0 : i32
    %dma_wait3A_379 = tpu.memref_slice %arg6[%dma_wait3A_377, %dma_wait3A_378] : memref<2100x32xf32, #tpu.memory_space<hbm>> -> memref<2100x32xf32, #tpu.memory_space<hbm>>
    tpu.wait_indirect_dma semaphore(%arg16 : memref<!tpu.dma_semaphore, #tpu.memory_space<semaphore_mem>>) src(%dma_wait3A_379 : memref<2100x32xf32, #tpu.memory_space<hbm>>) dst(%dma_wait3A_373 : memref<128x32xf32, #tpu.memory_space<vmem>>)
    %dma_wait3A_380 = arith.constant 2 : i32
    %dma_wait3A_381 = arith.constant 256 : i32
    %dma_wait3A_382 = arith.constant 0 : i32
    %dma_wait3A_383 = tpu.memref_slice %arg14[%dma_wait3A_381, %dma_wait3A_382] : memref<512x16xf32, #tpu.memory_space<vmem>> -> memref<128x16xf32, #tpu.memory_space<vmem>>
    %dma_wait3A_384 = arith.constant 0 : i32
    %dma_wait3A_385 = tpu.memref_slice %arg11[%dma_wait3A_380, %dma_wait3A_384] : memref<4x128xi32, #tpu.memory_space<vmem>> -> memref<1x128xi32, #tpu.memory_space<vmem>>
    %dma_wait3A_386 = tpu.memref_squeeze %dma_wait3A_385 : memref<1x128xi32, #tpu.memory_space<vmem>> -> memref<128xi32, #tpu.memory_space<vmem>>
    %dma_wait3A_387 = arith.constant 0 : i32
    %dma_wait3A_388 = arith.constant 0 : i32
    %dma_wait3A_389 = tpu.memref_slice %arg7[%dma_wait3A_387, %dma_wait3A_388] : memref<441x16xf32, #tpu.memory_space<hbm>> -> memref<441x16xf32, #tpu.memory_space<hbm>>
    tpu.wait_indirect_dma semaphore(%arg16 : memref<!tpu.dma_semaphore, #tpu.memory_space<semaphore_mem>>) src(%dma_wait3A_389 : memref<441x16xf32, #tpu.memory_space<hbm>>) dst(%dma_wait3A_383 : memref<128x16xf32, #tpu.memory_space<vmem>>)
    %dma_wait3A_390 = arith.constant 3 : i32
    %dma_wait3A_391 = arith.constant 384 : i32
    %dma_wait3A_392 = arith.constant 0 : i32
    %dma_wait3A_393 = tpu.memref_slice %arg12[%dma_wait3A_391, %dma_wait3A_392] : memref<512x64xf32, #tpu.memory_space<vmem>> -> memref<128x64xf32, #tpu.memory_space<vmem>>
    %dma_wait3A_394 = arith.constant 0 : i32
    %dma_wait3A_395 = tpu.memref_slice %arg9[%dma_wait3A_390, %dma_wait3A_394] : memref<4x128xi32, #tpu.memory_space<vmem>> -> memref<1x128xi32, #tpu.memory_space<vmem>>
    %dma_wait3A_396 = tpu.memref_squeeze %dma_wait3A_395 : memref<1x128xi32, #tpu.memory_space<vmem>> -> memref<128xi32, #tpu.memory_space<vmem>>
    %dma_wait3A_397 = arith.constant 0 : i32
    %dma_wait3A_398 = arith.constant 0 : i32
    %dma_wait3A_399 = tpu.memref_slice %arg5[%dma_wait3A_397, %dma_wait3A_398] : memref<100000x64xf32, #tpu.memory_space<hbm>> -> memref<100000x64xf32, #tpu.memory_space<hbm>>
    tpu.wait_indirect_dma semaphore(%arg16 : memref<!tpu.dma_semaphore, #tpu.memory_space<semaphore_mem>>) src(%dma_wait3A_399 : memref<100000x64xf32, #tpu.memory_space<hbm>>) dst(%dma_wait3A_393 : memref<128x64xf32, #tpu.memory_space<vmem>>)
    %dma_wait3A_400 = arith.constant 3 : i32
    %dma_wait3A_401 = arith.constant 384 : i32
    %dma_wait3A_402 = arith.constant 0 : i32
    %dma_wait3A_403 = tpu.memref_slice %arg13[%dma_wait3A_401, %dma_wait3A_402] : memref<512x32xf32, #tpu.memory_space<vmem>> -> memref<128x32xf32, #tpu.memory_space<vmem>>
    %dma_wait3A_404 = arith.constant 0 : i32
    %dma_wait3A_405 = tpu.memref_slice %arg10[%dma_wait3A_400, %dma_wait3A_404] : memref<4x128xi32, #tpu.memory_space<vmem>> -> memref<1x128xi32, #tpu.memory_space<vmem>>
    %dma_wait3A_406 = tpu.memref_squeeze %dma_wait3A_405 : memref<1x128xi32, #tpu.memory_space<vmem>> -> memref<128xi32, #tpu.memory_space<vmem>>
    %dma_wait3A_407 = arith.constant 0 : i32
    %dma_wait3A_408 = arith.constant 0 : i32
    %dma_wait3A_409 = tpu.memref_slice %arg6[%dma_wait3A_407, %dma_wait3A_408] : memref<2100x32xf32, #tpu.memory_space<hbm>> -> memref<2100x32xf32, #tpu.memory_space<hbm>>
    tpu.wait_indirect_dma semaphore(%arg16 : memref<!tpu.dma_semaphore, #tpu.memory_space<semaphore_mem>>) src(%dma_wait3A_409 : memref<2100x32xf32, #tpu.memory_space<hbm>>) dst(%dma_wait3A_403 : memref<128x32xf32, #tpu.memory_space<vmem>>)
    %dma_wait3A_410 = arith.constant 3 : i32
    %dma_wait3A_411 = arith.constant 384 : i32
    %dma_wait3A_412 = arith.constant 0 : i32
    %dma_wait3A_413 = tpu.memref_slice %arg14[%dma_wait3A_411, %dma_wait3A_412] : memref<512x16xf32, #tpu.memory_space<vmem>> -> memref<128x16xf32, #tpu.memory_space<vmem>>
    %dma_wait3A_414 = arith.constant 0 : i32
    %dma_wait3A_415 = tpu.memref_slice %arg11[%dma_wait3A_410, %dma_wait3A_414] : memref<4x128xi32, #tpu.memory_space<vmem>> -> memref<1x128xi32, #tpu.memory_space<vmem>>
    %dma_wait3A_416 = tpu.memref_squeeze %dma_wait3A_415 : memref<1x128xi32, #tpu.memory_space<vmem>> -> memref<128xi32, #tpu.memory_space<vmem>>
    %dma_wait3A_417 = arith.constant 0 : i32
    %dma_wait3A_418 = arith.constant 0 : i32
    %dma_wait3A_419 = tpu.memref_slice %arg7[%dma_wait3A_417, %dma_wait3A_418] : memref<441x16xf32, #tpu.memory_space<hbm>> -> memref<441x16xf32, #tpu.memory_space<hbm>>
    tpu.wait_indirect_dma semaphore(%arg16 : memref<!tpu.dma_semaphore, #tpu.memory_space<semaphore_mem>>) src(%dma_wait3A_419 : memref<441x16xf32, #tpu.memory_space<hbm>>) dst(%dma_wait3A_413 : memref<128x16xf32, #tpu.memory_space<vmem>>)
    %mul3A_420 = arith.constant 200 : i32
    %mul3A_421 = arith.muli %add3A, %mul3A_420 : i32
    %add3A_422 = arith.constant 192 : i32
    %add3A_423 = arith.addi %mul3A_421, %add3A_422 : i32
    %mul3A_424 = arith.constant 128 : i32
    %mul3A_425 = arith.muli %add3A_423, %mul3A_424 : i32
    %dma_start3A_426 = arith.constant 0 : i32
    %dma_start3A_427 = tpu.memref_slice %arg8[%mul3A_425, %dma_start3A_426] : memref<819200x128xf32, #tpu.memory_space<hbm>> -> memref<512x64xf32, #tpu.memory_space<hbm>>
    %dma_start3A_428 = arith.constant 0 : i32
    %dma_start3A_429 = tpu.memref_slice %arg8[%mul3A_425, %dma_start3A_428] : memref<819200x128xf32, #tpu.memory_space<hbm>> -> memref<512x64xf32, #tpu.memory_space<hbm>>
    tpu.enqueue_dma source(%arg12 : memref<512x64xf32, #tpu.memory_space<vmem>>) target(%dma_start3A_429 : memref<512x64xf32, #tpu.memory_space<hbm>>) target_semaphore(%arg17 : memref<!tpu.dma_semaphore, #tpu.memory_space<semaphore_mem>>)
    %dma_start3A_430 = arith.constant 64 : i32
    %dma_start3A_431 = tpu.memref_slice %arg8[%mul3A_425, %dma_start3A_430] : memref<819200x128xf32, #tpu.memory_space<hbm>> -> memref<512x32xf32, #tpu.memory_space<hbm>>
    %dma_start3A_432 = arith.constant 64 : i32
    %dma_start3A_433 = tpu.memref_slice %arg8[%mul3A_425, %dma_start3A_432] : memref<819200x128xf32, #tpu.memory_space<hbm>> -> memref<512x32xf32, #tpu.memory_space<hbm>>
    tpu.enqueue_dma source(%arg13 : memref<512x32xf32, #tpu.memory_space<vmem>>) target(%dma_start3A_433 : memref<512x32xf32, #tpu.memory_space<hbm>>) target_semaphore(%arg17 : memref<!tpu.dma_semaphore, #tpu.memory_space<semaphore_mem>>)
    %dma_start3A_434 = arith.constant 96 : i32
    %dma_start3A_435 = tpu.memref_slice %arg8[%mul3A_425, %dma_start3A_434] : memref<819200x128xf32, #tpu.memory_space<hbm>> -> memref<512x16xf32, #tpu.memory_space<hbm>>
    %dma_start3A_436 = arith.constant 96 : i32
    %dma_start3A_437 = tpu.memref_slice %arg8[%mul3A_425, %dma_start3A_436] : memref<819200x128xf32, #tpu.memory_space<hbm>> -> memref<512x16xf32, #tpu.memory_space<hbm>>
    tpu.enqueue_dma source(%arg14 : memref<512x16xf32, #tpu.memory_space<vmem>>) target(%dma_start3A_437 : memref<512x16xf32, #tpu.memory_space<hbm>>) target_semaphore(%arg17 : memref<!tpu.dma_semaphore, #tpu.memory_space<semaphore_mem>>)
    %dma_wait3A_438 = arith.constant 0 : i32
    %dma_wait3A_439 = arith.constant 0 : i32
    %dma_wait3A_440 = arith.constant 0 : i32
    %dma_wait3A_441 = tpu.memref_slice %arg21[%dma_wait3A_439, %dma_wait3A_440] : memref<512x64xf32, #tpu.memory_space<vmem>> -> memref<128x64xf32, #tpu.memory_space<vmem>>
    %dma_wait3A_442 = arith.constant 0 : i32
    %dma_wait3A_443 = tpu.memref_slice %arg18[%dma_wait3A_438, %dma_wait3A_442] : memref<4x128xi32, #tpu.memory_space<vmem>> -> memref<1x128xi32, #tpu.memory_space<vmem>>
    %dma_wait3A_444 = tpu.memref_squeeze %dma_wait3A_443 : memref<1x128xi32, #tpu.memory_space<vmem>> -> memref<128xi32, #tpu.memory_space<vmem>>
    %dma_wait3A_445 = arith.constant 0 : i32
    %dma_wait3A_446 = arith.constant 0 : i32
    %dma_wait3A_447 = tpu.memref_slice %arg5[%dma_wait3A_445, %dma_wait3A_446] : memref<100000x64xf32, #tpu.memory_space<hbm>> -> memref<100000x64xf32, #tpu.memory_space<hbm>>
    tpu.wait_indirect_dma semaphore(%arg25 : memref<!tpu.dma_semaphore, #tpu.memory_space<semaphore_mem>>) src(%dma_wait3A_447 : memref<100000x64xf32, #tpu.memory_space<hbm>>) dst(%dma_wait3A_441 : memref<128x64xf32, #tpu.memory_space<vmem>>)
    %dma_wait3A_448 = arith.constant 0 : i32
    %dma_wait3A_449 = arith.constant 0 : i32
    %dma_wait3A_450 = arith.constant 0 : i32
    %dma_wait3A_451 = tpu.memref_slice %arg22[%dma_wait3A_449, %dma_wait3A_450] : memref<512x32xf32, #tpu.memory_space<vmem>> -> memref<128x32xf32, #tpu.memory_space<vmem>>
    %dma_wait3A_452 = arith.constant 0 : i32
    %dma_wait3A_453 = tpu.memref_slice %arg19[%dma_wait3A_448, %dma_wait3A_452] : memref<4x128xi32, #tpu.memory_space<vmem>> -> memref<1x128xi32, #tpu.memory_space<vmem>>
    %dma_wait3A_454 = tpu.memref_squeeze %dma_wait3A_453 : memref<1x128xi32, #tpu.memory_space<vmem>> -> memref<128xi32, #tpu.memory_space<vmem>>
    %dma_wait3A_455 = arith.constant 0 : i32
    %dma_wait3A_456 = arith.constant 0 : i32
    %dma_wait3A_457 = tpu.memref_slice %arg6[%dma_wait3A_455, %dma_wait3A_456] : memref<2100x32xf32, #tpu.memory_space<hbm>> -> memref<2100x32xf32, #tpu.memory_space<hbm>>
    tpu.wait_indirect_dma semaphore(%arg25 : memref<!tpu.dma_semaphore, #tpu.memory_space<semaphore_mem>>) src(%dma_wait3A_457 : memref<2100x32xf32, #tpu.memory_space<hbm>>) dst(%dma_wait3A_451 : memref<128x32xf32, #tpu.memory_space<vmem>>)
    %dma_wait3A_458 = arith.constant 0 : i32
    %dma_wait3A_459 = arith.constant 0 : i32
    %dma_wait3A_460 = arith.constant 0 : i32
    %dma_wait3A_461 = tpu.memref_slice %arg23[%dma_wait3A_459, %dma_wait3A_460] : memref<512x16xf32, #tpu.memory_space<vmem>> -> memref<128x16xf32, #tpu.memory_space<vmem>>
    %dma_wait3A_462 = arith.constant 0 : i32
    %dma_wait3A_463 = tpu.memref_slice %arg20[%dma_wait3A_458, %dma_wait3A_462] : memref<4x128xi32, #tpu.memory_space<vmem>> -> memref<1x128xi32, #tpu.memory_space<vmem>>
    %dma_wait3A_464 = tpu.memref_squeeze %dma_wait3A_463 : memref<1x128xi32, #tpu.memory_space<vmem>> -> memref<128xi32, #tpu.memory_space<vmem>>
    %dma_wait3A_465 = arith.constant 0 : i32
    %dma_wait3A_466 = arith.constant 0 : i32
    %dma_wait3A_467 = tpu.memref_slice %arg7[%dma_wait3A_465, %dma_wait3A_466] : memref<441x16xf32, #tpu.memory_space<hbm>> -> memref<441x16xf32, #tpu.memory_space<hbm>>
    tpu.wait_indirect_dma semaphore(%arg25 : memref<!tpu.dma_semaphore, #tpu.memory_space<semaphore_mem>>) src(%dma_wait3A_467 : memref<441x16xf32, #tpu.memory_space<hbm>>) dst(%dma_wait3A_461 : memref<128x16xf32, #tpu.memory_space<vmem>>)
    %dma_wait3A_468 = arith.constant 1 : i32
    %dma_wait3A_469 = arith.constant 128 : i32
    %dma_wait3A_470 = arith.constant 0 : i32
    %dma_wait3A_471 = tpu.memref_slice %arg21[%dma_wait3A_469, %dma_wait3A_470] : memref<512x64xf32, #tpu.memory_space<vmem>> -> memref<128x64xf32, #tpu.memory_space<vmem>>
    %dma_wait3A_472 = arith.constant 0 : i32
    %dma_wait3A_473 = tpu.memref_slice %arg18[%dma_wait3A_468, %dma_wait3A_472] : memref<4x128xi32, #tpu.memory_space<vmem>> -> memref<1x128xi32, #tpu.memory_space<vmem>>
    %dma_wait3A_474 = tpu.memref_squeeze %dma_wait3A_473 : memref<1x128xi32, #tpu.memory_space<vmem>> -> memref<128xi32, #tpu.memory_space<vmem>>
    %dma_wait3A_475 = arith.constant 0 : i32
    %dma_wait3A_476 = arith.constant 0 : i32
    %dma_wait3A_477 = tpu.memref_slice %arg5[%dma_wait3A_475, %dma_wait3A_476] : memref<100000x64xf32, #tpu.memory_space<hbm>> -> memref<100000x64xf32, #tpu.memory_space<hbm>>
    tpu.wait_indirect_dma semaphore(%arg25 : memref<!tpu.dma_semaphore, #tpu.memory_space<semaphore_mem>>) src(%dma_wait3A_477 : memref<100000x64xf32, #tpu.memory_space<hbm>>) dst(%dma_wait3A_471 : memref<128x64xf32, #tpu.memory_space<vmem>>)
    %dma_wait3A_478 = arith.constant 1 : i32
    %dma_wait3A_479 = arith.constant 128 : i32
    %dma_wait3A_480 = arith.constant 0 : i32
    %dma_wait3A_481 = tpu.memref_slice %arg22[%dma_wait3A_479, %dma_wait3A_480] : memref<512x32xf32, #tpu.memory_space<vmem>> -> memref<128x32xf32, #tpu.memory_space<vmem>>
    %dma_wait3A_482 = arith.constant 0 : i32
    %dma_wait3A_483 = tpu.memref_slice %arg19[%dma_wait3A_478, %dma_wait3A_482] : memref<4x128xi32, #tpu.memory_space<vmem>> -> memref<1x128xi32, #tpu.memory_space<vmem>>
    %dma_wait3A_484 = tpu.memref_squeeze %dma_wait3A_483 : memref<1x128xi32, #tpu.memory_space<vmem>> -> memref<128xi32, #tpu.memory_space<vmem>>
    %dma_wait3A_485 = arith.constant 0 : i32
    %dma_wait3A_486 = arith.constant 0 : i32
    %dma_wait3A_487 = tpu.memref_slice %arg6[%dma_wait3A_485, %dma_wait3A_486] : memref<2100x32xf32, #tpu.memory_space<hbm>> -> memref<2100x32xf32, #tpu.memory_space<hbm>>
    tpu.wait_indirect_dma semaphore(%arg25 : memref<!tpu.dma_semaphore, #tpu.memory_space<semaphore_mem>>) src(%dma_wait3A_487 : memref<2100x32xf32, #tpu.memory_space<hbm>>) dst(%dma_wait3A_481 : memref<128x32xf32, #tpu.memory_space<vmem>>)
    %dma_wait3A_488 = arith.constant 1 : i32
    %dma_wait3A_489 = arith.constant 128 : i32
    %dma_wait3A_490 = arith.constant 0 : i32
    %dma_wait3A_491 = tpu.memref_slice %arg23[%dma_wait3A_489, %dma_wait3A_490] : memref<512x16xf32, #tpu.memory_space<vmem>> -> memref<128x16xf32, #tpu.memory_space<vmem>>
    %dma_wait3A_492 = arith.constant 0 : i32
    %dma_wait3A_493 = tpu.memref_slice %arg20[%dma_wait3A_488, %dma_wait3A_492] : memref<4x128xi32, #tpu.memory_space<vmem>> -> memref<1x128xi32, #tpu.memory_space<vmem>>
    %dma_wait3A_494 = tpu.memref_squeeze %dma_wait3A_493 : memref<1x128xi32, #tpu.memory_space<vmem>> -> memref<128xi32, #tpu.memory_space<vmem>>
    %dma_wait3A_495 = arith.constant 0 : i32
    %dma_wait3A_496 = arith.constant 0 : i32
    %dma_wait3A_497 = tpu.memref_slice %arg7[%dma_wait3A_495, %dma_wait3A_496] : memref<441x16xf32, #tpu.memory_space<hbm>> -> memref<441x16xf32, #tpu.memory_space<hbm>>
    tpu.wait_indirect_dma semaphore(%arg25 : memref<!tpu.dma_semaphore, #tpu.memory_space<semaphore_mem>>) src(%dma_wait3A_497 : memref<441x16xf32, #tpu.memory_space<hbm>>) dst(%dma_wait3A_491 : memref<128x16xf32, #tpu.memory_space<vmem>>)
    %dma_wait3A_498 = arith.constant 2 : i32
    %dma_wait3A_499 = arith.constant 256 : i32
    %dma_wait3A_500 = arith.constant 0 : i32
    %dma_wait3A_501 = tpu.memref_slice %arg21[%dma_wait3A_499, %dma_wait3A_500] : memref<512x64xf32, #tpu.memory_space<vmem>> -> memref<128x64xf32, #tpu.memory_space<vmem>>
    %dma_wait3A_502 = arith.constant 0 : i32
    %dma_wait3A_503 = tpu.memref_slice %arg18[%dma_wait3A_498, %dma_wait3A_502] : memref<4x128xi32, #tpu.memory_space<vmem>> -> memref<1x128xi32, #tpu.memory_space<vmem>>
    %dma_wait3A_504 = tpu.memref_squeeze %dma_wait3A_503 : memref<1x128xi32, #tpu.memory_space<vmem>> -> memref<128xi32, #tpu.memory_space<vmem>>
    %dma_wait3A_505 = arith.constant 0 : i32
    %dma_wait3A_506 = arith.constant 0 : i32
    %dma_wait3A_507 = tpu.memref_slice %arg5[%dma_wait3A_505, %dma_wait3A_506] : memref<100000x64xf32, #tpu.memory_space<hbm>> -> memref<100000x64xf32, #tpu.memory_space<hbm>>
    tpu.wait_indirect_dma semaphore(%arg25 : memref<!tpu.dma_semaphore, #tpu.memory_space<semaphore_mem>>) src(%dma_wait3A_507 : memref<100000x64xf32, #tpu.memory_space<hbm>>) dst(%dma_wait3A_501 : memref<128x64xf32, #tpu.memory_space<vmem>>)
    %dma_wait3A_508 = arith.constant 2 : i32
    %dma_wait3A_509 = arith.constant 256 : i32
    %dma_wait3A_510 = arith.constant 0 : i32
    %dma_wait3A_511 = tpu.memref_slice %arg22[%dma_wait3A_509, %dma_wait3A_510] : memref<512x32xf32, #tpu.memory_space<vmem>> -> memref<128x32xf32, #tpu.memory_space<vmem>>
    %dma_wait3A_512 = arith.constant 0 : i32
    %dma_wait3A_513 = tpu.memref_slice %arg19[%dma_wait3A_508, %dma_wait3A_512] : memref<4x128xi32, #tpu.memory_space<vmem>> -> memref<1x128xi32, #tpu.memory_space<vmem>>
    %dma_wait3A_514 = tpu.memref_squeeze %dma_wait3A_513 : memref<1x128xi32, #tpu.memory_space<vmem>> -> memref<128xi32, #tpu.memory_space<vmem>>
    %dma_wait3A_515 = arith.constant 0 : i32
    %dma_wait3A_516 = arith.constant 0 : i32
    %dma_wait3A_517 = tpu.memref_slice %arg6[%dma_wait3A_515, %dma_wait3A_516] : memref<2100x32xf32, #tpu.memory_space<hbm>> -> memref<2100x32xf32, #tpu.memory_space<hbm>>
    tpu.wait_indirect_dma semaphore(%arg25 : memref<!tpu.dma_semaphore, #tpu.memory_space<semaphore_mem>>) src(%dma_wait3A_517 : memref<2100x32xf32, #tpu.memory_space<hbm>>) dst(%dma_wait3A_511 : memref<128x32xf32, #tpu.memory_space<vmem>>)
    %dma_wait3A_518 = arith.constant 2 : i32
    %dma_wait3A_519 = arith.constant 256 : i32
    %dma_wait3A_520 = arith.constant 0 : i32
    %dma_wait3A_521 = tpu.memref_slice %arg23[%dma_wait3A_519, %dma_wait3A_520] : memref<512x16xf32, #tpu.memory_space<vmem>> -> memref<128x16xf32, #tpu.memory_space<vmem>>
    %dma_wait3A_522 = arith.constant 0 : i32
    %dma_wait3A_523 = tpu.memref_slice %arg20[%dma_wait3A_518, %dma_wait3A_522] : memref<4x128xi32, #tpu.memory_space<vmem>> -> memref<1x128xi32, #tpu.memory_space<vmem>>
    %dma_wait3A_524 = tpu.memref_squeeze %dma_wait3A_523 : memref<1x128xi32, #tpu.memory_space<vmem>> -> memref<128xi32, #tpu.memory_space<vmem>>
    %dma_wait3A_525 = arith.constant 0 : i32
    %dma_wait3A_526 = arith.constant 0 : i32
    %dma_wait3A_527 = tpu.memref_slice %arg7[%dma_wait3A_525, %dma_wait3A_526] : memref<441x16xf32, #tpu.memory_space<hbm>> -> memref<441x16xf32, #tpu.memory_space<hbm>>
    tpu.wait_indirect_dma semaphore(%arg25 : memref<!tpu.dma_semaphore, #tpu.memory_space<semaphore_mem>>) src(%dma_wait3A_527 : memref<441x16xf32, #tpu.memory_space<hbm>>) dst(%dma_wait3A_521 : memref<128x16xf32, #tpu.memory_space<vmem>>)
    %dma_wait3A_528 = arith.constant 3 : i32
    %dma_wait3A_529 = arith.constant 384 : i32
    %dma_wait3A_530 = arith.constant 0 : i32
    %dma_wait3A_531 = tpu.memref_slice %arg21[%dma_wait3A_529, %dma_wait3A_530] : memref<512x64xf32, #tpu.memory_space<vmem>> -> memref<128x64xf32, #tpu.memory_space<vmem>>
    %dma_wait3A_532 = arith.constant 0 : i32
    %dma_wait3A_533 = tpu.memref_slice %arg18[%dma_wait3A_528, %dma_wait3A_532] : memref<4x128xi32, #tpu.memory_space<vmem>> -> memref<1x128xi32, #tpu.memory_space<vmem>>
    %dma_wait3A_534 = tpu.memref_squeeze %dma_wait3A_533 : memref<1x128xi32, #tpu.memory_space<vmem>> -> memref<128xi32, #tpu.memory_space<vmem>>
    %dma_wait3A_535 = arith.constant 0 : i32
    %dma_wait3A_536 = arith.constant 0 : i32
    %dma_wait3A_537 = tpu.memref_slice %arg5[%dma_wait3A_535, %dma_wait3A_536] : memref<100000x64xf32, #tpu.memory_space<hbm>> -> memref<100000x64xf32, #tpu.memory_space<hbm>>
    tpu.wait_indirect_dma semaphore(%arg25 : memref<!tpu.dma_semaphore, #tpu.memory_space<semaphore_mem>>) src(%dma_wait3A_537 : memref<100000x64xf32, #tpu.memory_space<hbm>>) dst(%dma_wait3A_531 : memref<128x64xf32, #tpu.memory_space<vmem>>)
    %dma_wait3A_538 = arith.constant 3 : i32
    %dma_wait3A_539 = arith.constant 384 : i32
    %dma_wait3A_540 = arith.constant 0 : i32
    %dma_wait3A_541 = tpu.memref_slice %arg22[%dma_wait3A_539, %dma_wait3A_540] : memref<512x32xf32, #tpu.memory_space<vmem>> -> memref<128x32xf32, #tpu.memory_space<vmem>>
    %dma_wait3A_542 = arith.constant 0 : i32
    %dma_wait3A_543 = tpu.memref_slice %arg19[%dma_wait3A_538, %dma_wait3A_542] : memref<4x128xi32, #tpu.memory_space<vmem>> -> memref<1x128xi32, #tpu.memory_space<vmem>>
    %dma_wait3A_544 = tpu.memref_squeeze %dma_wait3A_543 : memref<1x128xi32, #tpu.memory_space<vmem>> -> memref<128xi32, #tpu.memory_space<vmem>>
    %dma_wait3A_545 = arith.constant 0 : i32
    %dma_wait3A_546 = arith.constant 0 : i32
    %dma_wait3A_547 = tpu.memref_slice %arg6[%dma_wait3A_545, %dma_wait3A_546] : memref<2100x32xf32, #tpu.memory_space<hbm>> -> memref<2100x32xf32, #tpu.memory_space<hbm>>
    tpu.wait_indirect_dma semaphore(%arg25 : memref<!tpu.dma_semaphore, #tpu.memory_space<semaphore_mem>>) src(%dma_wait3A_547 : memref<2100x32xf32, #tpu.memory_space<hbm>>) dst(%dma_wait3A_541 : memref<128x32xf32, #tpu.memory_space<vmem>>)
    %dma_wait3A_548 = arith.constant 3 : i32
    %dma_wait3A_549 = arith.constant 384 : i32
    %dma_wait3A_550 = arith.constant 0 : i32
    %dma_wait3A_551 = tpu.memref_slice %arg23[%dma_wait3A_549, %dma_wait3A_550] : memref<512x16xf32, #tpu.memory_space<vmem>> -> memref<128x16xf32, #tpu.memory_space<vmem>>
    %dma_wait3A_552 = arith.constant 0 : i32
    %dma_wait3A_553 = tpu.memref_slice %arg20[%dma_wait3A_548, %dma_wait3A_552] : memref<4x128xi32, #tpu.memory_space<vmem>> -> memref<1x128xi32, #tpu.memory_space<vmem>>
    %dma_wait3A_554 = tpu.memref_squeeze %dma_wait3A_553 : memref<1x128xi32, #tpu.memory_space<vmem>> -> memref<128xi32, #tpu.memory_space<vmem>>
    %dma_wait3A_555 = arith.constant 0 : i32
    %dma_wait3A_556 = arith.constant 0 : i32
    %dma_wait3A_557 = tpu.memref_slice %arg7[%dma_wait3A_555, %dma_wait3A_556] : memref<441x16xf32, #tpu.memory_space<hbm>> -> memref<441x16xf32, #tpu.memory_space<hbm>>
    tpu.wait_indirect_dma semaphore(%arg25 : memref<!tpu.dma_semaphore, #tpu.memory_space<semaphore_mem>>) src(%dma_wait3A_557 : memref<441x16xf32, #tpu.memory_space<hbm>>) dst(%dma_wait3A_551 : memref<128x16xf32, #tpu.memory_space<vmem>>)
    %mul3A_558 = arith.constant 200 : i32
    %mul3A_559 = arith.muli %add3A, %mul3A_558 : i32
    %add3A_560 = arith.constant 196 : i32
    %add3A_561 = arith.addi %mul3A_559, %add3A_560 : i32
    %mul3A_562 = arith.constant 128 : i32
    %mul3A_563 = arith.muli %add3A_561, %mul3A_562 : i32
    %dma_start3A_564 = arith.constant 0 : i32
    %dma_start3A_565 = tpu.memref_slice %arg8[%mul3A_563, %dma_start3A_564] : memref<819200x128xf32, #tpu.memory_space<hbm>> -> memref<512x64xf32, #tpu.memory_space<hbm>>
    %dma_start3A_566 = arith.constant 0 : i32
    %dma_start3A_567 = tpu.memref_slice %arg8[%mul3A_563, %dma_start3A_566] : memref<819200x128xf32, #tpu.memory_space<hbm>> -> memref<512x64xf32, #tpu.memory_space<hbm>>
    tpu.enqueue_dma source(%arg21 : memref<512x64xf32, #tpu.memory_space<vmem>>) target(%dma_start3A_567 : memref<512x64xf32, #tpu.memory_space<hbm>>) target_semaphore(%arg26 : memref<!tpu.dma_semaphore, #tpu.memory_space<semaphore_mem>>)
    %dma_start3A_568 = arith.constant 64 : i32
    %dma_start3A_569 = tpu.memref_slice %arg8[%mul3A_563, %dma_start3A_568] : memref<819200x128xf32, #tpu.memory_space<hbm>> -> memref<512x32xf32, #tpu.memory_space<hbm>>
    %dma_start3A_570 = arith.constant 64 : i32
    %dma_start3A_571 = tpu.memref_slice %arg8[%mul3A_563, %dma_start3A_570] : memref<819200x128xf32, #tpu.memory_space<hbm>> -> memref<512x32xf32, #tpu.memory_space<hbm>>
    tpu.enqueue_dma source(%arg22 : memref<512x32xf32, #tpu.memory_space<vmem>>) target(%dma_start3A_571 : memref<512x32xf32, #tpu.memory_space<hbm>>) target_semaphore(%arg26 : memref<!tpu.dma_semaphore, #tpu.memory_space<semaphore_mem>>)
    %dma_start3A_572 = arith.constant 96 : i32
    %dma_start3A_573 = tpu.memref_slice %arg8[%mul3A_563, %dma_start3A_572] : memref<819200x128xf32, #tpu.memory_space<hbm>> -> memref<512x16xf32, #tpu.memory_space<hbm>>
    %dma_start3A_574 = arith.constant 96 : i32
    %dma_start3A_575 = tpu.memref_slice %arg8[%mul3A_563, %dma_start3A_574] : memref<819200x128xf32, #tpu.memory_space<hbm>> -> memref<512x16xf32, #tpu.memory_space<hbm>>
    tpu.enqueue_dma source(%arg23 : memref<512x16xf32, #tpu.memory_space<vmem>>) target(%dma_start3A_575 : memref<512x16xf32, #tpu.memory_space<hbm>>) target_semaphore(%arg26 : memref<!tpu.dma_semaphore, #tpu.memory_space<semaphore_mem>>)
    %dma_wait3A_576 = arith.constant 0 : i32
    %dma_wait3A_577 = arith.constant 0 : i32
    %dma_wait3A_578 = tpu.memref_slice %arg8[%dma_wait3A_576, %dma_wait3A_577] : memref<819200x128xf32, #tpu.memory_space<hbm>> -> memref<512x64xf32, #tpu.memory_space<hbm>>
    %dma_wait3A_579 = arith.constant 0 : i32
    %dma_wait3A_580 = arith.constant 0 : i32
    %dma_wait3A_581 = tpu.memref_slice %arg8[%dma_wait3A_579, %dma_wait3A_580] : memref<819200x128xf32, #tpu.memory_space<hbm>> -> memref<512x64xf32, #tpu.memory_space<hbm>>
    tpu.wait_dma2 semaphore(%arg17 : memref<!tpu.dma_semaphore, #tpu.memory_space<semaphore_mem>>) src(%arg12 : memref<512x64xf32, #tpu.memory_space<vmem>>) dst(%dma_wait3A_581 : memref<512x64xf32, #tpu.memory_space<hbm>>)
    %dma_wait3A_582 = arith.constant 0 : i32
    %dma_wait3A_583 = arith.constant 64 : i32
    %dma_wait3A_584 = tpu.memref_slice %arg8[%dma_wait3A_582, %dma_wait3A_583] : memref<819200x128xf32, #tpu.memory_space<hbm>> -> memref<512x32xf32, #tpu.memory_space<hbm>>
    %dma_wait3A_585 = arith.constant 0 : i32
    %dma_wait3A_586 = arith.constant 64 : i32
    %dma_wait3A_587 = tpu.memref_slice %arg8[%dma_wait3A_585, %dma_wait3A_586] : memref<819200x128xf32, #tpu.memory_space<hbm>> -> memref<512x32xf32, #tpu.memory_space<hbm>>
    tpu.wait_dma2 semaphore(%arg17 : memref<!tpu.dma_semaphore, #tpu.memory_space<semaphore_mem>>) src(%arg13 : memref<512x32xf32, #tpu.memory_space<vmem>>) dst(%dma_wait3A_587 : memref<512x32xf32, #tpu.memory_space<hbm>>)
    %dma_wait3A_588 = arith.constant 0 : i32
    %dma_wait3A_589 = arith.constant 96 : i32
    %dma_wait3A_590 = tpu.memref_slice %arg8[%dma_wait3A_588, %dma_wait3A_589] : memref<819200x128xf32, #tpu.memory_space<hbm>> -> memref<512x16xf32, #tpu.memory_space<hbm>>
    %dma_wait3A_591 = arith.constant 0 : i32
    %dma_wait3A_592 = arith.constant 96 : i32
    %dma_wait3A_593 = tpu.memref_slice %arg8[%dma_wait3A_591, %dma_wait3A_592] : memref<819200x128xf32, #tpu.memory_space<hbm>> -> memref<512x16xf32, #tpu.memory_space<hbm>>
    tpu.wait_dma2 semaphore(%arg17 : memref<!tpu.dma_semaphore, #tpu.memory_space<semaphore_mem>>) src(%arg14 : memref<512x16xf32, #tpu.memory_space<vmem>>) dst(%dma_wait3A_593 : memref<512x16xf32, #tpu.memory_space<hbm>>)
    %dma_wait3A_594 = arith.constant 0 : i32
    %dma_wait3A_595 = arith.constant 0 : i32
    %dma_wait3A_596 = tpu.memref_slice %arg8[%dma_wait3A_594, %dma_wait3A_595] : memref<819200x128xf32, #tpu.memory_space<hbm>> -> memref<512x64xf32, #tpu.memory_space<hbm>>
    %dma_wait3A_597 = arith.constant 0 : i32
    %dma_wait3A_598 = arith.constant 0 : i32
    %dma_wait3A_599 = tpu.memref_slice %arg8[%dma_wait3A_597, %dma_wait3A_598] : memref<819200x128xf32, #tpu.memory_space<hbm>> -> memref<512x64xf32, #tpu.memory_space<hbm>>
    tpu.wait_dma2 semaphore(%arg26 : memref<!tpu.dma_semaphore, #tpu.memory_space<semaphore_mem>>) src(%arg21 : memref<512x64xf32, #tpu.memory_space<vmem>>) dst(%dma_wait3A_599 : memref<512x64xf32, #tpu.memory_space<hbm>>)
    %dma_wait3A_600 = arith.constant 0 : i32
    %dma_wait3A_601 = arith.constant 64 : i32
    %dma_wait3A_602 = tpu.memref_slice %arg8[%dma_wait3A_600, %dma_wait3A_601] : memref<819200x128xf32, #tpu.memory_space<hbm>> -> memref<512x32xf32, #tpu.memory_space<hbm>>
    %dma_wait3A_603 = arith.constant 0 : i32
    %dma_wait3A_604 = arith.constant 64 : i32
    %dma_wait3A_605 = tpu.memref_slice %arg8[%dma_wait3A_603, %dma_wait3A_604] : memref<819200x128xf32, #tpu.memory_space<hbm>> -> memref<512x32xf32, #tpu.memory_space<hbm>>
    tpu.wait_dma2 semaphore(%arg26 : memref<!tpu.dma_semaphore, #tpu.memory_space<semaphore_mem>>) src(%arg22 : memref<512x32xf32, #tpu.memory_space<vmem>>) dst(%dma_wait3A_605 : memref<512x32xf32, #tpu.memory_space<hbm>>)
    %dma_wait3A_606 = arith.constant 0 : i32
    %dma_wait3A_607 = arith.constant 96 : i32
    %dma_wait3A_608 = tpu.memref_slice %arg8[%dma_wait3A_606, %dma_wait3A_607] : memref<819200x128xf32, #tpu.memory_space<hbm>> -> memref<512x16xf32, #tpu.memory_space<hbm>>
    %dma_wait3A_609 = arith.constant 0 : i32
    %dma_wait3A_610 = arith.constant 96 : i32
    %dma_wait3A_611 = tpu.memref_slice %arg8[%dma_wait3A_609, %dma_wait3A_610] : memref<819200x128xf32, #tpu.memory_space<hbm>> -> memref<512x16xf32, #tpu.memory_space<hbm>>
    tpu.wait_dma2 semaphore(%arg26 : memref<!tpu.dma_semaphore, #tpu.memory_space<semaphore_mem>>) src(%arg23 : memref<512x16xf32, #tpu.memory_space<vmem>>) dst(%dma_wait3A_611 : memref<512x16xf32, #tpu.memory_space<hbm>>)
    return
  }
}

module attributes {stable_mosaic.version = 14 : i64} {
  func.func @_tc_body(%arg0: i32, %arg1: memref<16384x128xf32, #tpu.memory_space<vmem>>, %arg2: memref<128x128xf32, #tpu.memory_space<vmem>>, %arg3: memref<1x128xf32, #tpu.memory_space<vmem>>, %arg4: memref<16384x128xf32, #tpu.memory_space<vmem>>) attributes {dimension_semantics = [#tpu.dimension_semantics<arbitrary>], iteration_bounds = array<i64: 50>, scalar_prefetch = 0 : i64, scratch_operands = 0 : i64, tpu.core_type = #tpu.core_type<tc>, window_params = [{transform_indices = @transform_0, window_bounds = array<i64: 16384, 128>}, {pipeline_mode = #tpu.pipeline_mode<synchronous>, transform_indices = @transform_1, window_bounds = array<i64: 128, 128>}, {pipeline_mode = #tpu.pipeline_mode<synchronous>, transform_indices = @transform_2, window_bounds = array<i64: 1, 128>}, {transform_indices = @transform_3, window_bounds = array<i64: 16384, 128>}]} {
    %get3A = arith.constant 0 : index
    %get3A_0 = arith.constant 0 : index
    %get3A_1 = vector.load %arg1[%get3A, %get3A_0] : memref<16384x128xf32, #tpu.memory_space<vmem>>, vector<16384x128xf32>
    %iota3A = tpu.iota {dimensions = array<i32: 1>} : vector<16384x128xi32>
    %lt3A = arith.constant 112 : i32
    %lt3A_2 = vector.broadcast %lt3A : i32 to vector<16384x128xi32>
    %lt3A_3 = arith.cmpi slt, %iota3A, %lt3A_2 : vector<16384x128xi32>
    %jit3A = arith.constant 0.000000e+00 : f32
    %broadcast_in_dim3A = vector.broadcast %jit3A : f32 to vector<16384x128xf32>
    %select_n3A = arith.select %lt3A_3, %get3A_1, %broadcast_in_dim3A : vector<16384x128xi1>, vector<16384x128xf32>
    %get3A_4 = arith.constant 0 : index
    %get3A_5 = arith.constant 0 : index
    %get3A_6 = vector.load %arg2[%get3A_4, %get3A_5] : memref<128x128xf32, #tpu.memory_space<vmem>>, vector<128x128xf32>
    %dot_general3A = arith.constant dense<0.000000e+00> : vector<16384x128xf32>
    %dot_general3A_7 = tpu.matmul %select_n3A, %get3A_6, %dot_general3A {dimension_numbers = #tpu.dot_dimension_numbers<[1], [0], [0], [1], [0, 0, 1, 1], [], []>, transpose_lhs_hint = false} : vector<16384x128xf32>, vector<128x128xf32>, vector<16384x128xf32> -> vector<16384x128xf32>
    %get3A_8 = arith.constant 0 : index
    %get3A_9 = arith.constant 0 : index
    %get3A_10 = vector.load %arg3[%get3A_8, %get3A_9] : memref<1x128xf32, #tpu.memory_space<vmem>>, vector<1x128xf32>
    %add3A = vector.broadcast %get3A_10 : vector<1x128xf32> to vector<16384x128xf32>
    %add3A_11 = arith.addf %dot_general3A_7, %add3A : vector<16384x128xf32>
    %swap3A = arith.constant 0 : index
    %swap3A_12 = arith.constant 0 : index
    %swap3A_13 = vector.load %arg4[%swap3A, %swap3A_12] : memref<16384x128xf32, #tpu.memory_space<vmem>>, vector<16384x128xf32>
    tpu.vector_store %arg4[%swap3A, %swap3A_12], %add3A_11 {strides = array<i32>} : memref<16384x128xf32, #tpu.memory_space<vmem>>, vector<16384x128xf32>,
    return
  }
  func.func @transform_0(%arg0: i32) -> (i32, i32) {
    %c0_i32 = arith.constant 0 : i32
    %c0_i32_0 = arith.constant 0 : i32
    return %arg0, %c0_i32 : i32, i32
  }
  func.func @transform_1(%arg0: i32) -> (i32, i32) {
    %c0_i32 = arith.constant 0 : i32
    %c0_i32_0 = arith.constant 0 : i32
    %c0_i32_1 = arith.constant 0 : i32
    return %c0_i32, %c0_i32_0 : i32, i32
  }
  func.func @transform_2(%arg0: i32) -> (i32, i32) {
    %c0_i32 = arith.constant 0 : i32
    %c0_i32_0 = arith.constant 0 : i32
    %c0_i32_1 = arith.constant 0 : i32
    return %c0_i32, %c0_i32_0 : i32, i32
  }
  func.func @transform_3(%arg0: i32) -> (i32, i32) {
    %add3A = arith.constant 0 : i32
    %add3A_0 = arith.addi %arg0, %add3A : i32
    %c0_i32 = arith.constant 0 : i32
    %c0_i32_1 = arith.constant 0 : i32
    return %add3A_0, %c0_i32 : i32, i32
  }
}

</mosaic_0001>

<sc_bundles>
// kernel: kernel.4.cloned.1.call-start
scs
__scs_entry_jumppad:
0x0: {  	(pc) =	sbr.rel $0x88, $3  }
0x1: {  	(tag) =	ssettag $0x0;
	lr =	simm.s32 $0x1  }
0x2: {  	[smem:$0x3F95] =	sst lr;
	_ =	strace $0xD0000000  }
0x3: {  	_ = 	snop  }
0x4: {  	_ = 	snop  }
0x5: {  	_ = 	snop  }
0x6: {  	_ = 	snop  }
0x7: {  	_ = 	snop  }
__scs_overlays_trampoline_lowered:
0x8: {  	[smem:$0x3FA4] =	sst s0  }
0x9: {  	[smem:$0x3FA5] =	sst s1  }
0xa: {  	[smem:$0x3FA6] =	sst s2  }
0xb: {  	[smem:$0x3FA7] =	sst s3  }
0xc: {  	[smem:$0x3FA8] =	sst s4  }
0xd: {  	[smem:$0x3FA9] =	sst s5  }
0xe: {  	[smem:$0x3FAA] =	sst s6  }
0xf: {  	[smem:$0x3FAB] =	sst s7  }
0x10: {  	[smem:$0x3FAC] =	sst s8  }
0x11: {  	[smem:$0x3FAD] =	sst s9;
	s0 =	simm.s32 @!p0 $0x0  }
0x12: {  	s1 =	sld [smem:$0x3F93];
	s0 =	simm.s32 @p0 $0x1  }
0x13: {  	[smem:$0x3FAE] =	sst s0;
	s0 =	simm.s32 @!p1 $0x0  }
0x14: {  	s2 =	sld [smem:$0x3F92];
	s0 =	simm.s32 @p1 $0x1  }
0x15: {  	[smem:$0x3FAF] =	sst s0;
	s0 =	simm.s32 @!p2 $0x0  }
0x16: {  	s3 =	sld [smem:$0x3FDB];
	s0 =	simm.s32 @p2 $0x1  }
0x17: {  	s4 =	simm.s32 $0x1BF5;
	[smem:$0x3FB1] =	sst s0  }
0x18: {  	s0 =	sld [smem:$0x3F94];
	_ =	swait.ge [sflag:s4], $0x0  }
0x19: {  	s7 =	sld [smem:$0x3F95]  }
0x1a: {  	s8 =	sadd.s32 $0xFFFFE003, lr  }
0x1b: {  	s9 =	sadd.s32 $0xFFFFFEF7, lr;
	s5 =	simm.s32 $0xFFFFFFFF;
	p2 =	slt.u32 s8, $0xFFFFF086  }
0x1c: {  	p1 =	slt.u32 s9, $0xF7A;
	s5 =	simm.s32 @!p2 $0x0  }
0x1d: {  	s5 =	simm.s32 @p1 $0x1;
	p0 =	seq.s32 s7, s2  }
0x1e: {  	s7 =	smul.u32 @!p0 $0xF7A, s2;
	p2 =	seq.s32 @!p0 s5, $0x0  }
0x1f: {  	s9 =	smul.u32 $0xF7A, s1;
	s8 =	simm.s32 @!p0 $0x1BF5;
	p2 =	por !p2, p0  }
0x20: {  	[sflag:s8] =	ssyncset.s32 @!p0 $0xFFFFF086;
	s6 =	sadd.s32 @!p0 s3, s7;
	s7 =	simm.s32 @!p0 $0x108  }
0x21: {  	s3 =	sadd.s32 s3, s9;
	s6 =	sadd.s32 @!p0 $0x88, s6;
	s7 =	simm.s32 @p2 $0x1082  }
0x22: {  	[simem:s7], [sflag:s8] =	dma.local @!p0 [hbm:s6], $0xF7A  }
0x23: {  	s9 =	sor.u32 $0xD0000000, s2;
	s6 =	simm.s32 $0x108;
	_ =	swait.ge @!p0 [sflag:s8], $0x0  }
0x24: {  	s3 =	sadd.s32 $0x88, s3;
	s6 =	simm.s32 @!p1 $0x1082;
	[sflag:s4] =	ssyncset.s32 $0xFFFFF086  }
0x25: {  	[simem:s6], [sflag:s4] =	dma.local [hbm:s3], $0xF7A  }
0x26: {  	[smem:$0x3F95] =	sst s1;
	(tag) =	ssettag s2;
	_ =	strace s9  }
0x27: {  	s1 =	sld [smem:$0x3FA5]  }
0x28: {  	s2 =	sld [smem:$0x3FA6]  }
0x29: {  	s4 =	sld [smem:$0x3FA8]  }
0x2a: {  	p0 =	seq.s32 s5, $0x0;
	s5 =	sld [smem:$0x3FA9]  }
0x2b: {  	s6 =	sld [smem:$0x3FAA]  }
0x2c: {  	s7 =	sld [smem:$0x3FAB]  }
0x2d: {  	s3 =	simm.s32 $0x108;
	s8 =	sld [smem:$0x3FAC]  }
0x2e: {  	s3 =	simm.s32 @!p0 $0x1082;
	s9 =	sld [smem:$0x3FAD]  }
0x2f: {  	lr =	sadd.s32 s0, s3;
	s0 =	sld [smem:$0x3FA4]  }
0x30: {  	s3 =	sld [smem:$0x3FA7]  }
0x31: {  	[smem:$0x3FB0] =	sst s10  }
0x32: {  	s10 =	sld [smem:$0x3FAE];
	_ =	sdelay $0x3  }
0x33: {  	p0 =	seq.s32 s10, $0x1;
	s10 =	sld [smem:$0x3FB0];
	_ =	sdelay $0x3  }
0x34: {  	[smem:$0x3FB0] =	sst s10  }
0x35: {  	s10 =	sld [smem:$0x3FAF];
	_ =	sdelay $0x3  }
0x36: {  	p1 =	seq.s32 s10, $0x1;
	s10 =	sld [smem:$0x3FB0];
	_ =	sdelay $0x3  }
0x37: {  	[smem:$0x3FB0] =	sst s10  }
0x38: {  	s10 =	sld [smem:$0x3FB1]  }
0x39: {  	_ = 	snop;
	(pc) =	sbr.ind lr, $3  }
0x3a: {  	_ = 	snop  }
0x3b: {  	_ = 	snop  }
0x3c: {  	p2 =	seq.s32 s10, $0x1;
	s10 =	sld [smem:$0x3FB0]  }
0x3d: {  	_ =	shalt  }
0x3e: {  	_ =	shalt  }
0x3f: {  	_ =	shalt  }
0x40: {  	_ =	shalt  }
0x41: {  	_ =	shalt  }
0x42: {  	_ =	shalt  }
0x43: {  	_ =	shalt  }
0x44: {  	_ =	shalt  }
0x45: {  	_ =	shalt  }
0x46: {  	_ =	shalt  }
0x47: {  	_ =	shalt  }
0x48: {  	_ =	shalt  }
0x49: {  	_ =	shalt  }
0x4a: {  	_ =	shalt  }
0x4b: {  	_ =	shalt  }
0x4c: {  	_ =	shalt  }
0x4d: {  	_ =	shalt  }
0x4e: {  	_ =	shalt  }
0x4f: {  	_ =	shalt  }
0x50: {  	_ =	shalt  }
0x51: {  	_ =	shalt  }
0x52: {  	_ =	shalt  }
0x53: {  	_ =	shalt  }
0x54: {  	_ =	shalt  }
0x55: {  	_ =	shalt  }
0x56: {  	_ =	shalt  }
0x57: {  	_ =	shalt  }
0x58: {  	_ =	shalt  }
0x59: {  	_ =	shalt  }
0x5a: {  	_ =	shalt  }
0x5b: {  	_ =	shalt  }
0x5c: {  	_ =	shalt  }
0x5d: {  	_ =	shalt  }
0x5e: {  	_ =	shalt  }
0x5f: {  	_ =	shalt  }
0x60: {  	_ =	shalt  }
0x61: {  	_ =	shalt  }
0x62: {  	_ =	shalt  }
0x63: {  	_ =	shalt  }
0x64: {  	_ =	shalt  }
0x65: {  	_ =	shalt  }
0x66: {  	_ =	shalt  }
0x67: {  	_ =	shalt  }
0x68: {  	_ =	shalt  }
0x69: {  	_ =	shalt  }
0x6a: {  	_ =	shalt  }
0x6b: {  	_ =	shalt  }
0x6c: {  	_ =	shalt  }
0x6d: {  	_ =	shalt  }
0x6e: {  	_ =	shalt  }
0x6f: {  	_ =	shalt  }
0x70: {  	_ =	shalt  }
0x71: {  	_ =	shalt  }
0x72: {  	_ =	shalt  }
0x73: {  	_ =	shalt  }
0x74: {  	_ =	shalt  }
0x75: {  	_ =	shalt  }
0x76: {  	_ =	shalt  }
0x77: {  	_ =	shalt  }
0x78: {  	_ =	shalt  }
0x79: {  	_ =	shalt  }
0x7a: {  	_ =	shalt  }
0x7b: {  	_ =	shalt  }
0x7c: {  	_ =	shalt  }
0x7d: {  	_ =	shalt  }
0x7e: {  	_ =	shalt  }
0x7f: {  	_ =	shalt  }
0x80: {  	_ =	shalt  }
0x81: {  	_ =	shalt  }
0x82: {  	_ =	shalt  }
0x83: {  	_ =	shalt  }
0x84: {  	_ =	shalt  }
0x85: {  	_ =	shalt  }
0x86: {  	_ =	shalt  }
0x87: {  	_ =	shalt  }
.Lfunc_end0:
.L_simem_size_0:
called_computation_lowered:
.L_overlay_start_0:
0x88: {  	s2 =	sld [smem:$0x3FD9]  }
0x89: {  	s3 =	sld [smem:$0x3FFE];
	_ =	sdelay $0x1  }
0x8a: {  	s1 =	srdreg.scid  }
0x8b: {  	s0 =	sand.u32 $0x1, s1  }
0x8c: {  	s16 =	sshll.u32 s0, $0xA;
	s2 =	sadd.s32 s3, s2  }
0x8d: {  	s2 =	sadd.s32 s2, s16  }
0x8e: {  	[smem:$0x3FBC] =	sst s2  }
0x8f: {  	_ = 	snop  }
0x90: {  	(tm) =	ssettm $0x1  }
0x91: {  	s17 =	sld [smem:$0x3FFB];
	_ =	sdelay $0x3  }
0x92: {  	_ =	strace s17  }
0x93: {  	s2 =	sld [smem:$0x3FFC];
	_ =	sdelay $0x3  }
0x94: {  	_ =	strace s2  }
0x95: {  	s2 =	sld [smem:$0x3FFD];
	_ =	sdelay $0x3  }
0x96: {  	_ =	strace s2  }
0x97: {  	_ =	strace $0x8FFFFFFF  }
0x98: {  	s18 =	sld [smem:$0x3FDB];
	_ =	sdelay $0x1  }
0x99: {  	s19 =	simm.s32 $_scs_section_size  }
0x9a: {  	s4 =	simm.s32 $_size__tile_overlayer_lowered;
	s5 =	simm.s32 $_tile_overlayer_lowered  }
0x9b: {  	s22 =	simm.s32 $0x1BFF;
	s21 =	sshll.u32 s5, $0x1;
	s2 =	sadd.s32 s19, s18  }
0x9c: {  	s6 =	simm.s32 $0x0;
	s20 =	sshll.u32 s4, $0x1;
	s4 =	sadd.s32 s21, s2  }
0x9d: {  	[timem:s6], [sflag:s22] =	dma.local [hbm:s4], s20  }
0x9e: {  	_ =	swait.ge [sflag:s22], s20  }
0x9f: {  	s3 =	ssub.s32 $0x0, s20;
	[sflag:s22] =	ssyncset.done $0x0  }
0xa0: {  	[sflag:s22] =	ssyncadd.s32 s3;
	_ =	sdelay $0x1  }
0xa1: {  	s23 =	simm.s32 $0x1B8B  }
0xa2: {  	_ =	swait.ge [sflag:s23], $0x1  }
0xa3: {  	[sflag:s23] =	ssyncset.done $0x0  }
0xa4: {  	s25 =	simm.s32 $0x1B8E;
	s24 =	sld [smem:$0x3FFE];
	[sflag:s23] =	ssyncadd.s32 $0xFFFFFFFF  }
0xa5: {  	s26 =	simm.s32 $execute0_lowered;
	[smem:$0x3FD2] =	sst s25  }
0xa6: {  	s4 =	sshll.u32 s26, $0x1;
	_ =	strace $0x80000046;
	[dreg:$0x1] =	wrdreg $0xFFFFFFFF  }
0xa7: {  	s28 =	simm.s32 $_size_execute0_lowered;
	s2 =	sadd.s32 s2, s4;
	[dreg:$0x0] =	wrdreg $0x0  }
0xa8: {  	s4 =	sshll.u32 s28, $0x1;
	[dreg:$0x2] =	wrdreg s2  }
0xa9: {  	[dreg:$0x3] =	wrdreg s4  }
0xaa: {  	[dreg:$0x4] =	wrdreg $0xC0  }
0xab: {  	_ =	task [dreg:s6], $0x5FFFF  }
0xac: {  	[dreg:$0x1] =	wrdreg $0xFFFFFFFF  }
0xad: {  	[dreg:$0x0] =	wrdreg $0x60  }
0xae: {  	[dreg:$0x2] =	wrdreg s24  }
0xaf: {  	[dreg:$0x3] =	wrdreg $0x9  }
0xb0: {  	_ =	task.clear_ibuf [dreg:s6], $0x4FFFF;
	_ =	strace $0x90000046  }
0xb1: {  	s29 =	simm.s32 $0x9;
	_ =	strace $0x80000048  }
0xb2: {  	_ =	swait.ge [sflag:s29], $0x1  }
0xb3: {  	[sflag:s29] =	ssyncadd.s32 $0xFFFFFFFF  }
0xb4: {  	_ =	strace $0x90000048  }
0xb5: {  	_ =	sfence  }
0xb6: {  	s30 =	sld [smem:$0x0];
	_ =	sdelay $0x2  }
0xb7: {  	s31 =	sshll.u32 s1, $0xD;
	s1 =	sshrl.u32 s1, $0x2  }
0xb8: {  	s3 =	sand.u32 $0x4000, s31;
	s1 =	sadd.s32 s1, s30  }
0xb9: {  	s0 =	sor.u32 s3, s0;
	s1 =	sshll.u32 s1, $0x11  }
0xba: {  	s0 =	sor.u32 s1, s0  }
0xbb: {  	s0 =	sadd.s32 $0x8F2B, s0  }
0xbc: {  	[sflag:s0] =	ssyncadd.remote.s32 $0x1  }
0xbd: {  	_ =	sfence.sel $0xFFFF  }
0xbe: {  	[dreg:$0x0] =	wrdreg $0xFFFFFFFF;
	(pc) =	sbr.abs _section_cstart, $3  }
0xbf: {  	[dreg:$0x1] =	wrdreg $0xFFFFFFFF  }
0xc0: {  	_ =	task.clear_ibuf [dreg:s6], $0x2FFFF;
	_ =	strace $0x9FFFFFFF  }
0xc1: {  	(tm) =	ssettm $0x7FFFFFFF  }
tec
execute0_lowered:
.L_overlay_start_1:
0x0: {  	(tag) =	ssettag $0x1  }
0x1: {  	s0 =	rddreg [dreg:$0x0];
	s2 =	simm.s32 $0x0;
	s1 =	srdreg.scid  }
0x2: {  	s15 =	stileid.u32;
	s29 =	simm.s32 $0x400;
	s28 =	simm.s32 $0x80  }
0x3: {  	s31 =	simm.s32 $0x280;
	[smem:$0x7FF] =	sst s2;
	s30 =	smul.u32 $0x640000, s15  }
0x4: {  	s3 =	sadd.s32 $0x37200, s0;
	s1 =	sand.u32 $0x1, s1;
	s18 =	smul.u32 $0x190, s15  }
0x5: {  	s6 =	sshll.u32 s15, $0x1;
	s4 =	sadd.s32 $0x5200, s0;
	s21 =	smul.u32 $0xC8000, s15  }
0x6: {  	s5 =	sadd.s32 $0x1E200, s0;
	s7 =	sadd.s32 $0x3000, s0;
	s17 =	smul.u32 $0x320000, s1  }
0x7: {  	s8 =	sadd.s32 $0x2C00, s0;
	s9 =	sor.u32 s1, s6;
	s20 =	smul.u32 $0xC8, s1  }
0x8: {  	_ =	strace $0x80000047;
	s6 =	sadd.s32 $0x50200, s0;
	s11 =	smul.u32 $0xC80, s9  }
0x9: {  	s10 =	ssub.s32 $0x2, s1;
	s0 =	sadd.s32 $0x113800, s0;
	s1 =	smul.u32 $0x64000, s1  }
0xa: {  	s12 =	sshrl.u32 s10, $0x1;
	s9 =	smul.u32 $0x320000, s9;
	s23 =	sadd.s32 s3, s11  }
0xb: {  	s10 =	ssub.s32 s10, s12;
	s24 =	sadd.s32 s4, s11;
	[dreg:$0x4] =	wrdreg s23  }
0xc: {  	s25 =	sor.u32 $0x40, s11;
	s11 =	sadd.s32 s5, s11;
	[dreg:$0x5] =	wrdreg s24  }
0xd: {  	s9 =	sshrl.u32 s9, $0x3;
	[dreg:$0x6] =	wrdreg s11;
	s26 =	sadd.s32 s3, s25  }
0xe: {  	s13 =	sadd.s32 s4, s25;
	s12 =	sadd.s32 s5, s25;
	[dreg:$0x7] =	wrdreg s26  }
0xf: {  	s9 =	sadd.s32 s0, s9;
	s11 =	sadd.s32 s17, s30;
	[dreg:$0x8] =	wrdreg s13  }
0x10: {  	s24 =	smax.u32 s10, $0x1;
	s10 =	simm.s32 $0x4;
	[dreg:$0x9] =	wrdreg s12  }
0x11: {  	s17 =	simm.s32 $0x3;
	s14 =	sadd.s32 $0x60000, s9;
	[dreg:$0x10] =	wrdreg s24  }
0x12: {  	s19 =	sadd.s32 $0x60008, s9;
	s16 =	sadd.s32 $0x6000C, s9;
	[dreg:$0xa] =	wrdreg s14  }
0x13: {  	s12 =	sadd.s32 s20, s18;
	s22 =	sadd.s32 $0x62000, s9;
	[dreg:$0xb] =	wrdreg s19  }
0x14: {  	s11 =	sshrl.u32 s11, $0x3;
	s23 =	sadd.s32 $0x62008, s9;
	[dreg:$0xc] =	wrdreg s16  }
0x15: {  	s9 =	sadd.s32 $0x6200C, s9;
	s20 =	simm.s32 $0x9600;
	[dreg:$0xd] =	wrdreg s22  }
0x16: {  	s18 =	simm.s32 $0x6;
	s11 =	sadd.s32 s11, s0;
	[dreg:$0xe] =	wrdreg s23  }
0x17: {  	s0 =	sadd.s32 s21, s0;
	[dreg:$0xf] =	wrdreg s9;
	s25 =	sshll.u32 s12, $0x4  }
0x18: {  	s21 =	simm.s32 $0x480;
	s14 =	simm.s32 $0xE680;
	s22 =	simm.s32 $0x2  }
0x19: {  	s16 =	simm.s32 $0x5;
	[dreg:$0x2] =	wrdreg s11;
	s26 =	sadd.s32 $0xC0, s25  }
0x1a: {  	s0 =	sadd.s32 s1, s0;
	s30 =	sadd.s32 $0x80, s25;
	[dreg:$0x11] =	wrdreg s26  }
0x1b: {  	s25 =	simm.s32 $0x200;
	s1 =	simm.s32 $0x2600;
	[dreg:$0x12] =	wrdreg s30  }
0x1c: {  	[dreg:$0x3] =	wrdreg s0;
	s26 =	simm.s32 $0x1;
	s0 =	simm.s32 $0x0  }
.LBB2_1:
0x1d: {  	[dreg:$0x13] =	wrdreg s0  }
0x1e: {  	s19 =	rddreg [dreg:$0x4]  }
0x1f: {  	[tilespmem:s2], [sflag:$0x1] =	stream.linear.gather [hbm4b:s19+s2], $0x200, $0x38;
	[tilespmem:$0x1CC00] =	vst v63  }
0x20: {  	s12 =	rddreg [dreg:$0x5]  }
0x21: {  	[tilespmem:s25], [sflag:$0x1] =	stream.linear.gather [hbm4b:s12+s2], $0x200, $0x38;
	[tilespmem:$0x1CC00] =	vst v63  }
0x22: {  	s13 =	rddreg [dreg:$0x6]  }
0x23: {  	[tilespmem:s29], [sflag:$0x1] =	stream.linear.gather [hbm4b:s13+s2], $0x200, $0x38;
	[tilespmem:$0x1CC00] =	vst v63  }
0x24: {  	_ =	swait.ge [sflag:s26], $0x200  }
0x25: {  	[sflag:s26] =	ssyncset.done $0x0  }
0x26: {  	[sflag:s26] =	ssyncadd.s32 $0xFFFFFE00  }
0x27: {  	_ =	swait.ge [sflag:s26], $0x200  }
0x28: {  	[sflag:s26] =	ssyncset.done $0x0  }
0x29: {  	[sflag:s26] =	ssyncadd.s32 $0xFFFFFE00  }
0x2a: {  	_ =	swait.ge [sflag:s26], $0x200  }
0x2b: {  	[sflag:s26] =	ssyncset.done $0x0  }
0x2c: {  	s15 =	simm.s32 $0x600;
	[sflag:s26] =	ssyncadd.s32 $0xFFFFFE00  }
0x2d: {  	[tilespmem:s15], [sflag:$0x2] =	stream.indirect.gather [hbm4b:s6+s28], $0x40, s2, s28, $0xb8;
	[tilespmem:$0x1CC00] =	vst v63  }
0x2e: {  	s30 =	simm.s32 $0x8600  }
0x2f: {  	[tilespmem:s30], [sflag:$0x2] =	stream.indirect.gather [hbm4b:s7+s28], $0x20, s25, s28, $0xb8;
	[tilespmem:$0x1CC00] =	vst v63  }
0x30: {  	s19 =	simm.s32 $0xC600  }
0x31: {  	[tilespmem:s19], [sflag:$0x2] =	stream.indirect.gather [hbm4b:s8+s28], $0x10, s29, s28, $0xb8;
	[tilespmem:$0x1CC00] =	vst v63  }
0x32: {  	_ = 	snop  }
0x33: {  	[tilespmem:s1], [sflag:$0x2] =	stream.indirect.gather [hbm4b:s6+s28], $0x40, s28, s28, $0xb8;
	[tilespmem:$0x1CC00] =	vst v63  }
0x34: {  	_ = 	snop  }
0x35: {  	[tilespmem:s20], [sflag:$0x2] =	stream.indirect.gather [hbm4b:s7+s28], $0x20, s31, s28, $0xb8;
	[tilespmem:$0x1CC00] =	vst v63  }
0x36: {  	s20 =	simm.s32 $0xCE00  }
0x37: {  	[tilespmem:s20], [sflag:$0x2] =	stream.indirect.gather [hbm4b:s8+s28], $0x10, s21, s28, $0xb8;
	[tilespmem:$0x1CC00] =	vst v63  }
0x38: {  	s24 =	simm.s32 $0x100;
	s9 =	simm.s32 $0x4600  }
0x39: {  	[tilespmem:s9], [sflag:$0x2] =	stream.indirect.gather [hbm4b:s6+s28], $0x40, s24, s28, $0xb8;
	[tilespmem:$0x1CC00] =	vst v63  }
0x3a: {  	s11 =	simm.s32 $0xA600;
	s9 =	simm.s32 $0x300  }
0x3b: {  	[tilespmem:s11], [sflag:$0x2] =	stream.indirect.gather [hbm4b:s7+s28], $0x20, s9, s28, $0xb8;
	[tilespmem:$0x1CC00] =	vst v63  }
0x3c: {  	s12 =	simm.s32 $0x500;
	s15 =	simm.s32 $0xD600  }
0x3d: {  	[tilespmem:s15], [sflag:$0x2] =	stream.indirect.gather [hbm4b:s8+s28], $0x10, s12, s28, $0xb8;
	[tilespmem:$0x1CC00] =	vst v63  }
0x3e: {  	s19 =	simm.s32 $0x180;
	s20 =	simm.s32 $0x6600  }
0x3f: {  	[tilespmem:s20], [sflag:$0x2] =	stream.indirect.gather [hbm4b:s6+s28], $0x40, s19, s28, $0xb8;
	[tilespmem:$0x1CC00] =	vst v63  }
0x40: {  	s21 =	simm.s32 $0x380;
	s24 =	simm.s32 $0xB600  }
0x41: {  	[tilespmem:s24], [sflag:$0x2] =	stream.indirect.gather [hbm4b:s7+s28], $0x20, s21, s28, $0xb8;
	[tilespmem:$0x1CC00] =	vst v63  }
0x42: {  	s9 =	simm.s32 $0x580;
	s11 =	simm.s32 $0xDE00  }
0x43: {  	[tilespmem:s11], [sflag:$0x2] =	stream.indirect.gather [hbm4b:s8+s28], $0x10, s9, s28, $0xb8;
	[tilespmem:$0x1CC00] =	vst v63  }
0x44: {  	s12 =	rddreg [dreg:$0x7];
	s24 =	simm.s32 $0xE600  }
0x45: {  	[tilespmem:s24], [sflag:$0x4] =	stream.linear.gather [hbm4b:s12+s2], $0x200, $0x38;
	[tilespmem:$0x1CC00] =	vst v63  }
0x46: {  	s15 =	rddreg [dreg:$0x8];
	s11 =	simm.s32 $0xE800  }
0x47: {  	[tilespmem:s11], [sflag:$0x4] =	stream.linear.gather [hbm4b:s15+s2], $0x200, $0x38;
	[tilespmem:$0x1CC00] =	vst v63  }
0x48: {  	s20 =	rddreg [dreg:$0x9];
	s12 =	simm.s32 $0xEA00  }
0x49: {  	[tilespmem:s12], [sflag:$0x4] =	stream.linear.gather [hbm4b:s20+s2], $0x200, $0x38;
	[tilespmem:$0x1CC00] =	vst v63  }
0x4a: {  	_ =	swait.ge [sflag:s10], $0x200  }
0x4b: {  	[sflag:s10] =	ssyncset.done $0x0  }
0x4c: {  	[sflag:s10] =	ssyncadd.s32 $0xFFFFFE00  }
0x4d: {  	_ =	swait.ge [sflag:s10], $0x200  }
0x4e: {  	[sflag:s10] =	ssyncset.done $0x0  }
0x4f: {  	[sflag:s10] =	ssyncadd.s32 $0xFFFFFE00  }
0x50: {  	_ =	swait.ge [sflag:s10], $0x200  }
0x51: {  	[sflag:s10] =	ssyncset.done $0x0  }
0x52: {  	s21 =	simm.s32 $0xEC00;
	[sflag:s10] =	ssyncadd.s32 $0xFFFFFE00  }
0x53: {  	[tilespmem:s21], [sflag:$0x5] =	stream.indirect.gather [hbm4b:s6+s28], $0x40, s24, s28, $0xb8;
	[tilespmem:$0x1CC00] =	vst v63  }
0x54: {  	s9 =	simm.s32 $0x16C00  }
0x55: {  	[tilespmem:s9], [sflag:$0x5] =	stream.indirect.gather [hbm4b:s7+s28], $0x20, s11, s28, $0xb8;
	[tilespmem:$0x1CC00] =	vst v63  }
0x56: {  	s15 =	simm.s32 $0x1AC00  }
0x57: {  	[tilespmem:s15], [sflag:$0x5] =	stream.indirect.gather [hbm4b:s8+s28], $0x10, s12, s28, $0xb8;
	[tilespmem:$0x1CC00] =	vst v63  }
0x58: {  	s19 =	simm.s32 $0x10C00  }
0x59: {  	[tilespmem:s19], [sflag:$0x5] =	stream.indirect.gather [hbm4b:s6+s28], $0x40, s14, s28, $0xb8;
	[tilespmem:$0x1CC00] =	vst v63  }
0x5a: {  	s20 =	simm.s32 $0xE880;
	s15 =	simm.s32 $0x17C00  }
0x5b: {  	[tilespmem:s15], [sflag:$0x5] =	stream.indirect.gather [hbm4b:s7+s28], $0x20, s20, s28, $0xb8;
	[tilespmem:$0x1CC00] =	vst v63  }
0x5c: {  	s21 =	simm.s32 $0xEA80;
	s9 =	simm.s32 $0x1B400  }
0x5d: {  	[tilespmem:s9], [sflag:$0x5] =	stream.indirect.gather [hbm4b:s8+s28], $0x10, s21, s28, $0xb8;
	[tilespmem:$0x1CC00] =	vst v63  }
0x5e: {  	s19 =	simm.s32 $0xE700;
	s20 =	simm.s32 $0x12C00  }
0x5f: {  	[tilespmem:s20], [sflag:$0x5] =	stream.indirect.gather [hbm4b:s6+s28], $0x40, s19, s28, $0xb8;
	[tilespmem:$0x1CC00] =	vst v63  }
0x60: {  	s21 =	simm.s32 $0xE900;
	s9 =	simm.s32 $0x18C00  }
0x61: {  	[tilespmem:s9], [sflag:$0x5] =	stream.indirect.gather [hbm4b:s7+s28], $0x20, s21, s28, $0xb8;
	[tilespmem:$0x1CC00] =	vst v63  }
0x62: {  	s19 =	simm.s32 $0xEB00;
	s20 =	simm.s32 $0x1BC00  }
0x63: {  	[tilespmem:s20], [sflag:$0x5] =	stream.indirect.gather [hbm4b:s8+s28], $0x10, s19, s28, $0xb8;
	[tilespmem:$0x1CC00] =	vst v63  }
0x64: {  	s21 =	simm.s32 $0xE780;
	s9 =	simm.s32 $0x14C00  }
0x65: {  	[tilespmem:s9], [sflag:$0x5] =	stream.indirect.gather [hbm4b:s6+s28], $0x40, s21, s28, $0xb8;
	[tilespmem:$0x1CC00] =	vst v63  }
0x66: {  	s19 =	simm.s32 $0xE980;
	s20 =	simm.s32 $0x19C00  }
0x67: {  	[tilespmem:s20], [sflag:$0x5] =	stream.indirect.gather [hbm4b:s7+s28], $0x20, s19, s28, $0xb8;
	[tilespmem:$0x1CC00] =	vst v63  }
0x68: {  	s0 =	simm.s32 $0x1C400;
	s21 =	simm.s32 $0xEB80  }
0x69: {  	[tilespmem:s0], [sflag:$0x5] =	stream.indirect.gather [hbm4b:s8+s28], $0x10, s21, s28, $0xb8;
	[tilespmem:$0x1CC00] =	vst v63  }
0x6a: {  	_ =	swait.ge [sflag:s22], $0x2000  }
0x6b: {  	[sflag:s22] =	ssyncset.done $0x0  }
0x6c: {  	[sflag:s22] =	ssyncadd.s32 $0xFFFFE000  }
0x6d: {  	_ =	swait.ge [sflag:s22], $0x1000  }
0x6e: {  	[sflag:s22] =	ssyncset.done $0x0  }
0x6f: {  	[sflag:s22] =	ssyncadd.s32 $0xFFFFF000  }
0x70: {  	_ =	swait.ge [sflag:s22], $0x800  }
0x71: {  	[sflag:s22] =	ssyncset.done $0x0  }
0x72: {  	[sflag:s22] =	ssyncadd.s32 $0xFFFFF800  }
0x73: {  	_ =	swait.ge [sflag:s22], $0x2000  }
0x74: {  	[sflag:s22] =	ssyncset.done $0x0  }
0x75: {  	[sflag:s22] =	ssyncadd.s32 $0xFFFFE000  }
0x76: {  	_ =	swait.ge [sflag:s22], $0x1000  }
0x77: {  	[sflag:s22] =	ssyncset.done $0x0  }
0x78: {  	[sflag:s22] =	ssyncadd.s32 $0xFFFFF000  }
0x79: {  	_ =	swait.ge [sflag:s22], $0x800  }
0x7a: {  	[sflag:s22] =	ssyncset.done $0x0  }
0x7b: {  	[sflag:s22] =	ssyncadd.s32 $0xFFFFF800  }
0x7c: {  	_ =	swait.ge [sflag:s22], $0x2000  }
0x7d: {  	[sflag:s22] =	ssyncset.done $0x0  }
0x7e: {  	[sflag:s22] =	ssyncadd.s32 $0xFFFFE000  }
0x7f: {  	_ =	swait.ge [sflag:s22], $0x1000  }
0x80: {  	[sflag:s22] =	ssyncset.done $0x0  }
0x81: {  	[sflag:s22] =	ssyncadd.s32 $0xFFFFF000  }
0x82: {  	_ =	swait.ge [sflag:s22], $0x800  }
0x83: {  	[sflag:s22] =	ssyncset.done $0x0  }
0x84: {  	[sflag:s22] =	ssyncadd.s32 $0xFFFFF800  }
0x85: {  	_ =	swait.ge [sflag:s22], $0x2000  }
0x86: {  	[sflag:s22] =	ssyncset.done $0x0  }
0x87: {  	[sflag:s22] =	ssyncadd.s32 $0xFFFFE000  }
0x88: {  	_ =	swait.ge [sflag:s22], $0x1000  }
0x89: {  	[sflag:s22] =	ssyncset.done $0x0  }
0x8a: {  	[sflag:s22] =	ssyncadd.s32 $0xFFFFF000  }
0x8b: {  	_ =	swait.ge [sflag:s22], $0x800  }
0x8c: {  	s13 =	simm.s32 $0x600;
	s9 =	rddreg [dreg:$0x2];
	[sflag:s22] =	ssyncset.done $0x0  }
0x8d: {  	s21 =	simm.s32 $0x40;
	[sflag:s22] =	ssyncadd.s32 $0xFFFFF800;
	s19 =	sadd.s32 $0x0, s9  }
0x8e: {  	[hbm4b:s19+s21] =	stream.strided.scatter [tilespmem:s13], [sflag:$0x3], $0x8000, s28, s21, $0x38;
	[tilespmem:$0x1CC00] =	vst v63  }
0x8f: {  	s0 =	simm.s32 $0x20;
	s15 =	sadd.s32 $0x8, s19  }
0x90: {  	[hbm4b:s15+s0] =	stream.strided.scatter [tilespmem:s30], [sflag:$0x3], $0x4000, s28, s0, $0x38;
	[tilespmem:$0x1CC00] =	vst v63  }
0x91: {  	s23 =	simm.s32 $0xC600;
	s19 =	sadd.s32 $0xC, s19;
	s15 =	simm.s32 $0x10  }
0x92: {  	[hbm4b:s19+s15] =	stream.strided.scatter [tilespmem:s23], [sflag:$0x3], $0x2000, s28, s15, $0x38;
	[tilespmem:$0x1CC00] =	vst v63  }
0x93: {  	_ =	swait.ge [sflag:s16], $0x2000  }
0x94: {  	[sflag:s16] =	ssyncset.done $0x0  }
0x95: {  	[sflag:s16] =	ssyncadd.s32 $0xFFFFE000  }
0x96: {  	_ =	swait.ge [sflag:s16], $0x1000  }
0x97: {  	[sflag:s16] =	ssyncset.done $0x0  }
0x98: {  	[sflag:s16] =	ssyncadd.s32 $0xFFFFF000  }
0x99: {  	_ =	swait.ge [sflag:s16], $0x800  }
0x9a: {  	[sflag:s16] =	ssyncset.done $0x0  }
0x9b: {  	[sflag:s16] =	ssyncadd.s32 $0xFFFFF800  }
0x9c: {  	_ =	swait.ge [sflag:s16], $0x2000  }
0x9d: {  	[sflag:s16] =	ssyncset.done $0x0  }
0x9e: {  	[sflag:s16] =	ssyncadd.s32 $0xFFFFE000  }
0x9f: {  	_ =	swait.ge [sflag:s16], $0x1000  }
0xa0: {  	[sflag:s16] =	ssyncset.done $0x0  }
0xa1: {  	[sflag:s16] =	ssyncadd.s32 $0xFFFFF000  }
0xa2: {  	_ =	swait.ge [sflag:s16], $0x800  }
0xa3: {  	[sflag:s16] =	ssyncset.done $0x0  }
0xa4: {  	[sflag:s16] =	ssyncadd.s32 $0xFFFFF800  }
0xa5: {  	_ =	swait.ge [sflag:s16], $0x2000  }
0xa6: {  	[sflag:s16] =	ssyncset.done $0x0  }
0xa7: {  	[sflag:s16] =	ssyncadd.s32 $0xFFFFE000  }
0xa8: {  	_ =	swait.ge [sflag:s16], $0x1000  }
0xa9: {  	[sflag:s16] =	ssyncset.done $0x0  }
0xaa: {  	[sflag:s16] =	ssyncadd.s32 $0xFFFFF000  }
0xab: {  	_ =	swait.ge [sflag:s16], $0x800  }
0xac: {  	[sflag:s16] =	ssyncset.done $0x0  }
0xad: {  	[sflag:s16] =	ssyncadd.s32 $0xFFFFF800  }
0xae: {  	_ =	swait.ge [sflag:s16], $0x2000  }
0xaf: {  	[sflag:s16] =	ssyncset.done $0x0  }
0xb0: {  	[sflag:s16] =	ssyncadd.s32 $0xFFFFE000  }
0xb1: {  	_ =	swait.ge [sflag:s16], $0x1000  }
0xb2: {  	[sflag:s16] =	ssyncset.done $0x0  }
0xb3: {  	[sflag:s16] =	ssyncadd.s32 $0xFFFFF000  }
0xb4: {  	_ =	swait.ge [sflag:s16], $0x800  }
0xb5: {  	s23 =	rddreg [dreg:$0x3]  }
0xb6: {  	[sflag:s16] =	ssyncset.done $0x0;
	s19 =	sadd.s32 $0x0, s23  }
0xb7: {  	s13 =	simm.s32 $0xEC00;
	[sflag:s16] =	ssyncadd.s32 $0xFFFFF800;
	s9 =	sadd.s32 $0x2000, s19  }
0xb8: {  	[hbm4b:s9+s21] =	stream.strided.scatter [tilespmem:s13], [sflag:$0x6], $0x8000, s28, s21, $0x38;
	[tilespmem:$0x1CC00] =	vst v63  }
0xb9: {  	s9 =	sadd.s32 $0x2008, s19;
	s13 =	simm.s32 $0x16C00  }
0xba: {  	[hbm4b:s9+s0] =	stream.strided.scatter [tilespmem:s13], [sflag:$0x6], $0x4000, s28, s0, $0x38;
	[tilespmem:$0x1CC00] =	vst v63  }
0xbb: {  	s19 =	sadd.s32 $0x200C, s19;
	s9 =	simm.s32 $0x1AC00  }
0xbc: {  	[hbm4b:s19+s15] =	stream.strided.scatter [tilespmem:s9], [sflag:$0x6], $0x2000, s28, s15, $0x38;
	[tilespmem:$0x1CC00] =	vst v63  }
0xbd: {  	_ =	swait.ge [sflag:s17], $0x8000  }
0xbe: {  	[sflag:s17] =	ssyncset.done $0x0  }
0xbf: {  	[sflag:s17] =	ssyncadd.s32 $0xFFFF8000  }
0xc0: {  	_ =	swait.ge [sflag:s17], $0x4000  }
0xc1: {  	[sflag:s17] =	ssyncset.done $0x0  }
0xc2: {  	[sflag:s17] =	ssyncadd.s32 $0xFFFFC000  }
0xc3: {  	_ =	swait.ge [sflag:s17], $0x2000  }
0xc4: {  	[sflag:s17] =	ssyncset.done $0x0;
	s21 =	rddreg [dreg:$0x12]  }
0xc5: {  	[sflag:s17] =	ssyncadd.s32 $0xFFFFE000;
	s15 =	sadd.s32 s21, s3  }
0xc6: {  	[tilespmem:s2], [sflag:$0x1] =	stream.linear.gather [hbm4b:s15+s2], $0x200, $0x38;
	[tilespmem:$0x1CC00] =	vst v63  }
0xc7: {  	s20 =	sadd.s32 s21, s4  }
0xc8: {  	[tilespmem:s25], [sflag:$0x1] =	stream.linear.gather [hbm4b:s20+s2], $0x200, $0x38;
	[tilespmem:$0x1CC00] =	vst v63  }
0xc9: {  	s15 =	sadd.s32 s21, s5  }
0xca: {  	[tilespmem:s29], [sflag:$0x1] =	stream.linear.gather [hbm4b:s15+s2], $0x200, $0x38;
	[tilespmem:$0x1CC00] =	vst v63  }
0xcb: {  	_ =	swait.ge [sflag:s26], $0x200  }
0xcc: {  	[sflag:s26] =	ssyncset.done $0x0  }
0xcd: {  	[sflag:s26] =	ssyncadd.s32 $0xFFFFFE00  }
0xce: {  	_ =	swait.ge [sflag:s26], $0x200  }
0xcf: {  	[sflag:s26] =	ssyncset.done $0x0  }
0xd0: {  	[sflag:s26] =	ssyncadd.s32 $0xFFFFFE00  }
0xd1: {  	_ =	swait.ge [sflag:s26], $0x200  }
0xd2: {  	[sflag:s26] =	ssyncset.done $0x0  }
0xd3: {  	s20 =	simm.s32 $0x600;
	[sflag:s26] =	ssyncadd.s32 $0xFFFFFE00  }
0xd4: {  	[tilespmem:s20], [sflag:$0x2] =	stream.indirect.gather [hbm4b:s6+s28], $0x40, s2, s28, $0xb8;
	[tilespmem:$0x1CC00] =	vst v63  }
0xd5: {  	_ = 	snop  }
0xd6: {  	[tilespmem:s30], [sflag:$0x2] =	stream.indirect.gather [hbm4b:s7+s28], $0x20, s25, s28, $0xb8;
	[tilespmem:$0x1CC00] =	vst v63  }
0xd7: {  	s30 =	simm.s32 $0xC600  }
0xd8: {  	[tilespmem:s30], [sflag:$0x2] =	stream.indirect.gather [hbm4b:s8+s28], $0x10, s29, s28, $0xb8;
	[tilespmem:$0x1CC00] =	vst v63  }
0xd9: {  	_ = 	snop  }
0xda: {  	[tilespmem:s1], [sflag:$0x2] =	stream.indirect.gather [hbm4b:s6+s28], $0x40, s28, s28, $0xb8;
	[tilespmem:$0x1CC00] =	vst v63  }
0xdb: {  	s19 =	simm.s32 $0x9600  }
0xdc: {  	[tilespmem:s19], [sflag:$0x2] =	stream.indirect.gather [hbm4b:s7+s28], $0x20, s31, s28, $0xb8;
	[tilespmem:$0x1CC00] =	vst v63  }
0xdd: {  	s0 =	simm.s32 $0x480;
	s20 =	simm.s32 $0xCE00  }
0xde: {  	[tilespmem:s20], [sflag:$0x2] =	stream.indirect.gather [hbm4b:s8+s28], $0x10, s0, s28, $0xb8;
	[tilespmem:$0x1CC00] =	vst v63  }
0xdf: {  	s25 =	simm.s32 $0x100;
	s29 =	simm.s32 $0x4600  }
0xe0: {  	[tilespmem:s29], [sflag:$0x2] =	stream.indirect.gather [hbm4b:s6+s28], $0x40, s25, s28, $0xb8;
	[tilespmem:$0x1CC00] =	vst v63  }
0xe1: {  	s30 =	simm.s32 $0x300;
	s31 =	simm.s32 $0xA600  }
0xe2: {  	[tilespmem:s31], [sflag:$0x2] =	stream.indirect.gather [hbm4b:s7+s28], $0x20, s30, s28, $0xb8;
	[tilespmem:$0x1CC00] =	vst v63  }
0xe3: {  	s15 =	simm.s32 $0xD600;
	s1 =	simm.s32 $0x500  }
0xe4: {  	[tilespmem:s15], [sflag:$0x2] =	stream.indirect.gather [hbm4b:s8+s28], $0x10, s1, s28, $0xb8;
	[tilespmem:$0x1CC00] =	vst v63  }
0xe5: {  	s19 =	simm.s32 $0x180;
	s20 =	simm.s32 $0x6600  }
0xe6: {  	[tilespmem:s20], [sflag:$0x2] =	stream.indirect.gather [hbm4b:s6+s28], $0x40, s19, s28, $0xb8;
	[tilespmem:$0x1CC00] =	vst v63  }
0xe7: {  	s25 =	simm.s32 $0x380;
	s29 =	simm.s32 $0xB600  }
0xe8: {  	[tilespmem:s29], [sflag:$0x2] =	stream.indirect.gather [hbm4b:s7+s28], $0x20, s25, s28, $0xb8;
	[tilespmem:$0x1CC00] =	vst v63  }
0xe9: {  	s30 =	simm.s32 $0x580;
	s31 =	simm.s32 $0xDE00  }
0xea: {  	[tilespmem:s31], [sflag:$0x2] =	stream.indirect.gather [hbm4b:s8+s28], $0x10, s30, s28, $0xb8;
	[tilespmem:$0x1CC00] =	vst v63  }
0xeb: {  	_ =	swait.ge [sflag:s18], $0x8000  }
0xec: {  	[sflag:s18] =	ssyncset.done $0x0  }
0xed: {  	[sflag:s18] =	ssyncadd.s32 $0xFFFF8000  }
0xee: {  	_ =	swait.ge [sflag:s18], $0x4000  }
0xef: {  	[sflag:s18] =	ssyncset.done $0x0  }
0xf0: {  	[sflag:s18] =	ssyncadd.s32 $0xFFFFC000  }
0xf1: {  	_ =	swait.ge [sflag:s18], $0x2000  }
0xf2: {  	[sflag:s18] =	ssyncset.done $0x0;
	s20 =	rddreg [dreg:$0x11]  }
0xf3: {  	[sflag:s18] =	ssyncadd.s32 $0xFFFFE000;
	s1 =	sadd.s32 s20, s3  }
0xf4: {  	[tilespmem:s24], [sflag:$0x4] =	stream.linear.gather [hbm4b:s1+s2], $0x200, $0x38;
	[tilespmem:$0x1CC00] =	vst v63  }
0xf5: {  	s15 =	sadd.s32 s20, s4  }
0xf6: {  	[tilespmem:s11], [sflag:$0x4] =	stream.linear.gather [hbm4b:s15+s2], $0x200, $0x38;
	[tilespmem:$0x1CC00] =	vst v63  }
0xf7: {  	s25 =	sadd.s32 s20, s5  }
0xf8: {  	[tilespmem:s12], [sflag:$0x4] =	stream.linear.gather [hbm4b:s25+s2], $0x200, $0x38;
	[tilespmem:$0x1CC00] =	vst v63  }
0xf9: {  	_ =	swait.ge [sflag:s10], $0x200  }
0xfa: {  	[sflag:s10] =	ssyncset.done $0x0  }
0xfb: {  	[sflag:s10] =	ssyncadd.s32 $0xFFFFFE00  }
0xfc: {  	_ =	swait.ge [sflag:s10], $0x200  }
0xfd: {  	[sflag:s10] =	ssyncset.done $0x0  }
0xfe: {  	[sflag:s10] =	ssyncadd.s32 $0xFFFFFE00  }
0xff: {  	_ =	swait.ge [sflag:s10], $0x200  }
0x100: {  	[sflag:s10] =	ssyncset.done $0x0  }
0x101: {  	s23 =	simm.s32 $0xEC00;
	[sflag:s10] =	ssyncadd.s32 $0xFFFFFE00  }
0x102: {  	[tilespmem:s23], [sflag:$0x5] =	stream.indirect.gather [hbm4b:s6+s28], $0x40, s24, s28, $0xb8;
	[tilespmem:$0x1CC00] =	vst v63  }
0x103: {  	_ = 	snop  }
0x104: {  	[tilespmem:s13], [sflag:$0x5] =	stream.indirect.gather [hbm4b:s7+s28], $0x20, s11, s28, $0xb8;
	[tilespmem:$0x1CC00] =	vst v63  }
0x105: {  	_ = 	snop  }
0x106: {  	[tilespmem:s9], [sflag:$0x5] =	stream.indirect.gather [hbm4b:s8+s28], $0x10, s12, s28, $0xb8;
	[tilespmem:$0x1CC00] =	vst v63  }
0x107: {  	s29 =	simm.s32 $0x10C00  }
0x108: {  	[tilespmem:s29], [sflag:$0x5] =	stream.indirect.gather [hbm4b:s6+s28], $0x40, s14, s28, $0xb8;
	[tilespmem:$0x1CC00] =	vst v63  }
0x109: {  	s30 =	simm.s32 $0xE880;
	s31 =	simm.s32 $0x17C00  }
0x10a: {  	[tilespmem:s31], [sflag:$0x5] =	stream.indirect.gather [hbm4b:s7+s28], $0x20, s30, s28, $0xb8;
	[tilespmem:$0x1CC00] =	vst v63  }
0x10b: {  	s1 =	simm.s32 $0xEA80;
	s9 =	simm.s32 $0x1B400  }
0x10c: {  	[tilespmem:s9], [sflag:$0x5] =	stream.indirect.gather [hbm4b:s8+s28], $0x10, s1, s28, $0xb8;
	[tilespmem:$0x1CC00] =	vst v63  }
0x10d: {  	s13 =	simm.s32 $0xE700;
	s14 =	simm.s32 $0x12C00  }
0x10e: {  	[tilespmem:s14], [sflag:$0x5] =	stream.indirect.gather [hbm4b:s6+s28], $0x40, s13, s28, $0xb8;
	[tilespmem:$0x1CC00] =	vst v63  }
0x10f: {  	s19 =	simm.s32 $0x18C00;
	s15 =	simm.s32 $0xE900  }
0x110: {  	[tilespmem:s19], [sflag:$0x5] =	stream.indirect.gather [hbm4b:s7+s28], $0x20, s15, s28, $0xb8;
	[tilespmem:$0x1CC00] =	vst v63  }
0x111: {  	s21 =	sadd.s32 $0x80, s21;
	s23 =	simm.s32 $0xEB00;
	s24 =	simm.s32 $0x1BC00  }
0x112: {  	[tilespmem:s24], [sflag:$0x5] =	stream.indirect.gather [hbm4b:s8+s28], $0x10, s23, s28, $0xb8;
	[tilespmem:$0x1CC00] =	vst v63  }
0x113: {  	s20 =	sadd.s32 $0x80, s20;
	s25 =	simm.s32 $0xE780;
	s29 =	simm.s32 $0x14C00  }
0x114: {  	[tilespmem:s29], [sflag:$0x5] =	stream.indirect.gather [hbm4b:s6+s28], $0x40, s25, s28, $0xb8;
	[tilespmem:$0x1CC00] =	vst v63  }
0x115: {  	s30 =	simm.s32 $0xE980;
	s31 =	simm.s32 $0x19C00;
	s19 =	simm.s32 $0x4000  }
0x116: {  	[tilespmem:s31], [sflag:$0x5] =	stream.indirect.gather [hbm4b:s7+s28], $0x20, s30, s28, $0xb8;
	[tilespmem:$0x1CC00] =	vst v63  }
.LBB2_2:
0x117: {  	s0 =	simm.s32 $0xEB80;
	s1 =	simm.s32 $0x1C400  }
0x118: {  	[tilespmem:s1], [sflag:$0x5] =	stream.indirect.gather [hbm4b:s8+s28], $0x10, s0, s28, $0xb8;
	[tilespmem:$0x1CC00] =	vst v63  }
0x119: {  	_ =	swait.ge [sflag:s22], $0x2000  }
0x11a: {  	[sflag:s22] =	ssyncset.done $0x0  }
0x11b: {  	[sflag:s22] =	ssyncadd.s32 $0xFFFFE000  }
0x11c: {  	_ =	swait.ge [sflag:s22], $0x1000  }
0x11d: {  	[sflag:s22] =	ssyncset.done $0x0  }
0x11e: {  	[sflag:s22] =	ssyncadd.s32 $0xFFFFF000  }
0x11f: {  	_ =	swait.ge [sflag:s22], $0x800  }
0x120: {  	[sflag:s22] =	ssyncset.done $0x0  }
0x121: {  	[sflag:s22] =	ssyncadd.s32 $0xFFFFF800  }
0x122: {  	_ =	swait.ge [sflag:s22], $0x2000  }
0x123: {  	[sflag:s22] =	ssyncset.done $0x0  }
0x124: {  	[sflag:s22] =	ssyncadd.s32 $0xFFFFE000  }
0x125: {  	_ =	swait.ge [sflag:s22], $0x1000  }
0x126: {  	[sflag:s22] =	ssyncset.done $0x0  }
0x127: {  	[sflag:s22] =	ssyncadd.s32 $0xFFFFF000  }
0x128: {  	_ =	swait.ge [sflag:s22], $0x800  }
0x129: {  	[sflag:s22] =	ssyncset.done $0x0  }
0x12a: {  	[sflag:s22] =	ssyncadd.s32 $0xFFFFF800  }
0x12b: {  	_ =	swait.ge [sflag:s22], $0x2000  }
0x12c: {  	[sflag:s22] =	ssyncset.done $0x0  }
0x12d: {  	[sflag:s22] =	ssyncadd.s32 $0xFFFFE000  }
0x12e: {  	_ =	swait.ge [sflag:s22], $0x1000  }
0x12f: {  	[sflag:s22] =	ssyncset.done $0x0  }
0x130: {  	[sflag:s22] =	ssyncadd.s32 $0xFFFFF000  }
0x131: {  	_ =	swait.ge [sflag:s22], $0x800  }
0x132: {  	[sflag:s22] =	ssyncset.done $0x0  }
0x133: {  	[sflag:s22] =	ssyncadd.s32 $0xFFFFF800  }
0x134: {  	_ =	swait.ge [sflag:s22], $0x2000  }
0x135: {  	[sflag:s22] =	ssyncset.done $0x0  }
0x136: {  	[sflag:s22] =	ssyncadd.s32 $0xFFFFE000  }
0x137: {  	_ =	swait.ge [sflag:s22], $0x1000  }
0x138: {  	[sflag:s22] =	ssyncset.done $0x0  }
0x139: {  	[sflag:s22] =	ssyncadd.s32 $0xFFFFF000  }
0x13a: {  	s24 =	smov.u32 s19;
	_ =	swait.ge [sflag:s22], $0x800  }
0x13b: {  	s31 =	simm.s32 $0x600;
	s25 =	rddreg [dreg:$0x2];
	[sflag:s22] =	ssyncset.done $0x0  }
0x13c: {  	s14 =	simm.s32 $0x40;
	[sflag:s22] =	ssyncadd.s32 $0xFFFFF800;
	s25 =	sadd.s32 s24, s25  }
0x13d: {  	[hbm4b:s25+s14] =	stream.strided.scatter [tilespmem:s31], [sflag:$0x3], $0x8000, s28, s14, $0x38;
	[tilespmem:$0x1CC00] =	vst v63  }
0x13e: {  	s30 =	simm.s32 $0x20;
	s0 =	simm.s32 $0x8600;
	s29 =	sadd.s32 $0x8, s25  }
0x13f: {  	[hbm4b:s29+s30] =	stream.strided.scatter [tilespmem:s0], [sflag:$0x3], $0x4000, s28, s30, $0x38;
	[tilespmem:$0x1CC00] =	vst v63  }
0x140: {  	s15 =	simm.s32 $0x10;
	s1 =	simm.s32 $0xC600;
	s25 =	sadd.s32 $0xC, s25  }
0x141: {  	[hbm4b:s25+s15] =	stream.strided.scatter [tilespmem:s1], [sflag:$0x3], $0x2000, s28, s15, $0x38;
	[tilespmem:$0x1CC00] =	vst v63  }
0x142: {  	_ =	swait.ge [sflag:s16], $0x2000  }
0x143: {  	[sflag:s16] =	ssyncset.done $0x0  }
0x144: {  	[sflag:s16] =	ssyncadd.s32 $0xFFFFE000  }
0x145: {  	_ =	swait.ge [sflag:s16], $0x1000  }
0x146: {  	[sflag:s16] =	ssyncset.done $0x0  }
0x147: {  	[sflag:s16] =	ssyncadd.s32 $0xFFFFF000  }
0x148: {  	_ =	swait.ge [sflag:s16], $0x800  }
0x149: {  	[sflag:s16] =	ssyncset.done $0x0  }
0x14a: {  	[sflag:s16] =	ssyncadd.s32 $0xFFFFF800  }
0x14b: {  	_ =	swait.ge [sflag:s16], $0x2000  }
0x14c: {  	[sflag:s16] =	ssyncset.done $0x0  }
0x14d: {  	[sflag:s16] =	ssyncadd.s32 $0xFFFFE000  }
0x14e: {  	_ =	swait.ge [sflag:s16], $0x1000  }
0x14f: {  	[sflag:s16] =	ssyncset.done $0x0  }
0x150: {  	[sflag:s16] =	ssyncadd.s32 $0xFFFFF000  }
0x151: {  	_ =	swait.ge [sflag:s16], $0x800  }
0x152: {  	[sflag:s16] =	ssyncset.done $0x0  }
0x153: {  	[sflag:s16] =	ssyncadd.s32 $0xFFFFF800  }
0x154: {  	_ =	swait.ge [sflag:s16], $0x2000  }
0x155: {  	[sflag:s16] =	ssyncset.done $0x0  }
0x156: {  	[sflag:s16] =	ssyncadd.s32 $0xFFFFE000  }
0x157: {  	_ =	swait.ge [sflag:s16], $0x1000  }
0x158: {  	[sflag:s16] =	ssyncset.done $0x0  }
0x159: {  	[sflag:s16] =	ssyncadd.s32 $0xFFFFF000  }
0x15a: {  	_ =	swait.ge [sflag:s16], $0x800  }
0x15b: {  	[sflag:s16] =	ssyncset.done $0x0  }
0x15c: {  	[sflag:s16] =	ssyncadd.s32 $0xFFFFF800  }
0x15d: {  	_ =	swait.ge [sflag:s16], $0x2000  }
0x15e: {  	[sflag:s16] =	ssyncset.done $0x0  }
0x15f: {  	[sflag:s16] =	ssyncadd.s32 $0xFFFFE000  }
0x160: {  	_ =	swait.ge [sflag:s16], $0x1000  }
0x161: {  	[sflag:s16] =	ssyncset.done $0x0  }
0x162: {  	[sflag:s16] =	ssyncadd.s32 $0xFFFFF000  }
0x163: {  	_ =	swait.ge [sflag:s16], $0x800  }
0x164: {  	s13 =	rddreg [dreg:$0x3]  }
0x165: {  	[sflag:s16] =	ssyncset.done $0x0;
	s24 =	sadd.s32 s24, s13  }
0x166: {  	[sflag:s16] =	ssyncadd.s32 $0xFFFFF800;
	s13 =	simm.s32 $0xEC00;
	s25 =	sadd.s32 $0x2000, s24  }
0x167: {  	[hbm4b:s25+s14] =	stream.strided.scatter [tilespmem:s13], [sflag:$0x6], $0x8000, s28, s14, $0x38;
	[tilespmem:$0x1CC00] =	vst v63  }
0x168: {  	s23 =	simm.s32 $0x16C00;
	s14 =	sadd.s32 $0x2008, s24  }
0x169: {  	[hbm4b:s14+s30] =	stream.strided.scatter [tilespmem:s23], [sflag:$0x6], $0x4000, s28, s30, $0x38;
	[tilespmem:$0x1CC00] =	vst v63  }
0x16a: {  	s24 =	sadd.s32 $0x200C, s24;
	s14 =	simm.s32 $0x1AC00  }
0x16b: {  	[hbm4b:s24+s15] =	stream.strided.scatter [tilespmem:s14], [sflag:$0x6], $0x2000, s28, s15, $0x38;
	[tilespmem:$0x1CC00] =	vst v63  }
0x16c: {  	_ =	swait.ge [sflag:s17], $0x8000  }
0x16d: {  	[sflag:s17] =	ssyncset.done $0x0  }
0x16e: {  	[sflag:s17] =	ssyncadd.s32 $0xFFFF8000  }
0x16f: {  	_ =	swait.ge [sflag:s17], $0x4000  }
0x170: {  	[sflag:s17] =	ssyncset.done $0x0  }
0x171: {  	[sflag:s17] =	ssyncadd.s32 $0xFFFFC000  }
0x172: {  	_ =	swait.ge [sflag:s17], $0x2000  }
0x173: {  	[sflag:s17] =	ssyncset.done $0x0  }
0x174: {  	s15 =	sadd.s32 s21, s3;
	[sflag:s17] =	ssyncadd.s32 $0xFFFFE000  }
0x175: {  	[tilespmem:s2], [sflag:$0x1] =	stream.linear.gather [hbm4b:s15+s2], $0x200, $0x38;
	[tilespmem:$0x1CC00] =	vst v63  }
0x176: {  	s9 =	sadd.s32 s21, s4;
	s25 =	simm.s32 $0x200  }
0x177: {  	[tilespmem:s25], [sflag:$0x1] =	stream.linear.gather [hbm4b:s9+s2], $0x200, $0x38;
	[tilespmem:$0x1CC00] =	vst v63  }
0x178: {  	s29 =	simm.s32 $0x400;
	s15 =	sadd.s32 s21, s5  }
0x179: {  	[tilespmem:s29], [sflag:$0x1] =	stream.linear.gather [hbm4b:s15+s2], $0x200, $0x38;
	[tilespmem:$0x1CC00] =	vst v63  }
0x17a: {  	_ =	swait.ge [sflag:s26], $0x200  }
0x17b: {  	[sflag:s26] =	ssyncset.done $0x0  }
0x17c: {  	[sflag:s26] =	ssyncadd.s32 $0xFFFFFE00  }
0x17d: {  	_ =	swait.ge [sflag:s26], $0x200  }
0x17e: {  	[sflag:s26] =	ssyncset.done $0x0  }
0x17f: {  	[sflag:s26] =	ssyncadd.s32 $0xFFFFFE00  }
0x180: {  	_ =	swait.ge [sflag:s26], $0x200  }
0x181: {  	[sflag:s26] =	ssyncset.done $0x0  }
0x182: {  	[sflag:s26] =	ssyncadd.s32 $0xFFFFFE00  }
0x183: {  	[tilespmem:s31], [sflag:$0x2] =	stream.indirect.gather [hbm4b:s6+s28], $0x40, s2, s28, $0xb8;
	[tilespmem:$0x1CC00] =	vst v63  }
0x184: {  	_ = 	snop  }
0x185: {  	[tilespmem:s0], [sflag:$0x2] =	stream.indirect.gather [hbm4b:s7+s28], $0x20, s25, s28, $0xb8;
	[tilespmem:$0x1CC00] =	vst v63  }
0x186: {  	_ = 	snop  }
0x187: {  	[tilespmem:s1], [sflag:$0x2] =	stream.indirect.gather [hbm4b:s8+s28], $0x10, s29, s28, $0xb8;
	[tilespmem:$0x1CC00] =	vst v63  }
0x188: {  	s1 =	simm.s32 $0x2600  }
0x189: {  	[tilespmem:s1], [sflag:$0x2] =	stream.indirect.gather [hbm4b:s6+s28], $0x40, s28, s28, $0xb8;
	[tilespmem:$0x1CC00] =	vst v63  }
0x18a: {  	s24 =	simm.s32 $0x280;
	s9 =	simm.s32 $0x9600  }
0x18b: {  	[tilespmem:s9], [sflag:$0x2] =	stream.indirect.gather [hbm4b:s7+s28], $0x20, s24, s28, $0xb8;
	[tilespmem:$0x1CC00] =	vst v63  }
0x18c: {  	s15 =	simm.s32 $0x480;
	s9 =	simm.s32 $0xCE00  }
0x18d: {  	[tilespmem:s9], [sflag:$0x2] =	stream.indirect.gather [hbm4b:s8+s28], $0x10, s15, s28, $0xb8;
	[tilespmem:$0x1CC00] =	vst v63  }
0x18e: {  	s15 =	simm.s32 $0x100;
	s9 =	simm.s32 $0x4600  }
0x18f: {  	[tilespmem:s9], [sflag:$0x2] =	stream.indirect.gather [hbm4b:s6+s28], $0x40, s15, s28, $0xb8;
	[tilespmem:$0x1CC00] =	vst v63  }
0x190: {  	s24 =	simm.s32 $0x300;
	s9 =	simm.s32 $0xA600  }
0x191: {  	[tilespmem:s9], [sflag:$0x2] =	stream.indirect.gather [hbm4b:s7+s28], $0x20, s24, s28, $0xb8;
	[tilespmem:$0x1CC00] =	vst v63  }
0x192: {  	s24 =	simm.s32 $0x500;
	s9 =	simm.s32 $0xD600  }
0x193: {  	[tilespmem:s9], [sflag:$0x2] =	stream.indirect.gather [hbm4b:s8+s28], $0x10, s24, s28, $0xb8;
	[tilespmem:$0x1CC00] =	vst v63  }
0x194: {  	s24 =	simm.s32 $0x180;
	s9 =	simm.s32 $0x6600  }
0x195: {  	[tilespmem:s9], [sflag:$0x2] =	stream.indirect.gather [hbm4b:s6+s28], $0x40, s24, s28, $0xb8;
	[tilespmem:$0x1CC00] =	vst v63  }
0x196: {  	s24 =	simm.s32 $0x380;
	s9 =	simm.s32 $0xB600  }
0x197: {  	[tilespmem:s9], [sflag:$0x2] =	stream.indirect.gather [hbm4b:s7+s28], $0x20, s24, s28, $0xb8;
	[tilespmem:$0x1CC00] =	vst v63  }
0x198: {  	s24 =	simm.s32 $0x580;
	s9 =	simm.s32 $0xDE00  }
0x199: {  	[tilespmem:s9], [sflag:$0x2] =	stream.indirect.gather [hbm4b:s8+s28], $0x10, s24, s28, $0xb8;
	[tilespmem:$0x1CC00] =	vst v63  }
0x19a: {  	_ =	swait.ge [sflag:s18], $0x8000  }
0x19b: {  	[sflag:s18] =	ssyncset.done $0x0  }
0x19c: {  	[sflag:s18] =	ssyncadd.s32 $0xFFFF8000  }
0x19d: {  	_ =	swait.ge [sflag:s18], $0x4000  }
0x19e: {  	[sflag:s18] =	ssyncset.done $0x0  }
0x19f: {  	[sflag:s18] =	ssyncadd.s32 $0xFFFFC000  }
0x1a0: {  	_ =	swait.ge [sflag:s18], $0x2000  }
0x1a1: {  	[sflag:s18] =	ssyncset.done $0x0  }
0x1a2: {  	s15 =	sadd.s32 s20, s3;
	s9 =	simm.s32 $0xE600;
	[sflag:s18] =	ssyncadd.s32 $0xFFFFE000  }
0x1a3: {  	[tilespmem:s9], [sflag:$0x4] =	stream.linear.gather [hbm4b:s15+s2], $0x200, $0x38;
	[tilespmem:$0x1CC00] =	vst v63  }
0x1a4: {  	s15 =	sadd.s32 s20, s4  }
0x1a5: {  	[tilespmem:s11], [sflag:$0x4] =	stream.linear.gather [hbm4b:s15+s2], $0x200, $0x38;
	[tilespmem:$0x1CC00] =	vst v63  }
0x1a6: {  	s15 =	sadd.s32 s20, s5  }
0x1a7: {  	[tilespmem:s12], [sflag:$0x4] =	stream.linear.gather [hbm4b:s15+s2], $0x200, $0x38;
	[tilespmem:$0x1CC00] =	vst v63  }
0x1a8: {  	_ =	swait.ge [sflag:s10], $0x200  }
0x1a9: {  	[sflag:s10] =	ssyncset.done $0x0  }
0x1aa: {  	[sflag:s10] =	ssyncadd.s32 $0xFFFFFE00  }
0x1ab: {  	_ =	swait.ge [sflag:s10], $0x200  }
0x1ac: {  	[sflag:s10] =	ssyncset.done $0x0  }
0x1ad: {  	[sflag:s10] =	ssyncadd.s32 $0xFFFFFE00  }
0x1ae: {  	_ =	swait.ge [sflag:s10], $0x200  }
0x1af: {  	[sflag:s10] =	ssyncset.done $0x0  }
0x1b0: {  	[sflag:s10] =	ssyncadd.s32 $0xFFFFFE00  }
0x1b1: {  	[tilespmem:s13], [sflag:$0x5] =	stream.indirect.gather [hbm4b:s6+s28], $0x40, s9, s28, $0xb8;
	[tilespmem:$0x1CC00] =	vst v63  }
0x1b2: {  	_ = 	snop  }
0x1b3: {  	[tilespmem:s23], [sflag:$0x5] =	stream.indirect.gather [hbm4b:s7+s28], $0x20, s11, s28, $0xb8;
	[tilespmem:$0x1CC00] =	vst v63  }
0x1b4: {  	_ = 	snop  }
0x1b5: {  	[tilespmem:s14], [sflag:$0x5] =	stream.indirect.gather [hbm4b:s8+s28], $0x10, s12, s28, $0xb8;
	[tilespmem:$0x1CC00] =	vst v63  }
0x1b6: {  	p0 =	sne.s32 s19, $0x5C000;
	s9 =	simm.s32 $0x10C00;
	s14 =	simm.s32 $0xE680  }
0x1b7: {  	[tilespmem:s9], [sflag:$0x5] =	stream.indirect.gather [hbm4b:s6+s28], $0x40, s14, s28, $0xb8;
	[tilespmem:$0x1CC00] =	vst v63  }
0x1b8: {  	s19 =	sadd.s32 $0x4000, s19;
	s15 =	simm.s32 $0xE880;
	s9 =	simm.s32 $0x17C00  }
0x1b9: {  	[tilespmem:s9], [sflag:$0x5] =	stream.indirect.gather [hbm4b:s7+s28], $0x20, s15, s28, $0xb8;
	[tilespmem:$0x1CC00] =	vst v63  }
0x1ba: {  	s30 =	simm.s32 $0x600;
	s9 =	simm.s32 $0xEA80;
	s15 =	simm.s32 $0x1B400  }
0x1bb: {  	[tilespmem:s15], [sflag:$0x5] =	stream.indirect.gather [hbm4b:s8+s28], $0x10, s9, s28, $0xb8;
	[tilespmem:$0x1CC00] =	vst v63  }
0x1bc: {  	s21 =	sadd.s32 $0x80, s21;
	s9 =	simm.s32 $0xE700;
	s15 =	simm.s32 $0x12C00  }
0x1bd: {  	[tilespmem:s15], [sflag:$0x5] =	stream.indirect.gather [hbm4b:s6+s28], $0x40, s9, s28, $0xb8;
	[tilespmem:$0x1CC00] =	vst v63  }
0x1be: {  	s31 =	simm.s32 $0x8600;
	s9 =	simm.s32 $0xE900;
	s15 =	simm.s32 $0x18C00  }
0x1bf: {  	[tilespmem:s15], [sflag:$0x5] =	stream.indirect.gather [hbm4b:s7+s28], $0x20, s9, s28, $0xb8;
	[tilespmem:$0x1CC00] =	vst v63  }
0x1c0: {  	s0 =	simm.s32 $0xC600;
	s9 =	simm.s32 $0xEB00;
	s15 =	simm.s32 $0x1BC00  }
0x1c1: {  	[tilespmem:s15], [sflag:$0x5] =	stream.indirect.gather [hbm4b:s8+s28], $0x10, s9, s28, $0xb8;
	[tilespmem:$0x1CC00] =	vst v63  }
.Ltmp0:
0x1c2: {  	s24 =	simm.s32 $0xEC00;
	s20 =	sadd.s32 $0x80, s20;
	(pc) =	sbr.rel @p0 .LBB2_2-.Ltmp0, $4  }
0x1c3: {  	s13 =	simm.s32 $0x16C00;
	s9 =	simm.s32 $0xE780;
	s15 =	simm.s32 $0x14C00  }
0x1c4: {  	[tilespmem:s15], [sflag:$0x5] =	stream.indirect.gather [hbm4b:s6+s28], $0x40, s9, s28, $0xb8;
	[tilespmem:$0x1CC00] =	vst v63  }
0x1c5: {  	s23 =	simm.s32 $0x1AC00;
	s9 =	simm.s32 $0xE980;
	s15 =	simm.s32 $0x19C00  }
0x1c6: {  	[tilespmem:s15], [sflag:$0x5] =	stream.indirect.gather [hbm4b:s7+s28], $0x20, s9, s28, $0xb8;
	[tilespmem:$0x1CC00] =	vst v63  }
0x1c7: {  	s9 =	simm.s32 $0xEB80;
	s11 =	simm.s32 $0x1C400  }
0x1c8: {  	[tilespmem:s11], [sflag:$0x5] =	stream.indirect.gather [hbm4b:s8+s28], $0x10, s9, s28, $0xb8;
	[tilespmem:$0x1CC00] =	vst v63  }
0x1c9: {  	_ =	swait.ge [sflag:s22], $0x2000  }
0x1ca: {  	[sflag:s22] =	ssyncset.done $0x0  }
0x1cb: {  	[sflag:s22] =	ssyncadd.s32 $0xFFFFE000  }
0x1cc: {  	_ =	swait.ge [sflag:s22], $0x1000  }
0x1cd: {  	[sflag:s22] =	ssyncset.done $0x0  }
0x1ce: {  	[sflag:s22] =	ssyncadd.s32 $0xFFFFF000  }
0x1cf: {  	_ =	swait.ge [sflag:s22], $0x800  }
0x1d0: {  	[sflag:s22] =	ssyncset.done $0x0  }
0x1d1: {  	[sflag:s22] =	ssyncadd.s32 $0xFFFFF800  }
0x1d2: {  	_ =	swait.ge [sflag:s22], $0x2000  }
0x1d3: {  	[sflag:s22] =	ssyncset.done $0x0  }
0x1d4: {  	[sflag:s22] =	ssyncadd.s32 $0xFFFFE000  }
0x1d5: {  	_ =	swait.ge [sflag:s22], $0x1000  }
0x1d6: {  	[sflag:s22] =	ssyncset.done $0x0  }
0x1d7: {  	[sflag:s22] =	ssyncadd.s32 $0xFFFFF000  }
0x1d8: {  	_ =	swait.ge [sflag:s22], $0x800  }
0x1d9: {  	[sflag:s22] =	ssyncset.done $0x0  }
0x1da: {  	[sflag:s22] =	ssyncadd.s32 $0xFFFFF800  }
0x1db: {  	_ =	swait.ge [sflag:s22], $0x2000  }
0x1dc: {  	[sflag:s22] =	ssyncset.done $0x0  }
0x1dd: {  	[sflag:s22] =	ssyncadd.s32 $0xFFFFE000  }
0x1de: {  	_ =	swait.ge [sflag:s22], $0x1000  }
0x1df: {  	[sflag:s22] =	ssyncset.done $0x0  }
0x1e0: {  	[sflag:s22] =	ssyncadd.s32 $0xFFFFF000  }
0x1e1: {  	_ =	swait.ge [sflag:s22], $0x800  }
0x1e2: {  	[sflag:s22] =	ssyncset.done $0x0  }
0x1e3: {  	[sflag:s22] =	ssyncadd.s32 $0xFFFFF800  }
0x1e4: {  	_ =	swait.ge [sflag:s22], $0x2000  }
0x1e5: {  	[sflag:s22] =	ssyncset.done $0x0  }
0x1e6: {  	[sflag:s22] =	ssyncadd.s32 $0xFFFFE000  }
0x1e7: {  	_ =	swait.ge [sflag:s22], $0x1000  }
0x1e8: {  	[sflag:s22] =	ssyncset.done $0x0  }
0x1e9: {  	[sflag:s22] =	ssyncadd.s32 $0xFFFFF000  }
0x1ea: {  	_ =	swait.ge [sflag:s22], $0x800  }
0x1eb: {  	[sflag:s22] =	ssyncset.done $0x0  }
0x1ec: {  	s11 =	simm.s32 $0x40;
	s19 =	rddreg [dreg:$0xa];
	[sflag:s22] =	ssyncadd.s32 $0xFFFFF800  }
0x1ed: {  	[hbm4b:s19+s11] =	stream.strided.scatter [tilespmem:s30], [sflag:$0x3], $0x8000, s28, s11, $0x38;
	[tilespmem:$0x1CC00] =	vst v63  }
0x1ee: {  	s21 =	simm.s32 $0x20;
	s20 =	rddreg [dreg:$0xb]  }
0x1ef: {  	[hbm4b:s20+s21] =	stream.strided.scatter [tilespmem:s31], [sflag:$0x3], $0x4000, s28, s21, $0x38;
	[tilespmem:$0x1CC00] =	vst v63  }
0x1f0: {  	s12 =	simm.s32 $0x10;
	s30 =	rddreg [dreg:$0xc]  }
0x1f1: {  	[hbm4b:s30+s12] =	stream.strided.scatter [tilespmem:s0], [sflag:$0x3], $0x2000, s28, s12, $0x38;
	[tilespmem:$0x1CC00] =	vst v63  }
0x1f2: {  	_ =	swait.ge [sflag:s16], $0x2000  }
0x1f3: {  	[sflag:s16] =	ssyncset.done $0x0  }
0x1f4: {  	[sflag:s16] =	ssyncadd.s32 $0xFFFFE000  }
0x1f5: {  	_ =	swait.ge [sflag:s16], $0x1000  }
0x1f6: {  	[sflag:s16] =	ssyncset.done $0x0  }
0x1f7: {  	[sflag:s16] =	ssyncadd.s32 $0xFFFFF000  }
0x1f8: {  	_ =	swait.ge [sflag:s16], $0x800  }
0x1f9: {  	[sflag:s16] =	ssyncset.done $0x0  }
0x1fa: {  	[sflag:s16] =	ssyncadd.s32 $0xFFFFF800  }
0x1fb: {  	_ =	swait.ge [sflag:s16], $0x2000  }
0x1fc: {  	[sflag:s16] =	ssyncset.done $0x0  }
0x1fd: {  	[sflag:s16] =	ssyncadd.s32 $0xFFFFE000  }
0x1fe: {  	_ =	swait.ge [sflag:s16], $0x1000  }
0x1ff: {  	[sflag:s16] =	ssyncset.done $0x0  }
0x200: {  	[sflag:s16] =	ssyncadd.s32 $0xFFFFF000  }
0x201: {  	_ =	swait.ge [sflag:s16], $0x800  }
0x202: {  	[sflag:s16] =	ssyncset.done $0x0  }
0x203: {  	[sflag:s16] =	ssyncadd.s32 $0xFFFFF800  }
0x204: {  	_ =	swait.ge [sflag:s16], $0x2000  }
0x205: {  	[sflag:s16] =	ssyncset.done $0x0  }
0x206: {  	[sflag:s16] =	ssyncadd.s32 $0xFFFFE000  }
0x207: {  	_ =	swait.ge [sflag:s16], $0x1000  }
0x208: {  	[sflag:s16] =	ssyncset.done $0x0  }
0x209: {  	[sflag:s16] =	ssyncadd.s32 $0xFFFFF000  }
0x20a: {  	_ =	swait.ge [sflag:s16], $0x800  }
0x20b: {  	[sflag:s16] =	ssyncset.done $0x0  }
0x20c: {  	[sflag:s16] =	ssyncadd.s32 $0xFFFFF800  }
0x20d: {  	_ =	swait.ge [sflag:s16], $0x2000  }
0x20e: {  	[sflag:s16] =	ssyncset.done $0x0  }
0x20f: {  	[sflag:s16] =	ssyncadd.s32 $0xFFFFE000  }
0x210: {  	_ =	swait.ge [sflag:s16], $0x1000  }
0x211: {  	[sflag:s16] =	ssyncset.done $0x0  }
0x212: {  	[sflag:s16] =	ssyncadd.s32 $0xFFFFF000  }
0x213: {  	_ =	swait.ge [sflag:s16], $0x800  }
0x214: {  	[sflag:s16] =	ssyncset.done $0x0  }
0x215: {  	s15 =	rddreg [dreg:$0xd];
	[sflag:s16] =	ssyncadd.s32 $0xFFFFF800  }
0x216: {  	[hbm4b:s15+s11] =	stream.strided.scatter [tilespmem:s24], [sflag:$0x6], $0x8000, s28, s11, $0x38;
	[tilespmem:$0x1CC00] =	vst v63  }
0x217: {  	s20 =	rddreg [dreg:$0xe]  }
0x218: {  	[hbm4b:s20+s21] =	stream.strided.scatter [tilespmem:s13], [sflag:$0x6], $0x4000, s28, s21, $0x38;
	[tilespmem:$0x1CC00] =	vst v63  }
0x219: {  	s21 =	rddreg [dreg:$0xf]  }
0x21a: {  	[hbm4b:s21+s12] =	stream.strided.scatter [tilespmem:s23], [sflag:$0x6], $0x2000, s28, s12, $0x38;
	[tilespmem:$0x1CC00] =	vst v63  }
0x21b: {  	_ =	swait.ge [sflag:s17], $0x8000  }
0x21c: {  	[sflag:s17] =	ssyncset.done $0x0  }
0x21d: {  	[sflag:s17] =	ssyncadd.s32 $0xFFFF8000  }
0x21e: {  	_ =	swait.ge [sflag:s17], $0x4000  }
0x21f: {  	[sflag:s17] =	ssyncset.done $0x0  }
0x220: {  	[sflag:s17] =	ssyncadd.s32 $0xFFFFC000  }
0x221: {  	_ =	swait.ge [sflag:s17], $0x2000  }
0x222: {  	[sflag:s17] =	ssyncset.done $0x0  }
0x223: {  	[sflag:s17] =	ssyncadd.s32 $0xFFFFE000  }
0x224: {  	_ =	swait.ge [sflag:s18], $0x8000  }
0x225: {  	[sflag:s18] =	ssyncset.done $0x0  }
0x226: {  	[sflag:s18] =	ssyncadd.s32 $0xFFFF8000  }
0x227: {  	_ =	swait.ge [sflag:s18], $0x4000  }
0x228: {  	[sflag:s18] =	ssyncset.done $0x0  }
0x229: {  	[sflag:s18] =	ssyncadd.s32 $0xFFFFC000  }
0x22a: {  	_ =	swait.ge [sflag:s18], $0x2000  }
0x22b: {  	s24 =	rddreg [dreg:$0x13]  }
0x22c: {  	s30 =	rddreg [dreg:$0x10];
	s0 =	sadd.s32 $0x1, s24  }
0x22d: {  	p0 =	sne.s32 s0, s30  }
.Ltmp1:
0x22e: {  	_ = 	snop;
	(pc) =	sbr.rel @p0 .LBB2_1-.Ltmp1, $3  }
0x22f: {  	_ =	sdelay $0x1  }
0x230: {  	s31 =	simm.s32 $0x280;
	[sflag:s18] =	ssyncset.done $0x0  }
0x231: {  	s20 =	simm.s32 $0x9600;
	s21 =	simm.s32 $0x480;
	[sflag:s18] =	ssyncadd.s32 $0xFFFFE000  }
0x232: {  	_ =	sfence.sel $0x180000  }
0x233: {  	[bflag:$0x0] =	sbarrier.arrive $0xFFFF  }
0x234: {  	_ =	strace $0x90000047  }
0x235: {  	s0 =	stileid.u32;
	[bflag:$0x2] =	sbarrier.arrive $0xFFFF  }
0x236: {  	p0 =	sne.s32 s0, $0x0;
	s0 =	rddreg [dreg:$0x1]  }
0x237: {  	s0 =	sadd.s32 @!p0 $0x100000, s0  }
0x238: {  	[sflag:s0] =	ssyncadd.tile.s32 @!p0 $0x1;
	_ =	shalt  }
.Lfunc_end2:
_tile_overlayer_lowered:
.L_overlay_start_2:
0x239: {  	(tag) =	ssettag $0x2  }
0x23a: {  	s0 =	rddreg [dreg:$0x0];
	s2 =	stileid.u32  }
0x23b: {  	s1 =	rddreg [dreg:$0x1];
	p0 =	sne.s32 s2, $0x0  }
0x23c: {  	s3 =	rddreg [dreg:$0x2];
	[bflag:$0x3] =	sbarrier.arrive $0xFFFF;
	s2 =	simm.s32 @!p0 $0x1C07  }
0x23d: {  	[timem:s3], [sflag:s2] =	dma.local @!p0 [hbm:s0], s1  }
0x23e: {  	s0 =	simm.s32 @!p0 $0x7  }
0x23f: {  	_ =	swait.ge @!p0 [sflag:s0], s1  }
0x240: {  	s1 =	ssub.s32 @!p0 $0x0, s1;
	[sflag:s0] =	ssyncset.done @!p0 $0x0  }
0x241: {  	[sflag:s0] =	ssyncadd.s32 @!p0 s1  }
0x242: {  	[bflag:$0x3] =	sbarrier.arrive $0xFFFF  }
0x243: {  	_ =	shalt  }

</sc_bundles>
